<compile_context>
chip_gen: v7x
topology: tpu7x:2x2x1
jax: 0.10.2.dev20260603
libtpu: 0.0.44.dev20260713+nightly
codegen_flags: <defaults>
</compile_context>

<pallas_src>
import jax
import jax.numpy as jnp
from jax import lax
from jax.experimental import pallas as pl
from jax.experimental.pallas import tpu as pltpu
from jax.experimental.pallas import tpu_sc as plsc

NR = 10000
NR_P = 10240
NSUB = 1000
NSUB_P = 1024
D = 128
H = 128
OUTD = 32
ERR = 320000
ERS = 160000

NC = 2
NS = 16
NW = NC * NS

CW = 128
NCH_RR = 80
NCH_RS = 40
G_RR = 16
G_RS = 8
NB = 5
ERR_P = NW * NCH_RR * CW
ERS_P = NW * NCH_RS * CW
ROWS_R = NR_P // NS
ROWS_S = NSUB_P // NS

_MESH = plsc.VectorSubcoreMesh(
    core_axis_name="c", subcore_axis_name="s", num_cores=NC, num_subcores=NS
)

f32 = jnp.float32


def _gs_loop(table, acc, src3, dst3, wid, sblk, dblk, rows0, nb, g):

    def blk(b, carry):
        pltpu.sync_copy(src3.at[wid, pl.ds(b * g, g)], sblk)
        pltpu.sync_copy(dst3.at[wid, pl.ds(b * g, g)], dblk)

        def chunk(j, carry2):
            pltpu.sync_copy(table.at[sblk.at[j]], rows0)
            pltpu.sync_copy(rows0, acc.at[dblk.at[j]], add=True)
            return carry2

        lax.fori_loop(0, g, chunk, 0)
        return carry

    lax.fori_loop(0, nb, blk, 0)


def _hist_loop(ones_v, acc, dst3, wid, dblk, shist, nb, g):

    def blk(b, carry):
        pltpu.sync_copy(dst3.at[wid, pl.ds(b * g, g)], dblk)
        pending = []
        for j in range(g):
            pending.append(
                pltpu.async_copy(ones_v, acc.at[dblk.at[j]], shist, add=True))
        for p in pending:
            p.wait()
        return carry

    lax.fori_loop(0, nb, blk, 0)



def _sc_pass1_body(dst_rr3, src_rs3, dst_rs3, x_region, z_deg, z_cnt,
                   z_sum, ones_hbm, deg_out, cnt_out, sum1_out,
                   deg_acc, cnt_acc, sum_acc, ones_v,
                   dblk_rr, sblk, dblk, rows0, shist):
    c = lax.axis_index("c")
    s = lax.axis_index("s")
    wid = c * NS + s
    pltpu.sync_copy(ones_hbm, ones_v)
    pltpu.sync_copy(z_deg, deg_acc.at[pl.ds(s * ROWS_R, ROWS_R)])
    pltpu.sync_copy(z_cnt, cnt_acc.at[pl.ds(s * ROWS_S, ROWS_S)])
    pltpu.sync_copy(z_sum, sum_acc.at[pl.ds(s * ROWS_S, ROWS_S)])
    plsc.subcore_barrier()

    _hist_loop(ones_v, deg_acc, dst_rr3, wid, dblk_rr, shist, NB, G_RR)
    _hist_loop(ones_v, cnt_acc, dst_rs3, wid, dblk, shist, NB, G_RS)
    _gs_loop(x_region, sum_acc, src_rs3, dst_rs3, wid, sblk, dblk, rows0,
             NB, G_RS)

    plsc.subcore_barrier()
    pltpu.sync_copy(deg_acc.at[pl.ds(s * ROWS_R, ROWS_R)],
                    deg_out.at[c].at[pl.ds(s * ROWS_R, ROWS_R)])
    pltpu.sync_copy(cnt_acc.at[pl.ds(s * ROWS_S, ROWS_S)],
                    cnt_out.at[c].at[pl.ds(s * ROWS_S, ROWS_S)])
    pltpu.sync_copy(sum_acc.at[pl.ds(s * ROWS_S, ROWS_S)],
                    sum1_out.at[c].at[pl.ds(s * ROWS_S, ROWS_S)])


_sc_pass1 = pl.kernel(
    _sc_pass1_body,
    out_type=(
        jax.ShapeDtypeStruct((NC, NR_P, 16), f32),
        jax.ShapeDtypeStruct((NC, NSUB_P, 16), f32),
        jax.ShapeDtypeStruct((NC, NSUB_P, D), f32),
    ),
    mesh=_MESH,
    scratch_types=(
        pltpu.VMEM_SHARED((NR_P, 16), f32),
        pltpu.VMEM_SHARED((NSUB_P, 16), f32),
        pltpu.VMEM_SHARED((NSUB_P, D), f32),
        pltpu.VMEM((CW, 16), f32),
        pltpu.VMEM((G_RR, CW), jnp.int32),
        pltpu.VMEM((G_RS, CW), jnp.int32),
        pltpu.VMEM((G_RS, CW), jnp.int32),
        pltpu.VMEM((CW, D), f32),
        pltpu.SemaphoreType.DMA,
    ),
)



def _sc_agg_body(src_rr3, dst_rr3, y, z_agg, agg_out,
                 agg_acc, sblk, dblk, rows0):
    c = lax.axis_index("c")
    s = lax.axis_index("s")
    wid = c * NS + s
    pltpu.sync_copy(z_agg, agg_acc.at[pl.ds(s * ROWS_R, ROWS_R)])
    plsc.subcore_barrier()
    _gs_loop(y, agg_acc, src_rr3, dst_rr3, wid, sblk, dblk, rows0,
             NB, G_RR)
    plsc.subcore_barrier()
    pltpu.sync_copy(agg_acc.at[pl.ds(s * ROWS_R, ROWS_R)],
                    agg_out.at[c].at[pl.ds(s * ROWS_R, ROWS_R)])


_sc_agg = pl.kernel(
    _sc_agg_body,
    out_type=jax.ShapeDtypeStruct((NC, NR_P, D), f32),
    mesh=_MESH,
    scratch_types=(
        pltpu.VMEM_SHARED((NR_P, D), f32),
        pltpu.VMEM((G_RR, CW), jnp.int32),
        pltpu.VMEM((G_RR, CW), jnp.int32),
        pltpu.VMEM((CW, D), f32),
    ),
)



def _sc_sum_body(src_rs3, dst_rs3, rtab, z_sum, sum2_out,
                 sum_acc, sblk, dblk, rows0):
    c = lax.axis_index("c")
    s = lax.axis_index("s")
    wid = c * NS + s
    pltpu.sync_copy(z_sum, sum_acc.at[pl.ds(s * ROWS_S, ROWS_S)])
    plsc.subcore_barrier()
    _gs_loop(rtab, sum_acc, src_rs3, dst_rs3, wid, sblk, dblk, rows0,
             NB, G_RS)
    plsc.subcore_barrier()
    pltpu.sync_copy(sum_acc.at[pl.ds(s * ROWS_S, ROWS_S)],
                    sum2_out.at[c].at[pl.ds(s * ROWS_S, ROWS_S)])


_sc_sum = pl.kernel(
    _sc_sum_body,
    out_type=jax.ShapeDtypeStruct((NC, NSUB_P, D), f32),
    mesh=_MESH,
    scratch_types=(
        pltpu.VMEM_SHARED((NSUB_P, D), f32),
        pltpu.VMEM((G_RS, CW), jnp.int32),
        pltpu.VMEM((G_RS, CW), jnp.int32),
        pltpu.VMEM((CW, D), f32),
    ),
)



def _tc_a_body(deg_ref, cnt_ref, sum1_ref, xr_ref, xs_ref, wl_ref, wr_ref,
               b_ref, y1_ref, dis_ref, s1_ref, invc_ref):
    deg = deg_ref[0, :NR, 0:1] + deg_ref[1, :NR, 0:1] + 1.0
    dis = lax.rsqrt(deg)
    dis_ref[...] = dis
    y1_ref[...] = xr_ref[...] * dis
    cnt = cnt_ref[0, :NSUB, 0:1] + cnt_ref[1, :NSUB, 0:1]
    invc = 1.0 / jnp.maximum(cnt, 1.0)
    invc_ref[...] = invc
    mean1 = (sum1_ref[0, :NSUB, :] + sum1_ref[1, :NSUB, :]) * invc
    s1_ref[...] = (
        jnp.dot(mean1, wl_ref[...], preferred_element_type=f32)
        + jnp.dot(xs_ref[...], wr_ref[...], preferred_element_type=f32)
        + b_ref[...]
    )


def _tc_b_body(agg_ref, y1_ref, dis_ref, w_ref, b_ref, r1_ref, y2_ref):
    g = (agg_ref[0, :NR, :] + agg_ref[1, :NR, :] + y1_ref[...]) * dis_ref[...]
    r1 = jnp.dot(g, w_ref[...], preferred_element_type=f32) + b_ref[...]
    r1_ref[...] = r1
    y2_ref[...] = r1 * dis_ref[...]


def _tc_c_body(agg_ref, y2_ref, dis_ref, w2_ref, b2_ref,
               sum2_ref, invc_ref, s1_ref, wl2_ref, wr2_ref, bs2_ref,
               wlin_ref, blin_ref, outr_ref, outs_ref):
    g = (agg_ref[0, :NR, :] + agg_ref[1, :NR, :] + y2_ref[...]) * dis_ref[...]
    r2 = jnp.dot(g, w2_ref[...], preferred_element_type=f32) + b2_ref[...]
    outr_ref[...] = (
        jnp.dot(r2, wlin_ref[...], preferred_element_type=f32) + blin_ref[...]
    )
    mean2 = (sum2_ref[0, :NSUB, :] + sum2_ref[1, :NSUB, :]) * invc_ref[...]
    s2 = (
        jnp.dot(mean2, wl2_ref[...], preferred_element_type=f32)
        + jnp.dot(s1_ref[...], wr2_ref[...], preferred_element_type=f32)
        + bs2_ref[...]
    )
    outs_ref[...] = (
        jnp.dot(s2, wlin_ref[...], preferred_element_type=f32) + blin_ref[...]
    )


def _pad_edges(idx, total, pad_total, fill):
    pad = jnp.full((pad_total - total,), fill, jnp.int32)
    return jnp.concatenate([idx, pad])


def kernel(x_region, x_subject, edge_index_rr, edge_index_rs,
           W_gcn1, b_gcn1, W_sage_l1, W_sage_r1, b_sage1,
           W_gcn2, b_gcn2, W_sage_l2, W_sage_r2, b_sage2,
           W_lin, b_lin):
    src_rr = _pad_edges(edge_index_rr[0], ERR, ERR_P, 0)
    dst_rr = _pad_edges(edge_index_rr[1], ERR, ERR_P, NR)
    src_rs = _pad_edges(edge_index_rs[0], ERS, ERS_P, 0)
    dst_rs = _pad_edges(edge_index_rs[1], ERS, ERS_P, NSUB)
    src_rr = src_rr.reshape(NW, NCH_RR, CW)
    dst_rr = dst_rr.reshape(NW, NCH_RR, CW)
    src_rs = src_rs.reshape(NW, NCH_RS, CW)
    dst_rs = dst_rs.reshape(NW, NCH_RS, CW)

    z_deg = jnp.zeros((ROWS_R, 16), f32)
    z_cnt = jnp.zeros((ROWS_S, 16), f32)
    ones_hbm = jnp.ones((CW, 16), f32)
    z_sum = jnp.zeros((ROWS_S, D), f32)
    z_agg = jnp.zeros((ROWS_R, D), f32)

    deg_p, cnt_p, sum1_p = _sc_pass1(
        dst_rr, src_rs, dst_rs, x_region, z_deg, z_cnt, z_sum, ones_hbm
    )

    y1, dis, s1, invc = pl.pallas_call(
        _tc_a_body,
        out_shape=(
            jax.ShapeDtypeStruct((NR, D), f32),
            jax.ShapeDtypeStruct((NR, 1), f32),
            jax.ShapeDtypeStruct((NSUB, H), f32),
            jax.ShapeDtypeStruct((NSUB, 1), f32),
        ),
    )(deg_p, cnt_p, sum1_p, x_region, x_subject,
      W_sage_l1, W_sage_r1, b_sage1.reshape(1, H))

    agg1_p = _sc_agg(src_rr, dst_rr, y1, z_agg)

    r1, y2 = pl.pallas_call(
        _tc_b_body,
        out_shape=(
            jax.ShapeDtypeStruct((NR, H), f32),
            jax.ShapeDtypeStruct((NR, H), f32),
        ),
    )(agg1_p, y1, dis, W_gcn1, b_gcn1.reshape(1, H))

    agg2_p = _sc_agg(src_rr, dst_rr, y2, z_agg)
    sum2_p = _sc_sum(src_rs, dst_rs, r1, z_sum)

    out_region, out_subject = pl.pallas_call(
        _tc_c_body,
        out_shape=(
            jax.ShapeDtypeStruct((NR, OUTD), f32),
            jax.ShapeDtypeStruct((NSUB, OUTD), f32),
        ),
    )(agg2_p, y2, dis, W_gcn2, b_gcn2.reshape(1, H),
      sum2_p, invc, s1, W_sage_l2, W_sage_r2, b_sage2.reshape(1, H),
      W_lin, b_lin.reshape(1, OUTD))

    return (out_region, out_subject)

# --- scband reference (transcript-rebuilt; emitter-appended) ---
"""Pipeline reference for scband-hetero-gnn-22179211116859 (READ-ONLY COPY).

The authoritative reference and input builder live on the scoring server;
editing this copy changes nothing except your own understanding.
"""

import jax, jax.numpy as jnp
import numpy as np

N_REGION = 10000
N_SUBJECT = 1000
D = 128
H = 128
OUT = 32
E_RR = 320000
E_RS = 160000


def gcn(x, edge_index, W, b, num_nodes):
    # PyG GCNConv: add self-loops, symmetric deg normalization, linear, scatter-add
    src = edge_index[0]
    dst = edge_index[1]
    loop = jnp.arange(num_nodes, dtype=src.dtype)
    src = jnp.concatenate([src, loop])
    dst = jnp.concatenate([dst, loop])
    deg = jnp.zeros((num_nodes,), dtype=x.dtype).at[dst].add(1.0)
    deg_inv_sqrt = jnp.where(deg > 0, deg ** -0.5, 0.0)
    norm = deg_inv_sqrt[src] * deg_inv_sqrt[dst]
    xw = x @ W
    msg = xw[src] * norm[:, None]
    out = jnp.zeros((num_nodes, W.shape[1]), dtype=x.dtype).at[dst].add(msg)
    return out + b


def sage(x_src, x_dst, edge_index, W_l, W_r, b, num_dst):
    # PyG SAGEConv((-1,-1)), aggr='mean', root_weight=True
    src = edge_index[0]
    dst = edge_index[1]
    msg = x_src[src]
    summed = jnp.zeros((num_dst, x_src.shape[1]), dtype=x_src.dtype).at[dst].add(msg)
    cnt = jnp.zeros((num_dst,), dtype=x_src.dtype).at[dst].add(1.0)
    mean = summed / jnp.clip(cnt, 1.0)[:, None]
    return mean @ W_l + x_dst @ W_r + b


def setup_inputs(seed: int = 0) -> dict:
    key = jax.random.key(seed)
    ks = jax.random.split(key, 20)
    s = 1.0 / np.sqrt(D)
    inp = {}
    inp["x_region"] = jax.random.normal(ks[0], (N_REGION, D), dtype=jnp.float32)
    inp["x_subject"] = jax.random.normal(ks[1], (N_SUBJECT, D), dtype=jnp.float32)
    inp["edge_index_rr"] = jax.random.randint(ks[2], (2, E_RR), 0, N_REGION, dtype=jnp.int32)
    inp["edge_index_rs"] = jax.random.randint(ks[3], (2, E_RS), 0, N_SUBJECT, dtype=jnp.int32)
    # layer 1 params
    inp["W_gcn1"] = jax.random.normal(ks[4], (D, H), dtype=jnp.float32) * s
    inp["b_gcn1"] = jnp.zeros((H,), dtype=jnp.float32)
    inp["W_sage_l1"] = jax.random.normal(ks[5], (D, H), dtype=jnp.float32) * s
    inp["W_sage_r1"] = jax.random.normal(ks[6], (D, H), dtype=jnp.float32) * s
    inp["b_sage1"] = jnp.zeros((H,), dtype=jnp.float32)
    # layer 2 params
    inp["W_gcn2"] = jax.random.normal(ks[7], (H, H), dtype=jnp.float32) * s
    inp["b_gcn2"] = jnp.zeros((H,), dtype=jnp.float32)
    inp["W_sage_l2"] = jax.random.normal(ks[8], (H, H), dtype=jnp.float32) * s
    inp["W_sage_r2"] = jax.random.normal(ks[9], (H, H), dtype=jnp.float32) * s
    inp["b_sage2"] = jnp.zeros((H,), dtype=jnp.float32)
    # output linear (shared across node types)
    inp["W_lin"] = jax.random.normal(ks[10], (H, OUT), dtype=jnp.float32) * (1.0 / np.sqrt(H))
    inp["b_lin"] = jnp.zeros((OUT,), dtype=jnp.float32)
    return inp


def reference(x_region, x_subject, edge_index_rr, edge_index_rs,
              W_gcn1, b_gcn1, W_sage_l1, W_sage_r1, b_sage1,
              W_gcn2, b_gcn2, W_sage_l2, W_sage_r2, b_sage2,
              W_lin, b_lin):
    # layer 1: HeteroConv(aggr='sum'); region only receives from GCN(rr), subject only from SAGE(rs)
    r1 = gcn(x_region, edge_index_rr, W_gcn1, b_gcn1, N_REGION)
    s1 = sage(x_region, x_subject, edge_index_rs, W_sage_l1, W_sage_r1, b_sage1, N_SUBJECT)
    # layer 2
    r2 = gcn(r1, edge_index_rr, W_gcn2, b_gcn2, N_REGION)
    s2 = sage(r1, s1, edge_index_rs, W_sage_l2, W_sage_r2, b_sage2, N_SUBJECT)
    # shared output linear applied per node type
    out_region = r2 @ W_lin + b_lin
    out_subject = s2 @ W_lin + b_lin
    return (out_region, out_subject)

if __name__ == "__main__":
    import jax
    _d = setup_inputs()
    print(jax.jit(kernel)(*tuple(_d.values())))

</pallas_src>

<mosaic_0001>
#map = affine_map<(d0, d1) -> (0, 0, 0)>
#map1 = affine_map<(d0, d1) -> (0, 0)>
module attributes {stable_mosaic.version = 14 : i64} {
  func.func @_sc_sum_body(%arg0: i32, %arg1: i32, %arg2: memref<32x40x128xi32, #tpu.memory_space<hbm>>, %arg3: memref<32x40x128xi32, #tpu.memory_space<hbm>>, %arg4: memref<10000x128xf32, #tpu.memory_space<hbm>>, %arg5: memref<64x128xf32, #tpu.memory_space<hbm>>, %arg6: memref<2x1024x128xf32, #tpu.memory_space<hbm>>, %arg7: memref<1024x128xf32, #tpu.memory_space<vmem_shared>>, %arg8: memref<8x128xi32, #tpu.memory_space<vmem>>, %arg9: memref<8x128xi32, #tpu.memory_space<vmem>>, %arg10: memref<128x128xf32, #tpu.memory_space<vmem>>) attributes {dimension_semantics = [#tpu.dimension_semantics<core_parallel>, #tpu.dimension_semantics<subcore_parallel>], iteration_bounds = array<i64: 2, 16>, scalar_prefetch = 0 : i64, scratch_operands = 4 : i64, tpu.core_type = #tpu.core_type<sc_vector_subcore>, window_params = [{transform_indices = #map}, {transform_indices = #map}, {transform_indices = #map1}, {transform_indices = #map1}, {transform_indices = #map}]} {
    %mul3A = arith.constant 16 : i32
    %mul3A_0 = arith.muli %arg0, %mul3A : i32
    %add3A = arith.addi %mul3A_0, %arg1 : i32
    %mul3A_1 = arith.constant 64 : i32
    %mul3A_2 = arith.muli %arg1, %mul3A_1 : i32
    "tpu.region"() ({
      %run_scoped3A = tpu.sem_alloc : memref<!tpu.dma_semaphore, #tpu.memory_space<semaphore_mem>>
      %dma_start3A = arith.constant 0 : i32
      %dma_start3A_13 = tpu.memref_slice %arg7[%mul3A_2, %dma_start3A] : memref<1024x128xf32, #tpu.memory_space<vmem_shared>> -> memref<64x128xf32, #tpu.memory_space<vmem_shared>>
      tpu.enqueue_dma source(%arg5 : memref<64x128xf32, #tpu.memory_space<hbm>>) target(%dma_start3A_13 : memref<64x128xf32, #tpu.memory_space<vmem_shared>>) target_semaphore(%run_scoped3A : memref<!tpu.dma_semaphore, #tpu.memory_space<semaphore_mem>>)
      %dma_wait3A = arith.constant 0 : i32
      %dma_wait3A_14 = tpu.memref_slice %arg7[%mul3A_2, %dma_wait3A] : memref<1024x128xf32, #tpu.memory_space<vmem_shared>> -> memref<64x128xf32, #tpu.memory_space<vmem_shared>>
      tpu.wait_dma2 semaphore(%run_scoped3A : memref<!tpu.dma_semaphore, #tpu.memory_space<semaphore_mem>>) src(%arg5 : memref<64x128xf32, #tpu.memory_space<hbm>>) dst(%dma_wait3A_14 : memref<64x128xf32, #tpu.memory_space<vmem_shared>>)
      tpu.yield
    }) : () -> ()
    %barrier3A = arith.constant 0 : index
    tpu.barrier barrier_id(%barrier3A)
    %scan3A = arith.constant 0 : i32
    %scan3A_3 = arith.constant 0 : i32
    %scan3A_4 = arith.constant 5 : i32
    %scan3A_5 = arith.addi %scan3A_3, %scan3A_4 : i32
    %scan3A_6 = arith.constant 1 : i32
    scf.for %scan3A_13 = %scan3A_3 to %scan3A_5 step %scan3A_6  : i32 {
      %mul3A_14 = arith.constant 8 : i32
      %mul3A_15 = arith.muli %scan3A_13, %mul3A_14 : i32
      "tpu.region"() ({
        %run_scoped3A = tpu.sem_alloc : memref<!tpu.dma_semaphore, #tpu.memory_space<semaphore_mem>>
        %dma_start3A = arith.constant 0 : i32
        %dma_start3A_24 = tpu.memref_slice %arg2[%add3A, %mul3A_15, %dma_start3A] : memref<32x40x128xi32, #tpu.memory_space<hbm>> -> memref<1x8x128xi32, #tpu.memory_space<hbm>>
        %dma_start3A_25 = tpu.memref_squeeze %dma_start3A_24 : memref<1x8x128xi32, #tpu.memory_space<hbm>> -> memref<8x128xi32, #tpu.memory_space<hbm>>
        %dma_start3A_26 = arith.constant 0 : i32
        %dma_start3A_27 = tpu.memref_slice %arg2[%add3A, %mul3A_15, %dma_start3A_26] : memref<32x40x128xi32, #tpu.memory_space<hbm>> -> memref<1x8x128xi32, #tpu.memory_space<hbm>>
        %dma_start3A_28 = tpu.memref_squeeze %dma_start3A_27 : memref<1x8x128xi32, #tpu.memory_space<hbm>> -> memref<8x128xi32, #tpu.memory_space<hbm>>
        tpu.enqueue_dma source(%dma_start3A_28 : memref<8x128xi32, #tpu.memory_space<hbm>>) target(%arg8 : memref<8x128xi32, #tpu.memory_space<vmem>>) target_semaphore(%run_scoped3A : memref<!tpu.dma_semaphore, #tpu.memory_space<semaphore_mem>>)
        %dma_wait3A = arith.constant 0 : i32
        %dma_wait3A_29 = tpu.memref_slice %arg2[%add3A, %mul3A_15, %dma_wait3A] : memref<32x40x128xi32, #tpu.memory_space<hbm>> -> memref<1x8x128xi32, #tpu.memory_space<hbm>>
        %dma_wait3A_30 = tpu.memref_squeeze %dma_wait3A_29 : memref<1x8x128xi32, #tpu.memory_space<hbm>> -> memref<8x128xi32, #tpu.memory_space<hbm>>
        %dma_wait3A_31 = arith.constant 0 : i32
        %dma_wait3A_32 = tpu.memref_slice %arg2[%add3A, %mul3A_15, %dma_wait3A_31] : memref<32x40x128xi32, #tpu.memory_space<hbm>> -> memref<1x8x128xi32, #tpu.memory_space<hbm>>
        %dma_wait3A_33 = tpu.memref_squeeze %dma_wait3A_32 : memref<1x8x128xi32, #tpu.memory_space<hbm>> -> memref<8x128xi32, #tpu.memory_space<hbm>>
        tpu.wait_dma2 semaphore(%run_scoped3A : memref<!tpu.dma_semaphore, #tpu.memory_space<semaphore_mem>>) src(%dma_wait3A_33 : memref<8x128xi32, #tpu.memory_space<hbm>>) dst(%arg8 : memref<8x128xi32, #tpu.memory_space<vmem>>)
        tpu.yield
      }) : () -> ()
      %mul3A_16 = arith.constant 8 : i32
      %mul3A_17 = arith.muli %scan3A_13, %mul3A_16 : i32
      "tpu.region"() ({
        %run_scoped3A = tpu.sem_alloc : memref<!tpu.dma_semaphore, #tpu.memory_space<semaphore_mem>>
        %dma_start3A = arith.constant 0 : i32
        %dma_start3A_24 = tpu.memref_slice %arg3[%add3A, %mul3A_17, %dma_start3A] : memref<32x40x128xi32, #tpu.memory_space<hbm>> -> memref<1x8x128xi32, #tpu.memory_space<hbm>>
        %dma_start3A_25 = tpu.memref_squeeze %dma_start3A_24 : memref<1x8x128xi32, #tpu.memory_space<hbm>> -> memref<8x128xi32, #tpu.memory_space<hbm>>
        %dma_start3A_26 = arith.constant 0 : i32
        %dma_start3A_27 = tpu.memref_slice %arg3[%add3A, %mul3A_17, %dma_start3A_26] : memref<32x40x128xi32, #tpu.memory_space<hbm>> -> memref<1x8x128xi32, #tpu.memory_space<hbm>>
        %dma_start3A_28 = tpu.memref_squeeze %dma_start3A_27 : memref<1x8x128xi32, #tpu.memory_space<hbm>> -> memref<8x128xi32, #tpu.memory_space<hbm>>
        tpu.enqueue_dma source(%dma_start3A_28 : memref<8x128xi32, #tpu.memory_space<hbm>>) target(%arg9 : memref<8x128xi32, #tpu.memory_space<vmem>>) target_semaphore(%run_scoped3A : memref<!tpu.dma_semaphore, #tpu.memory_space<semaphore_mem>>)
        %dma_wait3A = arith.constant 0 : i32
        %dma_wait3A_29 = tpu.memref_slice %arg3[%add3A, %mul3A_17, %dma_wait3A] : memref<32x40x128xi32, #tpu.memory_space<hbm>> -> memref<1x8x128xi32, #tpu.memory_space<hbm>>
        %dma_wait3A_30 = tpu.memref_squeeze %dma_wait3A_29 : memref<1x8x128xi32, #tpu.memory_space<hbm>> -> memref<8x128xi32, #tpu.memory_space<hbm>>
        %dma_wait3A_31 = arith.constant 0 : i32
        %dma_wait3A_32 = tpu.memref_slice %arg3[%add3A, %mul3A_17, %dma_wait3A_31] : memref<32x40x128xi32, #tpu.memory_space<hbm>> -> memref<1x8x128xi32, #tpu.memory_space<hbm>>
        %dma_wait3A_33 = tpu.memref_squeeze %dma_wait3A_32 : memref<1x8x128xi32, #tpu.memory_space<hbm>> -> memref<8x128xi32, #tpu.memory_space<hbm>>
        tpu.wait_dma2 semaphore(%run_scoped3A : memref<!tpu.dma_semaphore, #tpu.memory_space<semaphore_mem>>) src(%dma_wait3A_33 : memref<8x128xi32, #tpu.memory_space<hbm>>) dst(%arg9 : memref<8x128xi32, #tpu.memory_space<vmem>>)
        tpu.yield
      }) : () -> ()
      %scan3A_18 = arith.constant 0 : i32
      %scan3A_19 = arith.constant 0 : i32
      %scan3A_20 = arith.constant 8 : i32
      %scan3A_21 = arith.addi %scan3A_19, %scan3A_20 : i32
      %scan3A_22 = arith.constant 1 : i32
      scf.for %scan3A_24 = %scan3A_19 to %scan3A_21 step %scan3A_22  : i32 {
        "tpu.region"() ({
          %run_scoped3A = tpu.sem_alloc : memref<!tpu.dma_semaphore, #tpu.memory_space<semaphore_mem>>
          %dma_start3A = arith.constant 0 : i32
          %dma_start3A_25 = tpu.memref_slice %arg8[%scan3A_24, %dma_start3A] : memref<8x128xi32, #tpu.memory_space<vmem>> -> memref<1x128xi32, #tpu.memory_space<vmem>>
          %dma_start3A_26 = tpu.memref_squeeze %dma_start3A_25 : memref<1x128xi32, #tpu.memory_space<vmem>> -> memref<128xi32, #tpu.memory_space<vmem>>
          %dma_start3A_27 = arith.constant 0 : i32
          %dma_start3A_28 = arith.constant 0 : i32
          %dma_start3A_29 = tpu.memref_slice %arg4[%dma_start3A_27, %dma_start3A_28] : memref<10000x128xf32, #tpu.memory_space<hbm>> -> memref<10000x128xf32, #tpu.memory_space<hbm>>
          tpu.enqueue_indirect_dma source(%dma_start3A_29 : memref<10000x128xf32, #tpu.memory_space<hbm>>) target(%arg10 : memref<128x128xf32, #tpu.memory_space<vmem>>) offsets(%dma_start3A_26 : memref<128xi32, #tpu.memory_space<vmem>>) semaphore(%run_scoped3A : memref<!tpu.dma_semaphore, #tpu.memory_space<semaphore_mem>>)
          %dma_wait3A = arith.constant 0 : i32
          %dma_wait3A_30 = tpu.memref_slice %arg8[%scan3A_24, %dma_wait3A] : memref<8x128xi32, #tpu.memory_space<vmem>> -> memref<1x128xi32, #tpu.memory_space<vmem>>
          %dma_wait3A_31 = tpu.memref_squeeze %dma_wait3A_30 : memref<1x128xi32, #tpu.memory_space<vmem>> -> memref<128xi32, #tpu.memory_space<vmem>>
          %dma_wait3A_32 = arith.constant 0 : i32
          %dma_wait3A_33 = arith.constant 0 : i32
          %dma_wait3A_34 = tpu.memref_slice %arg4[%dma_wait3A_32, %dma_wait3A_33] : memref<10000x128xf32, #tpu.memory_space<hbm>> -> memref<10000x128xf32, #tpu.memory_space<hbm>>
          tpu.wait_indirect_dma semaphore(%run_scoped3A : memref<!tpu.dma_semaphore, #tpu.memory_space<semaphore_mem>>) src(%dma_wait3A_34 : memref<10000x128xf32, #tpu.memory_space<hbm>>) dst(%arg10 : memref<128x128xf32, #tpu.memory_space<vmem>>)
          tpu.yield
        }) : () -> ()
        "tpu.region"() ({
          %run_scoped3A = tpu.sem_alloc : memref<!tpu.dma_semaphore, #tpu.memory_space<semaphore_mem>>
          %dma_start3A = arith.constant 0 : i32
          %dma_start3A_25 = tpu.memref_slice %arg9[%scan3A_24, %dma_start3A] : memref<8x128xi32, #tpu.memory_space<vmem>> -> memref<1x128xi32, #tpu.memory_space<vmem>>
          %dma_start3A_26 = tpu.memref_squeeze %dma_start3A_25 : memref<1x128xi32, #tpu.memory_space<vmem>> -> memref<128xi32, #tpu.memory_space<vmem>>
          %dma_start3A_27 = arith.constant 0 : i32
          %dma_start3A_28 = arith.constant 0 : i32
          %dma_start3A_29 = tpu.memref_slice %arg7[%dma_start3A_27, %dma_start3A_28] : memref<1024x128xf32, #tpu.memory_space<vmem_shared>> -> memref<1024x128xf32, #tpu.memory_space<vmem_shared>>
          tpu.enqueue_indirect_dma source(%arg10 : memref<128x128xf32, #tpu.memory_space<vmem>>) target(%dma_start3A_29 : memref<1024x128xf32, #tpu.memory_space<vmem_shared>>) offsets(%dma_start3A_26 : memref<128xi32, #tpu.memory_space<vmem>>) semaphore(%run_scoped3A : memref<!tpu.dma_semaphore, #tpu.memory_space<semaphore_mem>>) {add = true}
          %dma_wait3A = arith.constant 0 : i32
          %dma_wait3A_30 = tpu.memref_slice %arg9[%scan3A_24, %dma_wait3A] : memref<8x128xi32, #tpu.memory_space<vmem>> -> memref<1x128xi32, #tpu.memory_space<vmem>>
          %dma_wait3A_31 = tpu.memref_squeeze %dma_wait3A_30 : memref<1x128xi32, #tpu.memory_space<vmem>> -> memref<128xi32, #tpu.memory_space<vmem>>
          %dma_wait3A_32 = arith.constant 0 : i32
          %dma_wait3A_33 = arith.constant 0 : i32
          %dma_wait3A_34 = tpu.memref_slice %arg7[%dma_wait3A_32, %dma_wait3A_33] : memref<1024x128xf32, #tpu.memory_space<vmem_shared>> -> memref<1024x128xf32, #tpu.memory_space<vmem_shared>>
          tpu.wait_indirect_dma semaphore(%run_scoped3A : memref<!tpu.dma_semaphore, #tpu.memory_space<semaphore_mem>>) src(%arg10 : memref<128x128xf32, #tpu.memory_space<vmem>>) dst(%dma_wait3A_34 : memref<1024x128xf32, #tpu.memory_space<vmem_shared>>)
          tpu.yield
        }) : () -> ()
      }
      %scan3A_23 = arith.constant 8 : i32
    }
    %scan3A_7 = arith.constant 5 : i32
    %barrier3A_8 = arith.constant 0 : index
    tpu.barrier barrier_id(%barrier3A_8)
    %mul3A_9 = arith.constant 64 : i32
    %mul3A_10 = arith.muli %arg1, %mul3A_9 : i32
    %mul3A_11 = arith.constant 64 : i32
    %mul3A_12 = arith.muli %arg1, %mul3A_11 : i32
    "tpu.region"() ({
      %run_scoped3A = tpu.sem_alloc : memref<!tpu.dma_semaphore, #tpu.memory_space<semaphore_mem>>
      %dma_start3A = arith.constant 0 : i32
      %dma_start3A_13 = arith.constant 0 : i32
      %dma_start3A_14 = tpu.memref_slice %arg6[%arg0, %dma_start3A, %dma_start3A_13] : memref<2x1024x128xf32, #tpu.memory_space<hbm>> -> memref<1x1024x128xf32, #tpu.memory_space<hbm>>
      %dma_start3A_15 = tpu.memref_squeeze %dma_start3A_14 : memref<1x1024x128xf32, #tpu.memory_space<hbm>> -> memref<1024x128xf32, #tpu.memory_space<hbm>>
      %dma_start3A_16 = arith.constant 0 : i32
      %dma_start3A_17 = tpu.memref_slice %dma_start3A_15[%mul3A_12, %dma_start3A_16] : memref<1024x128xf32, #tpu.memory_space<hbm>> -> memref<64x128xf32, #tpu.memory_space<hbm>>
      %dma_start3A_18 = arith.constant 0 : i32
      %dma_start3A_19 = tpu.memref_slice %arg7[%mul3A_10, %dma_start3A_18] : memref<1024x128xf32, #tpu.memory_space<vmem_shared>> -> memref<64x128xf32, #tpu.memory_space<vmem_shared>>
      tpu.enqueue_dma source(%dma_start3A_19 : memref<64x128xf32, #tpu.memory_space<vmem_shared>>) target(%dma_start3A_17 : memref<64x128xf32, #tpu.memory_space<hbm>>) target_semaphore(%run_scoped3A : memref<!tpu.dma_semaphore, #tpu.memory_space<semaphore_mem>>)
      %dma_wait3A = arith.constant 0 : i32
      %dma_wait3A_20 = arith.constant 0 : i32
      %dma_wait3A_21 = tpu.memref_slice %arg6[%arg0, %dma_wait3A, %dma_wait3A_20] : memref<2x1024x128xf32, #tpu.memory_space<hbm>> -> memref<1x1024x128xf32, #tpu.memory_space<hbm>>
      %dma_wait3A_22 = tpu.memref_squeeze %dma_wait3A_21 : memref<1x1024x128xf32, #tpu.memory_space<hbm>> -> memref<1024x128xf32, #tpu.memory_space<hbm>>
      %dma_wait3A_23 = arith.constant 0 : i32
      %dma_wait3A_24 = tpu.memref_slice %dma_wait3A_22[%mul3A_12, %dma_wait3A_23] : memref<1024x128xf32, #tpu.memory_space<hbm>> -> memref<64x128xf32, #tpu.memory_space<hbm>>
      %dma_wait3A_25 = arith.constant 0 : i32
      %dma_wait3A_26 = tpu.memref_slice %arg7[%mul3A_10, %dma_wait3A_25] : memref<1024x128xf32, #tpu.memory_space<vmem_shared>> -> memref<64x128xf32, #tpu.memory_space<vmem_shared>>
      tpu.wait_dma2 semaphore(%run_scoped3A : memref<!tpu.dma_semaphore, #tpu.memory_space<semaphore_mem>>) src(%dma_wait3A_26 : memref<64x128xf32, #tpu.memory_space<vmem_shared>>) dst(%dma_wait3A_24 : memref<64x128xf32, #tpu.memory_space<hbm>>)
      tpu.yield
    }) : () -> ()
    return
  }
}

#map = affine_map<(d0, d1) -> (0, 0, 0)>
#map1 = affine_map<(d0, d1) -> (0, 0)>
module attributes {stable_mosaic.version = 14 : i64} {
  func.func @_sc_agg_body(%arg0: i32, %arg1: i32, %arg2: memref<32x80x128xi32, #tpu.memory_space<hbm>>, %arg3: memref<32x80x128xi32, #tpu.memory_space<hbm>>, %arg4: memref<10000x128xf32, #tpu.memory_space<hbm>>, %arg5: memref<640x128xf32, #tpu.memory_space<hbm>>, %arg6: memref<2x10240x128xf32, #tpu.memory_space<hbm>>, %arg7: memref<10240x128xf32, #tpu.memory_space<vmem_shared>>, %arg8: memref<16x128xi32, #tpu.memory_space<vmem>>, %arg9: memref<16x128xi32, #tpu.memory_space<vmem>>, %arg10: memref<128x128xf32, #tpu.memory_space<vmem>>) attributes {dimension_semantics = [#tpu.dimension_semantics<core_parallel>, #tpu.dimension_semantics<subcore_parallel>], iteration_bounds = array<i64: 2, 16>, scalar_prefetch = 0 : i64, scratch_operands = 4 : i64, tpu.core_type = #tpu.core_type<sc_vector_subcore>, window_params = [{transform_indices = #map}, {transform_indices = #map}, {transform_indices = #map1}, {transform_indices = #map1}, {transform_indices = #map}]} {
    %mul3A = arith.constant 16 : i32
    %mul3A_0 = arith.muli %arg0, %mul3A : i32
    %add3A = arith.addi %mul3A_0, %arg1 : i32
    %mul3A_1 = arith.constant 640 : i32
    %mul3A_2 = arith.muli %arg1, %mul3A_1 : i32
    "tpu.region"() ({
      %run_scoped3A = tpu.sem_alloc : memref<!tpu.dma_semaphore, #tpu.memory_space<semaphore_mem>>
      %dma_start3A = arith.constant 0 : i32
      %dma_start3A_13 = tpu.memref_slice %arg7[%mul3A_2, %dma_start3A] : memref<10240x128xf32, #tpu.memory_space<vmem_shared>> -> memref<640x128xf32, #tpu.memory_space<vmem_shared>>
      tpu.enqueue_dma source(%arg5 : memref<640x128xf32, #tpu.memory_space<hbm>>) target(%dma_start3A_13 : memref<640x128xf32, #tpu.memory_space<vmem_shared>>) target_semaphore(%run_scoped3A : memref<!tpu.dma_semaphore, #tpu.memory_space<semaphore_mem>>)
      %dma_wait3A = arith.constant 0 : i32
      %dma_wait3A_14 = tpu.memref_slice %arg7[%mul3A_2, %dma_wait3A] : memref<10240x128xf32, #tpu.memory_space<vmem_shared>> -> memref<640x128xf32, #tpu.memory_space<vmem_shared>>
      tpu.wait_dma2 semaphore(%run_scoped3A : memref<!tpu.dma_semaphore, #tpu.memory_space<semaphore_mem>>) src(%arg5 : memref<640x128xf32, #tpu.memory_space<hbm>>) dst(%dma_wait3A_14 : memref<640x128xf32, #tpu.memory_space<vmem_shared>>)
      tpu.yield
    }) : () -> ()
    %barrier3A = arith.constant 0 : index
    tpu.barrier barrier_id(%barrier3A)
    %scan3A = arith.constant 0 : i32
    %scan3A_3 = arith.constant 0 : i32
    %scan3A_4 = arith.constant 5 : i32
    %scan3A_5 = arith.addi %scan3A_3, %scan3A_4 : i32
    %scan3A_6 = arith.constant 1 : i32
    scf.for %scan3A_13 = %scan3A_3 to %scan3A_5 step %scan3A_6  : i32 {
      %mul3A_14 = arith.constant 16 : i32
      %mul3A_15 = arith.muli %scan3A_13, %mul3A_14 : i32
      "tpu.region"() ({
        %run_scoped3A = tpu.sem_alloc : memref<!tpu.dma_semaphore, #tpu.memory_space<semaphore_mem>>
        %dma_start3A = arith.constant 0 : i32
        %dma_start3A_24 = tpu.memref_slice %arg2[%add3A, %mul3A_15, %dma_start3A] : memref<32x80x128xi32, #tpu.memory_space<hbm>> -> memref<1x16x128xi32, #tpu.memory_space<hbm>>
        %dma_start3A_25 = tpu.memref_squeeze %dma_start3A_24 : memref<1x16x128xi32, #tpu.memory_space<hbm>> -> memref<16x128xi32, #tpu.memory_space<hbm>>
        %dma_start3A_26 = arith.constant 0 : i32
        %dma_start3A_27 = tpu.memref_slice %arg2[%add3A, %mul3A_15, %dma_start3A_26] : memref<32x80x128xi32, #tpu.memory_space<hbm>> -> memref<1x16x128xi32, #tpu.memory_space<hbm>>
        %dma_start3A_28 = tpu.memref_squeeze %dma_start3A_27 : memref<1x16x128xi32, #tpu.memory_space<hbm>> -> memref<16x128xi32, #tpu.memory_space<hbm>>
        tpu.enqueue_dma source(%dma_start3A_28 : memref<16x128xi32, #tpu.memory_space<hbm>>) target(%arg8 : memref<16x128xi32, #tpu.memory_space<vmem>>) target_semaphore(%run_scoped3A : memref<!tpu.dma_semaphore, #tpu.memory_space<semaphore_mem>>)
        %dma_wait3A = arith.constant 0 : i32
        %dma_wait3A_29 = tpu.memref_slice %arg2[%add3A, %mul3A_15, %dma_wait3A] : memref<32x80x128xi32, #tpu.memory_space<hbm>> -> memref<1x16x128xi32, #tpu.memory_space<hbm>>
        %dma_wait3A_30 = tpu.memref_squeeze %dma_wait3A_29 : memref<1x16x128xi32, #tpu.memory_space<hbm>> -> memref<16x128xi32, #tpu.memory_space<hbm>>
        %dma_wait3A_31 = arith.constant 0 : i32
        %dma_wait3A_32 = tpu.memref_slice %arg2[%add3A, %mul3A_15, %dma_wait3A_31] : memref<32x80x128xi32, #tpu.memory_space<hbm>> -> memref<1x16x128xi32, #tpu.memory_space<hbm>>
        %dma_wait3A_33 = tpu.memref_squeeze %dma_wait3A_32 : memref<1x16x128xi32, #tpu.memory_space<hbm>> -> memref<16x128xi32, #tpu.memory_space<hbm>>
        tpu.wait_dma2 semaphore(%run_scoped3A : memref<!tpu.dma_semaphore, #tpu.memory_space<semaphore_mem>>) src(%dma_wait3A_33 : memref<16x128xi32, #tpu.memory_space<hbm>>) dst(%arg8 : memref<16x128xi32, #tpu.memory_space<vmem>>)
        tpu.yield
      }) : () -> ()
      %mul3A_16 = arith.constant 16 : i32
      %mul3A_17 = arith.muli %scan3A_13, %mul3A_16 : i32
      "tpu.region"() ({
        %run_scoped3A = tpu.sem_alloc : memref<!tpu.dma_semaphore, #tpu.memory_space<semaphore_mem>>
        %dma_start3A = arith.constant 0 : i32
        %dma_start3A_24 = tpu.memref_slice %arg3[%add3A, %mul3A_17, %dma_start3A] : memref<32x80x128xi32, #tpu.memory_space<hbm>> -> memref<1x16x128xi32, #tpu.memory_space<hbm>>
        %dma_start3A_25 = tpu.memref_squeeze %dma_start3A_24 : memref<1x16x128xi32, #tpu.memory_space<hbm>> -> memref<16x128xi32, #tpu.memory_space<hbm>>
        %dma_start3A_26 = arith.constant 0 : i32
        %dma_start3A_27 = tpu.memref_slice %arg3[%add3A, %mul3A_17, %dma_start3A_26] : memref<32x80x128xi32, #tpu.memory_space<hbm>> -> memref<1x16x128xi32, #tpu.memory_space<hbm>>
        %dma_start3A_28 = tpu.memref_squeeze %dma_start3A_27 : memref<1x16x128xi32, #tpu.memory_space<hbm>> -> memref<16x128xi32, #tpu.memory_space<hbm>>
        tpu.enqueue_dma source(%dma_start3A_28 : memref<16x128xi32, #tpu.memory_space<hbm>>) target(%arg9 : memref<16x128xi32, #tpu.memory_space<vmem>>) target_semaphore(%run_scoped3A : memref<!tpu.dma_semaphore, #tpu.memory_space<semaphore_mem>>)
        %dma_wait3A = arith.constant 0 : i32
        %dma_wait3A_29 = tpu.memref_slice %arg3[%add3A, %mul3A_17, %dma_wait3A] : memref<32x80x128xi32, #tpu.memory_space<hbm>> -> memref<1x16x128xi32, #tpu.memory_space<hbm>>
        %dma_wait3A_30 = tpu.memref_squeeze %dma_wait3A_29 : memref<1x16x128xi32, #tpu.memory_space<hbm>> -> memref<16x128xi32, #tpu.memory_space<hbm>>
        %dma_wait3A_31 = arith.constant 0 : i32
        %dma_wait3A_32 = tpu.memref_slice %arg3[%add3A, %mul3A_17, %dma_wait3A_31] : memref<32x80x128xi32, #tpu.memory_space<hbm>> -> memref<1x16x128xi32, #tpu.memory_space<hbm>>
        %dma_wait3A_33 = tpu.memref_squeeze %dma_wait3A_32 : memref<1x16x128xi32, #tpu.memory_space<hbm>> -> memref<16x128xi32, #tpu.memory_space<hbm>>
        tpu.wait_dma2 semaphore(%run_scoped3A : memref<!tpu.dma_semaphore, #tpu.memory_space<semaphore_mem>>) src(%dma_wait3A_33 : memref<16x128xi32, #tpu.memory_space<hbm>>) dst(%arg9 : memref<16x128xi32, #tpu.memory_space<vmem>>)
        tpu.yield
      }) : () -> ()
      %scan3A_18 = arith.constant 0 : i32
      %scan3A_19 = arith.constant 0 : i32
      %scan3A_20 = arith.constant 16 : i32
      %scan3A_21 = arith.addi %scan3A_19, %scan3A_20 : i32
      %scan3A_22 = arith.constant 1 : i32
      scf.for %scan3A_24 = %scan3A_19 to %scan3A_21 step %scan3A_22  : i32 {
        "tpu.region"() ({
          %run_scoped3A = tpu.sem_alloc : memref<!tpu.dma_semaphore, #tpu.memory_space<semaphore_mem>>
          %dma_start3A = arith.constant 0 : i32
          %dma_start3A_25 = tpu.memref_slice %arg8[%scan3A_24, %dma_start3A] : memref<16x128xi32, #tpu.memory_space<vmem>> -> memref<1x128xi32, #tpu.memory_space<vmem>>
          %dma_start3A_26 = tpu.memref_squeeze %dma_start3A_25 : memref<1x128xi32, #tpu.memory_space<vmem>> -> memref<128xi32, #tpu.memory_space<vmem>>
          %dma_start3A_27 = arith.constant 0 : i32
          %dma_start3A_28 = arith.constant 0 : i32
          %dma_start3A_29 = tpu.memref_slice %arg4[%dma_start3A_27, %dma_start3A_28] : memref<10000x128xf32, #tpu.memory_space<hbm>> -> memref<10000x128xf32, #tpu.memory_space<hbm>>
          tpu.enqueue_indirect_dma source(%dma_start3A_29 : memref<10000x128xf32, #tpu.memory_space<hbm>>) target(%arg10 : memref<128x128xf32, #tpu.memory_space<vmem>>) offsets(%dma_start3A_26 : memref<128xi32, #tpu.memory_space<vmem>>) semaphore(%run_scoped3A : memref<!tpu.dma_semaphore, #tpu.memory_space<semaphore_mem>>)
          %dma_wait3A = arith.constant 0 : i32
          %dma_wait3A_30 = tpu.memref_slice %arg8[%scan3A_24, %dma_wait3A] : memref<16x128xi32, #tpu.memory_space<vmem>> -> memref<1x128xi32, #tpu.memory_space<vmem>>
          %dma_wait3A_31 = tpu.memref_squeeze %dma_wait3A_30 : memref<1x128xi32, #tpu.memory_space<vmem>> -> memref<128xi32, #tpu.memory_space<vmem>>
          %dma_wait3A_32 = arith.constant 0 : i32
          %dma_wait3A_33 = arith.constant 0 : i32
          %dma_wait3A_34 = tpu.memref_slice %arg4[%dma_wait3A_32, %dma_wait3A_33] : memref<10000x128xf32, #tpu.memory_space<hbm>> -> memref<10000x128xf32, #tpu.memory_space<hbm>>
          tpu.wait_indirect_dma semaphore(%run_scoped3A : memref<!tpu.dma_semaphore, #tpu.memory_space<semaphore_mem>>) src(%dma_wait3A_34 : memref<10000x128xf32, #tpu.memory_space<hbm>>) dst(%arg10 : memref<128x128xf32, #tpu.memory_space<vmem>>)
          tpu.yield
        }) : () -> ()
        "tpu.region"() ({
          %run_scoped3A = tpu.sem_alloc : memref<!tpu.dma_semaphore, #tpu.memory_space<semaphore_mem>>
          %dma_start3A = arith.constant 0 : i32
          %dma_start3A_25 = tpu.memref_slice %arg9[%scan3A_24, %dma_start3A] : memref<16x128xi32, #tpu.memory_space<vmem>> -> memref<1x128xi32, #tpu.memory_space<vmem>>
          %dma_start3A_26 = tpu.memref_squeeze %dma_start3A_25 : memref<1x128xi32, #tpu.memory_space<vmem>> -> memref<128xi32, #tpu.memory_space<vmem>>
          %dma_start3A_27 = arith.constant 0 : i32
          %dma_start3A_28 = arith.constant 0 : i32
          %dma_start3A_29 = tpu.memref_slice %arg7[%dma_start3A_27, %dma_start3A_28] : memref<10240x128xf32, #tpu.memory_space<vmem_shared>> -> memref<10240x128xf32, #tpu.memory_space<vmem_shared>>
          tpu.enqueue_indirect_dma source(%arg10 : memref<128x128xf32, #tpu.memory_space<vmem>>) target(%dma_start3A_29 : memref<10240x128xf32, #tpu.memory_space<vmem_shared>>) offsets(%dma_start3A_26 : memref<128xi32, #tpu.memory_space<vmem>>) semaphore(%run_scoped3A : memref<!tpu.dma_semaphore, #tpu.memory_space<semaphore_mem>>) {add = true}
          %dma_wait3A = arith.constant 0 : i32
          %dma_wait3A_30 = tpu.memref_slice %arg9[%scan3A_24, %dma_wait3A] : memref<16x128xi32, #tpu.memory_space<vmem>> -> memref<1x128xi32, #tpu.memory_space<vmem>>
          %dma_wait3A_31 = tpu.memref_squeeze %dma_wait3A_30 : memref<1x128xi32, #tpu.memory_space<vmem>> -> memref<128xi32, #tpu.memory_space<vmem>>
          %dma_wait3A_32 = arith.constant 0 : i32
          %dma_wait3A_33 = arith.constant 0 : i32
          %dma_wait3A_34 = tpu.memref_slice %arg7[%dma_wait3A_32, %dma_wait3A_33] : memref<10240x128xf32, #tpu.memory_space<vmem_shared>> -> memref<10240x128xf32, #tpu.memory_space<vmem_shared>>
          tpu.wait_indirect_dma semaphore(%run_scoped3A : memref<!tpu.dma_semaphore, #tpu.memory_space<semaphore_mem>>) src(%arg10 : memref<128x128xf32, #tpu.memory_space<vmem>>) dst(%dma_wait3A_34 : memref<10240x128xf32, #tpu.memory_space<vmem_shared>>)
          tpu.yield
        }) : () -> ()
      }
      %scan3A_23 = arith.constant 16 : i32
    }
    %scan3A_7 = arith.constant 5 : i32
    %barrier3A_8 = arith.constant 0 : index
    tpu.barrier barrier_id(%barrier3A_8)
    %mul3A_9 = arith.constant 640 : i32
    %mul3A_10 = arith.muli %arg1, %mul3A_9 : i32
    %mul3A_11 = arith.constant 640 : i32
    %mul3A_12 = arith.muli %arg1, %mul3A_11 : i32
    "tpu.region"() ({
      %run_scoped3A = tpu.sem_alloc : memref<!tpu.dma_semaphore, #tpu.memory_space<semaphore_mem>>
      %dma_start3A = arith.constant 0 : i32
      %dma_start3A_13 = arith.constant 0 : i32
      %dma_start3A_14 = tpu.memref_slice %arg6[%arg0, %dma_start3A, %dma_start3A_13] : memref<2x10240x128xf32, #tpu.memory_space<hbm>> -> memref<1x10240x128xf32, #tpu.memory_space<hbm>>
      %dma_start3A_15 = tpu.memref_squeeze %dma_start3A_14 : memref<1x10240x128xf32, #tpu.memory_space<hbm>> -> memref<10240x128xf32, #tpu.memory_space<hbm>>
      %dma_start3A_16 = arith.constant 0 : i32
      %dma_start3A_17 = tpu.memref_slice %dma_start3A_15[%mul3A_12, %dma_start3A_16] : memref<10240x128xf32, #tpu.memory_space<hbm>> -> memref<640x128xf32, #tpu.memory_space<hbm>>
      %dma_start3A_18 = arith.constant 0 : i32
      %dma_start3A_19 = tpu.memref_slice %arg7[%mul3A_10, %dma_start3A_18] : memref<10240x128xf32, #tpu.memory_space<vmem_shared>> -> memref<640x128xf32, #tpu.memory_space<vmem_shared>>
      tpu.enqueue_dma source(%dma_start3A_19 : memref<640x128xf32, #tpu.memory_space<vmem_shared>>) target(%dma_start3A_17 : memref<640x128xf32, #tpu.memory_space<hbm>>) target_semaphore(%run_scoped3A : memref<!tpu.dma_semaphore, #tpu.memory_space<semaphore_mem>>)
      %dma_wait3A = arith.constant 0 : i32
      %dma_wait3A_20 = arith.constant 0 : i32
      %dma_wait3A_21 = tpu.memref_slice %arg6[%arg0, %dma_wait3A, %dma_wait3A_20] : memref<2x10240x128xf32, #tpu.memory_space<hbm>> -> memref<1x10240x128xf32, #tpu.memory_space<hbm>>
      %dma_wait3A_22 = tpu.memref_squeeze %dma_wait3A_21 : memref<1x10240x128xf32, #tpu.memory_space<hbm>> -> memref<10240x128xf32, #tpu.memory_space<hbm>>
      %dma_wait3A_23 = arith.constant 0 : i32
      %dma_wait3A_24 = tpu.memref_slice %dma_wait3A_22[%mul3A_12, %dma_wait3A_23] : memref<10240x128xf32, #tpu.memory_space<hbm>> -> memref<640x128xf32, #tpu.memory_space<hbm>>
      %dma_wait3A_25 = arith.constant 0 : i32
      %dma_wait3A_26 = tpu.memref_slice %arg7[%mul3A_10, %dma_wait3A_25] : memref<10240x128xf32, #tpu.memory_space<vmem_shared>> -> memref<640x128xf32, #tpu.memory_space<vmem_shared>>
      tpu.wait_dma2 semaphore(%run_scoped3A : memref<!tpu.dma_semaphore, #tpu.memory_space<semaphore_mem>>) src(%dma_wait3A_26 : memref<640x128xf32, #tpu.memory_space<vmem_shared>>) dst(%dma_wait3A_24 : memref<640x128xf32, #tpu.memory_space<hbm>>)
      tpu.yield
    }) : () -> ()
    return
  }
}

#map = affine_map<(d0, d1) -> (0, 0, 0)>
#map1 = affine_map<(d0, d1) -> (0, 0)>
module attributes {stable_mosaic.version = 14 : i64} {
  func.func @_sc_agg_body(%arg0: i32, %arg1: i32, %arg2: memref<32x80x128xi32, #tpu.memory_space<hbm>>, %arg3: memref<32x80x128xi32, #tpu.memory_space<hbm>>, %arg4: memref<10000x128xf32, #tpu.memory_space<hbm>>, %arg5: memref<640x128xf32, #tpu.memory_space<hbm>>, %arg6: memref<2x10240x128xf32, #tpu.memory_space<hbm>>, %arg7: memref<10240x128xf32, #tpu.memory_space<vmem_shared>>, %arg8: memref<16x128xi32, #tpu.memory_space<vmem>>, %arg9: memref<16x128xi32, #tpu.memory_space<vmem>>, %arg10: memref<128x128xf32, #tpu.memory_space<vmem>>) attributes {dimension_semantics = [#tpu.dimension_semantics<core_parallel>, #tpu.dimension_semantics<subcore_parallel>], iteration_bounds = array<i64: 2, 16>, scalar_prefetch = 0 : i64, scratch_operands = 4 : i64, tpu.core_type = #tpu.core_type<sc_vector_subcore>, window_params = [{transform_indices = #map}, {transform_indices = #map}, {transform_indices = #map1}, {transform_indices = #map1}, {transform_indices = #map}]} {
    %mul3A = arith.constant 16 : i32
    %mul3A_0 = arith.muli %arg0, %mul3A : i32
    %add3A = arith.addi %mul3A_0, %arg1 : i32
    %mul3A_1 = arith.constant 640 : i32
    %mul3A_2 = arith.muli %arg1, %mul3A_1 : i32
    "tpu.region"() ({
      %run_scoped3A = tpu.sem_alloc : memref<!tpu.dma_semaphore, #tpu.memory_space<semaphore_mem>>
      %dma_start3A = arith.constant 0 : i32
      %dma_start3A_13 = tpu.memref_slice %arg7[%mul3A_2, %dma_start3A] : memref<10240x128xf32, #tpu.memory_space<vmem_shared>> -> memref<640x128xf32, #tpu.memory_space<vmem_shared>>
      tpu.enqueue_dma source(%arg5 : memref<640x128xf32, #tpu.memory_space<hbm>>) target(%dma_start3A_13 : memref<640x128xf32, #tpu.memory_space<vmem_shared>>) target_semaphore(%run_scoped3A : memref<!tpu.dma_semaphore, #tpu.memory_space<semaphore_mem>>)
      %dma_wait3A = arith.constant 0 : i32
      %dma_wait3A_14 = tpu.memref_slice %arg7[%mul3A_2, %dma_wait3A] : memref<10240x128xf32, #tpu.memory_space<vmem_shared>> -> memref<640x128xf32, #tpu.memory_space<vmem_shared>>
      tpu.wait_dma2 semaphore(%run_scoped3A : memref<!tpu.dma_semaphore, #tpu.memory_space<semaphore_mem>>) src(%arg5 : memref<640x128xf32, #tpu.memory_space<hbm>>) dst(%dma_wait3A_14 : memref<640x128xf32, #tpu.memory_space<vmem_shared>>)
      tpu.yield
    }) : () -> ()
    %barrier3A = arith.constant 0 : index
    tpu.barrier barrier_id(%barrier3A)
    %scan3A = arith.constant 0 : i32
    %scan3A_3 = arith.constant 0 : i32
    %scan3A_4 = arith.constant 5 : i32
    %scan3A_5 = arith.addi %scan3A_3, %scan3A_4 : i32
    %scan3A_6 = arith.constant 1 : i32
    scf.for %scan3A_13 = %scan3A_3 to %scan3A_5 step %scan3A_6  : i32 {
      %mul3A_14 = arith.constant 16 : i32
      %mul3A_15 = arith.muli %scan3A_13, %mul3A_14 : i32
      "tpu.region"() ({
        %run_scoped3A = tpu.sem_alloc : memref<!tpu.dma_semaphore, #tpu.memory_space<semaphore_mem>>
        %dma_start3A = arith.constant 0 : i32
        %dma_start3A_24 = tpu.memref_slice %arg2[%add3A, %mul3A_15, %dma_start3A] : memref<32x80x128xi32, #tpu.memory_space<hbm>> -> memref<1x16x128xi32, #tpu.memory_space<hbm>>
        %dma_start3A_25 = tpu.memref_squeeze %dma_start3A_24 : memref<1x16x128xi32, #tpu.memory_space<hbm>> -> memref<16x128xi32, #tpu.memory_space<hbm>>
        %dma_start3A_26 = arith.constant 0 : i32
        %dma_start3A_27 = tpu.memref_slice %arg2[%add3A, %mul3A_15, %dma_start3A_26] : memref<32x80x128xi32, #tpu.memory_space<hbm>> -> memref<1x16x128xi32, #tpu.memory_space<hbm>>
        %dma_start3A_28 = tpu.memref_squeeze %dma_start3A_27 : memref<1x16x128xi32, #tpu.memory_space<hbm>> -> memref<16x128xi32, #tpu.memory_space<hbm>>
        tpu.enqueue_dma source(%dma_start3A_28 : memref<16x128xi32, #tpu.memory_space<hbm>>) target(%arg8 : memref<16x128xi32, #tpu.memory_space<vmem>>) target_semaphore(%run_scoped3A : memref<!tpu.dma_semaphore, #tpu.memory_space<semaphore_mem>>)
        %dma_wait3A = arith.constant 0 : i32
        %dma_wait3A_29 = tpu.memref_slice %arg2[%add3A, %mul3A_15, %dma_wait3A] : memref<32x80x128xi32, #tpu.memory_space<hbm>> -> memref<1x16x128xi32, #tpu.memory_space<hbm>>
        %dma_wait3A_30 = tpu.memref_squeeze %dma_wait3A_29 : memref<1x16x128xi32, #tpu.memory_space<hbm>> -> memref<16x128xi32, #tpu.memory_space<hbm>>
        %dma_wait3A_31 = arith.constant 0 : i32
        %dma_wait3A_32 = tpu.memref_slice %arg2[%add3A, %mul3A_15, %dma_wait3A_31] : memref<32x80x128xi32, #tpu.memory_space<hbm>> -> memref<1x16x128xi32, #tpu.memory_space<hbm>>
        %dma_wait3A_33 = tpu.memref_squeeze %dma_wait3A_32 : memref<1x16x128xi32, #tpu.memory_space<hbm>> -> memref<16x128xi32, #tpu.memory_space<hbm>>
        tpu.wait_dma2 semaphore(%run_scoped3A : memref<!tpu.dma_semaphore, #tpu.memory_space<semaphore_mem>>) src(%dma_wait3A_33 : memref<16x128xi32, #tpu.memory_space<hbm>>) dst(%arg8 : memref<16x128xi32, #tpu.memory_space<vmem>>)
        tpu.yield
      }) : () -> ()
      %mul3A_16 = arith.constant 16 : i32
      %mul3A_17 = arith.muli %scan3A_13, %mul3A_16 : i32
      "tpu.region"() ({
        %run_scoped3A = tpu.sem_alloc : memref<!tpu.dma_semaphore, #tpu.memory_space<semaphore_mem>>
        %dma_start3A = arith.constant 0 : i32
        %dma_start3A_24 = tpu.memref_slice %arg3[%add3A, %mul3A_17, %dma_start3A] : memref<32x80x128xi32, #tpu.memory_space<hbm>> -> memref<1x16x128xi32, #tpu.memory_space<hbm>>
        %dma_start3A_25 = tpu.memref_squeeze %dma_start3A_24 : memref<1x16x128xi32, #tpu.memory_space<hbm>> -> memref<16x128xi32, #tpu.memory_space<hbm>>
        %dma_start3A_26 = arith.constant 0 : i32
        %dma_start3A_27 = tpu.memref_slice %arg3[%add3A, %mul3A_17, %dma_start3A_26] : memref<32x80x128xi32, #tpu.memory_space<hbm>> -> memref<1x16x128xi32, #tpu.memory_space<hbm>>
        %dma_start3A_28 = tpu.memref_squeeze %dma_start3A_27 : memref<1x16x128xi32, #tpu.memory_space<hbm>> -> memref<16x128xi32, #tpu.memory_space<hbm>>
        tpu.enqueue_dma source(%dma_start3A_28 : memref<16x128xi32, #tpu.memory_space<hbm>>) target(%arg9 : memref<16x128xi32, #tpu.memory_space<vmem>>) target_semaphore(%run_scoped3A : memref<!tpu.dma_semaphore, #tpu.memory_space<semaphore_mem>>)
        %dma_wait3A = arith.constant 0 : i32
        %dma_wait3A_29 = tpu.memref_slice %arg3[%add3A, %mul3A_17, %dma_wait3A] : memref<32x80x128xi32, #tpu.memory_space<hbm>> -> memref<1x16x128xi32, #tpu.memory_space<hbm>>
        %dma_wait3A_30 = tpu.memref_squeeze %dma_wait3A_29 : memref<1x16x128xi32, #tpu.memory_space<hbm>> -> memref<16x128xi32, #tpu.memory_space<hbm>>
        %dma_wait3A_31 = arith.constant 0 : i32
        %dma_wait3A_32 = tpu.memref_slice %arg3[%add3A, %mul3A_17, %dma_wait3A_31] : memref<32x80x128xi32, #tpu.memory_space<hbm>> -> memref<1x16x128xi32, #tpu.memory_space<hbm>>
        %dma_wait3A_33 = tpu.memref_squeeze %dma_wait3A_32 : memref<1x16x128xi32, #tpu.memory_space<hbm>> -> memref<16x128xi32, #tpu.memory_space<hbm>>
        tpu.wait_dma2 semaphore(%run_scoped3A : memref<!tpu.dma_semaphore, #tpu.memory_space<semaphore_mem>>) src(%dma_wait3A_33 : memref<16x128xi32, #tpu.memory_space<hbm>>) dst(%arg9 : memref<16x128xi32, #tpu.memory_space<vmem>>)
        tpu.yield
      }) : () -> ()
      %scan3A_18 = arith.constant 0 : i32
      %scan3A_19 = arith.constant 0 : i32
      %scan3A_20 = arith.constant 16 : i32
      %scan3A_21 = arith.addi %scan3A_19, %scan3A_20 : i32
      %scan3A_22 = arith.constant 1 : i32
      scf.for %scan3A_24 = %scan3A_19 to %scan3A_21 step %scan3A_22  : i32 {
        "tpu.region"() ({
          %run_scoped3A = tpu.sem_alloc : memref<!tpu.dma_semaphore, #tpu.memory_space<semaphore_mem>>
          %dma_start3A = arith.constant 0 : i32
          %dma_start3A_25 = tpu.memref_slice %arg8[%scan3A_24, %dma_start3A] : memref<16x128xi32, #tpu.memory_space<vmem>> -> memref<1x128xi32, #tpu.memory_space<vmem>>
          %dma_start3A_26 = tpu.memref_squeeze %dma_start3A_25 : memref<1x128xi32, #tpu.memory_space<vmem>> -> memref<128xi32, #tpu.memory_space<vmem>>
          %dma_start3A_27 = arith.constant 0 : i32
          %dma_start3A_28 = arith.constant 0 : i32
          %dma_start3A_29 = tpu.memref_slice %arg4[%dma_start3A_27, %dma_start3A_28] : memref<10000x128xf32, #tpu.memory_space<hbm>> -> memref<10000x128xf32, #tpu.memory_space<hbm>>
          tpu.enqueue_indirect_dma source(%dma_start3A_29 : memref<10000x128xf32, #tpu.memory_space<hbm>>) target(%arg10 : memref<128x128xf32, #tpu.memory_space<vmem>>) offsets(%dma_start3A_26 : memref<128xi32, #tpu.memory_space<vmem>>) semaphore(%run_scoped3A : memref<!tpu.dma_semaphore, #tpu.memory_space<semaphore_mem>>)
          %dma_wait3A = arith.constant 0 : i32
          %dma_wait3A_30 = tpu.memref_slice %arg8[%scan3A_24, %dma_wait3A] : memref<16x128xi32, #tpu.memory_space<vmem>> -> memref<1x128xi32, #tpu.memory_space<vmem>>
          %dma_wait3A_31 = tpu.memref_squeeze %dma_wait3A_30 : memref<1x128xi32, #tpu.memory_space<vmem>> -> memref<128xi32, #tpu.memory_space<vmem>>
          %dma_wait3A_32 = arith.constant 0 : i32
          %dma_wait3A_33 = arith.constant 0 : i32
          %dma_wait3A_34 = tpu.memref_slice %arg4[%dma_wait3A_32, %dma_wait3A_33] : memref<10000x128xf32, #tpu.memory_space<hbm>> -> memref<10000x128xf32, #tpu.memory_space<hbm>>
          tpu.wait_indirect_dma semaphore(%run_scoped3A : memref<!tpu.dma_semaphore, #tpu.memory_space<semaphore_mem>>) src(%dma_wait3A_34 : memref<10000x128xf32, #tpu.memory_space<hbm>>) dst(%arg10 : memref<128x128xf32, #tpu.memory_space<vmem>>)
          tpu.yield
        }) : () -> ()
        "tpu.region"() ({
          %run_scoped3A = tpu.sem_alloc : memref<!tpu.dma_semaphore, #tpu.memory_space<semaphore_mem>>
          %dma_start3A = arith.constant 0 : i32
          %dma_start3A_25 = tpu.memref_slice %arg9[%scan3A_24, %dma_start3A] : memref<16x128xi32, #tpu.memory_space<vmem>> -> memref<1x128xi32, #tpu.memory_space<vmem>>
          %dma_start3A_26 = tpu.memref_squeeze %dma_start3A_25 : memref<1x128xi32, #tpu.memory_space<vmem>> -> memref<128xi32, #tpu.memory_space<vmem>>
          %dma_start3A_27 = arith.constant 0 : i32
          %dma_start3A_28 = arith.constant 0 : i32
          %dma_start3A_29 = tpu.memref_slice %arg7[%dma_start3A_27, %dma_start3A_28] : memref<10240x128xf32, #tpu.memory_space<vmem_shared>> -> memref<10240x128xf32, #tpu.memory_space<vmem_shared>>
          tpu.enqueue_indirect_dma source(%arg10 : memref<128x128xf32, #tpu.memory_space<vmem>>) target(%dma_start3A_29 : memref<10240x128xf32, #tpu.memory_space<vmem_shared>>) offsets(%dma_start3A_26 : memref<128xi32, #tpu.memory_space<vmem>>) semaphore(%run_scoped3A : memref<!tpu.dma_semaphore, #tpu.memory_space<semaphore_mem>>) {add = true}
          %dma_wait3A = arith.constant 0 : i32
          %dma_wait3A_30 = tpu.memref_slice %arg9[%scan3A_24, %dma_wait3A] : memref<16x128xi32, #tpu.memory_space<vmem>> -> memref<1x128xi32, #tpu.memory_space<vmem>>
          %dma_wait3A_31 = tpu.memref_squeeze %dma_wait3A_30 : memref<1x128xi32, #tpu.memory_space<vmem>> -> memref<128xi32, #tpu.memory_space<vmem>>
          %dma_wait3A_32 = arith.constant 0 : i32
          %dma_wait3A_33 = arith.constant 0 : i32
          %dma_wait3A_34 = tpu.memref_slice %arg7[%dma_wait3A_32, %dma_wait3A_33] : memref<10240x128xf32, #tpu.memory_space<vmem_shared>> -> memref<10240x128xf32, #tpu.memory_space<vmem_shared>>
          tpu.wait_indirect_dma semaphore(%run_scoped3A : memref<!tpu.dma_semaphore, #tpu.memory_space<semaphore_mem>>) src(%arg10 : memref<128x128xf32, #tpu.memory_space<vmem>>) dst(%dma_wait3A_34 : memref<10240x128xf32, #tpu.memory_space<vmem_shared>>)
          tpu.yield
        }) : () -> ()
      }
      %scan3A_23 = arith.constant 16 : i32
    }
    %scan3A_7 = arith.constant 5 : i32
    %barrier3A_8 = arith.constant 0 : index
    tpu.barrier barrier_id(%barrier3A_8)
    %mul3A_9 = arith.constant 640 : i32
    %mul3A_10 = arith.muli %arg1, %mul3A_9 : i32
    %mul3A_11 = arith.constant 640 : i32
    %mul3A_12 = arith.muli %arg1, %mul3A_11 : i32
    "tpu.region"() ({
      %run_scoped3A = tpu.sem_alloc : memref<!tpu.dma_semaphore, #tpu.memory_space<semaphore_mem>>
      %dma_start3A = arith.constant 0 : i32
      %dma_start3A_13 = arith.constant 0 : i32
      %dma_start3A_14 = tpu.memref_slice %arg6[%arg0, %dma_start3A, %dma_start3A_13] : memref<2x10240x128xf32, #tpu.memory_space<hbm>> -> memref<1x10240x128xf32, #tpu.memory_space<hbm>>
      %dma_start3A_15 = tpu.memref_squeeze %dma_start3A_14 : memref<1x10240x128xf32, #tpu.memory_space<hbm>> -> memref<10240x128xf32, #tpu.memory_space<hbm>>
      %dma_start3A_16 = arith.constant 0 : i32
      %dma_start3A_17 = tpu.memref_slice %dma_start3A_15[%mul3A_12, %dma_start3A_16] : memref<10240x128xf32, #tpu.memory_space<hbm>> -> memref<640x128xf32, #tpu.memory_space<hbm>>
      %dma_start3A_18 = arith.constant 0 : i32
      %dma_start3A_19 = tpu.memref_slice %arg7[%mul3A_10, %dma_start3A_18] : memref<10240x128xf32, #tpu.memory_space<vmem_shared>> -> memref<640x128xf32, #tpu.memory_space<vmem_shared>>
      tpu.enqueue_dma source(%dma_start3A_19 : memref<640x128xf32, #tpu.memory_space<vmem_shared>>) target(%dma_start3A_17 : memref<640x128xf32, #tpu.memory_space<hbm>>) target_semaphore(%run_scoped3A : memref<!tpu.dma_semaphore, #tpu.memory_space<semaphore_mem>>)
      %dma_wait3A = arith.constant 0 : i32
      %dma_wait3A_20 = arith.constant 0 : i32
      %dma_wait3A_21 = tpu.memref_slice %arg6[%arg0, %dma_wait3A, %dma_wait3A_20] : memref<2x10240x128xf32, #tpu.memory_space<hbm>> -> memref<1x10240x128xf32, #tpu.memory_space<hbm>>
      %dma_wait3A_22 = tpu.memref_squeeze %dma_wait3A_21 : memref<1x10240x128xf32, #tpu.memory_space<hbm>> -> memref<10240x128xf32, #tpu.memory_space<hbm>>
      %dma_wait3A_23 = arith.constant 0 : i32
      %dma_wait3A_24 = tpu.memref_slice %dma_wait3A_22[%mul3A_12, %dma_wait3A_23] : memref<10240x128xf32, #tpu.memory_space<hbm>> -> memref<640x128xf32, #tpu.memory_space<hbm>>
      %dma_wait3A_25 = arith.constant 0 : i32
      %dma_wait3A_26 = tpu.memref_slice %arg7[%mul3A_10, %dma_wait3A_25] : memref<10240x128xf32, #tpu.memory_space<vmem_shared>> -> memref<640x128xf32, #tpu.memory_space<vmem_shared>>
      tpu.wait_dma2 semaphore(%run_scoped3A : memref<!tpu.dma_semaphore, #tpu.memory_space<semaphore_mem>>) src(%dma_wait3A_26 : memref<640x128xf32, #tpu.memory_space<vmem_shared>>) dst(%dma_wait3A_24 : memref<640x128xf32, #tpu.memory_space<hbm>>)
      tpu.yield
    }) : () -> ()
    return
  }
}

#map = affine_map<(d0, d1) -> (0, 0, 0)>
#map1 = affine_map<(d0, d1) -> (0, 0)>
module attributes {stable_mosaic.version = 14 : i64} {
  func.func @_sc_pass1_body(%arg0: i32, %arg1: i32, %arg2: memref<32x80x128xi32, #tpu.memory_space<hbm>>, %arg3: memref<32x40x128xi32, #tpu.memory_space<hbm>>, %arg4: memref<32x40x128xi32, #tpu.memory_space<hbm>>, %arg5: memref<10000x128xf32, #tpu.memory_space<hbm>>, %arg6: memref<640x16xf32, #tpu.memory_space<hbm>>, %arg7: memref<64x16xf32, #tpu.memory_space<hbm>>, %arg8: memref<64x128xf32, #tpu.memory_space<hbm>>, %arg9: memref<128x16xf32, #tpu.memory_space<hbm>>, %arg10: memref<2x10240x16xf32, #tpu.memory_space<hbm>>, %arg11: memref<2x1024x16xf32, #tpu.memory_space<hbm>>, %arg12: memref<2x1024x128xf32, #tpu.memory_space<hbm>>, %arg13: memref<10240x16xf32, #tpu.memory_space<vmem_shared>>, %arg14: memref<1024x16xf32, #tpu.memory_space<vmem_shared>>, %arg15: memref<1024x128xf32, #tpu.memory_space<vmem_shared>>, %arg16: memref<128x16xf32, #tpu.memory_space<vmem>>, %arg17: memref<16x128xi32, #tpu.memory_space<vmem>>, %arg18: memref<8x128xi32, #tpu.memory_space<vmem>>, %arg19: memref<8x128xi32, #tpu.memory_space<vmem>>, %arg20: memref<128x128xf32, #tpu.memory_space<vmem>>, %arg21: memref<!tpu.dma_semaphore, #tpu.memory_space<semaphore_mem>>) attributes {dimension_semantics = [#tpu.dimension_semantics<core_parallel>, #tpu.dimension_semantics<subcore_parallel>], iteration_bounds = array<i64: 2, 16>, scalar_prefetch = 0 : i64, scratch_operands = 9 : i64, tpu.core_type = #tpu.core_type<sc_vector_subcore>, window_params = [{transform_indices = #map}, {transform_indices = #map}, {transform_indices = #map}, {transform_indices = #map1}, {transform_indices = #map1}, {transform_indices = #map1}, {transform_indices = #map1}, {transform_indices = #map1}, {transform_indices = #map}, {transform_indices = #map}, {transform_indices = #map}]} {
    %mul3A = arith.constant 16 : i32
    %mul3A_0 = arith.muli %arg0, %mul3A : i32
    %add3A = arith.addi %mul3A_0, %arg1 : i32
    "tpu.region"() ({
      %run_scoped3A = tpu.sem_alloc : memref<!tpu.dma_semaphore, #tpu.memory_space<semaphore_mem>>
      tpu.enqueue_dma source(%arg9 : memref<128x16xf32, #tpu.memory_space<hbm>>) target(%arg16 : memref<128x16xf32, #tpu.memory_space<vmem>>) target_semaphore(%run_scoped3A : memref<!tpu.dma_semaphore, #tpu.memory_space<semaphore_mem>>)
      tpu.wait_dma2 semaphore(%run_scoped3A : memref<!tpu.dma_semaphore, #tpu.memory_space<semaphore_mem>>) src(%arg9 : memref<128x16xf32, #tpu.memory_space<hbm>>) dst(%arg16 : memref<128x16xf32, #tpu.memory_space<vmem>>)
      tpu.yield
    }) : () -> ()
    %mul3A_1 = arith.constant 640 : i32
    %mul3A_2 = arith.muli %arg1, %mul3A_1 : i32
    "tpu.region"() ({
      %run_scoped3A = tpu.sem_alloc : memref<!tpu.dma_semaphore, #tpu.memory_space<semaphore_mem>>
      %dma_start3A = arith.constant 0 : i32
      %dma_start3A_37 = tpu.memref_slice %arg13[%mul3A_2, %dma_start3A] : memref<10240x16xf32, #tpu.memory_space<vmem_shared>> -> memref<640x16xf32, #tpu.memory_space<vmem_shared>>
      tpu.enqueue_dma source(%arg6 : memref<640x16xf32, #tpu.memory_space<hbm>>) target(%dma_start3A_37 : memref<640x16xf32, #tpu.memory_space<vmem_shared>>) target_semaphore(%run_scoped3A : memref<!tpu.dma_semaphore, #tpu.memory_space<semaphore_mem>>)
      %dma_wait3A = arith.constant 0 : i32
      %dma_wait3A_38 = tpu.memref_slice %arg13[%mul3A_2, %dma_wait3A] : memref<10240x16xf32, #tpu.memory_space<vmem_shared>> -> memref<640x16xf32, #tpu.memory_space<vmem_shared>>
      tpu.wait_dma2 semaphore(%run_scoped3A : memref<!tpu.dma_semaphore, #tpu.memory_space<semaphore_mem>>) src(%arg6 : memref<640x16xf32, #tpu.memory_space<hbm>>) dst(%dma_wait3A_38 : memref<640x16xf32, #tpu.memory_space<vmem_shared>>)
      tpu.yield
    }) : () -> ()
    %mul3A_3 = arith.constant 64 : i32
    %mul3A_4 = arith.muli %arg1, %mul3A_3 : i32
    "tpu.region"() ({
      %run_scoped3A = tpu.sem_alloc : memref<!tpu.dma_semaphore, #tpu.memory_space<semaphore_mem>>
      %dma_start3A = arith.constant 0 : i32
      %dma_start3A_37 = tpu.memref_slice %arg14[%mul3A_4, %dma_start3A] : memref<1024x16xf32, #tpu.memory_space<vmem_shared>> -> memref<64x16xf32, #tpu.memory_space<vmem_shared>>
      tpu.enqueue_dma source(%arg7 : memref<64x16xf32, #tpu.memory_space<hbm>>) target(%dma_start3A_37 : memref<64x16xf32, #tpu.memory_space<vmem_shared>>) target_semaphore(%run_scoped3A : memref<!tpu.dma_semaphore, #tpu.memory_space<semaphore_mem>>)
      %dma_wait3A = arith.constant 0 : i32
      %dma_wait3A_38 = tpu.memref_slice %arg14[%mul3A_4, %dma_wait3A] : memref<1024x16xf32, #tpu.memory_space<vmem_shared>> -> memref<64x16xf32, #tpu.memory_space<vmem_shared>>
      tpu.wait_dma2 semaphore(%run_scoped3A : memref<!tpu.dma_semaphore, #tpu.memory_space<semaphore_mem>>) src(%arg7 : memref<64x16xf32, #tpu.memory_space<hbm>>) dst(%dma_wait3A_38 : memref<64x16xf32, #tpu.memory_space<vmem_shared>>)
      tpu.yield
    }) : () -> ()
    %mul3A_5 = arith.constant 64 : i32
    %mul3A_6 = arith.muli %arg1, %mul3A_5 : i32
    "tpu.region"() ({
      %run_scoped3A = tpu.sem_alloc : memref<!tpu.dma_semaphore, #tpu.memory_space<semaphore_mem>>
      %dma_start3A = arith.constant 0 : i32
      %dma_start3A_37 = tpu.memref_slice %arg15[%mul3A_6, %dma_start3A] : memref<1024x128xf32, #tpu.memory_space<vmem_shared>> -> memref<64x128xf32, #tpu.memory_space<vmem_shared>>
      tpu.enqueue_dma source(%arg8 : memref<64x128xf32, #tpu.memory_space<hbm>>) target(%dma_start3A_37 : memref<64x128xf32, #tpu.memory_space<vmem_shared>>) target_semaphore(%run_scoped3A : memref<!tpu.dma_semaphore, #tpu.memory_space<semaphore_mem>>)
      %dma_wait3A = arith.constant 0 : i32
      %dma_wait3A_38 = tpu.memref_slice %arg15[%mul3A_6, %dma_wait3A] : memref<1024x128xf32, #tpu.memory_space<vmem_shared>> -> memref<64x128xf32, #tpu.memory_space<vmem_shared>>
      tpu.wait_dma2 semaphore(%run_scoped3A : memref<!tpu.dma_semaphore, #tpu.memory_space<semaphore_mem>>) src(%arg8 : memref<64x128xf32, #tpu.memory_space<hbm>>) dst(%dma_wait3A_38 : memref<64x128xf32, #tpu.memory_space<vmem_shared>>)
      tpu.yield
    }) : () -> ()
    %barrier3A = arith.constant 0 : index
    tpu.barrier barrier_id(%barrier3A)
    %scan3A = arith.constant 0 : i32
    %scan3A_7 = arith.constant 0 : i32
    %scan3A_8 = arith.constant 5 : i32
    %scan3A_9 = arith.addi %scan3A_7, %scan3A_8 : i32
    %scan3A_10 = arith.constant 1 : i32
    scf.for %scan3A_37 = %scan3A_7 to %scan3A_9 step %scan3A_10  : i32 {
      %mul3A_38 = arith.constant 16 : i32
      %mul3A_39 = arith.muli %scan3A_37, %mul3A_38 : i32
      "tpu.region"() ({
        %run_scoped3A = tpu.sem_alloc : memref<!tpu.dma_semaphore, #tpu.memory_space<semaphore_mem>>
        %dma_start3A_262 = arith.constant 0 : i32
        %dma_start3A_263 = tpu.memref_slice %arg2[%add3A, %mul3A_39, %dma_start3A_262] : memref<32x80x128xi32, #tpu.memory_space<hbm>> -> memref<1x16x128xi32, #tpu.memory_space<hbm>>
        %dma_start3A_264 = tpu.memref_squeeze %dma_start3A_263 : memref<1x16x128xi32, #tpu.memory_space<hbm>> -> memref<16x128xi32, #tpu.memory_space<hbm>>
        %dma_start3A_265 = arith.constant 0 : i32
        %dma_start3A_266 = tpu.memref_slice %arg2[%add3A, %mul3A_39, %dma_start3A_265] : memref<32x80x128xi32, #tpu.memory_space<hbm>> -> memref<1x16x128xi32, #tpu.memory_space<hbm>>
        %dma_start3A_267 = tpu.memref_squeeze %dma_start3A_266 : memref<1x16x128xi32, #tpu.memory_space<hbm>> -> memref<16x128xi32, #tpu.memory_space<hbm>>
        tpu.enqueue_dma source(%dma_start3A_267 : memref<16x128xi32, #tpu.memory_space<hbm>>) target(%arg17 : memref<16x128xi32, #tpu.memory_space<vmem>>) target_semaphore(%run_scoped3A : memref<!tpu.dma_semaphore, #tpu.memory_space<semaphore_mem>>)
        %dma_wait3A_268 = arith.constant 0 : i32
        %dma_wait3A_269 = tpu.memref_slice %arg2[%add3A, %mul3A_39, %dma_wait3A_268] : memref<32x80x128xi32, #tpu.memory_space<hbm>> -> memref<1x16x128xi32, #tpu.memory_space<hbm>>
        %dma_wait3A_270 = tpu.memref_squeeze %dma_wait3A_269 : memref<1x16x128xi32, #tpu.memory_space<hbm>> -> memref<16x128xi32, #tpu.memory_space<hbm>>
        %dma_wait3A_271 = arith.constant 0 : i32
        %dma_wait3A_272 = tpu.memref_slice %arg2[%add3A, %mul3A_39, %dma_wait3A_271] : memref<32x80x128xi32, #tpu.memory_space<hbm>> -> memref<1x16x128xi32, #tpu.memory_space<hbm>>
        %dma_wait3A_273 = tpu.memref_squeeze %dma_wait3A_272 : memref<1x16x128xi32, #tpu.memory_space<hbm>> -> memref<16x128xi32, #tpu.memory_space<hbm>>
        tpu.wait_dma2 semaphore(%run_scoped3A : memref<!tpu.dma_semaphore, #tpu.memory_space<semaphore_mem>>) src(%dma_wait3A_273 : memref<16x128xi32, #tpu.memory_space<hbm>>) dst(%arg17 : memref<16x128xi32, #tpu.memory_space<vmem>>)
        tpu.yield
      }) : () -> ()
      %dma_start3A = arith.constant 0 : i32
      %dma_start3A_40 = arith.constant 0 : i32
      %dma_start3A_41 = tpu.memref_slice %arg17[%dma_start3A, %dma_start3A_40] : memref<16x128xi32, #tpu.memory_space<vmem>> -> memref<1x128xi32, #tpu.memory_space<vmem>>
      %dma_start3A_42 = tpu.memref_squeeze %dma_start3A_41 : memref<1x128xi32, #tpu.memory_space<vmem>> -> memref<128xi32, #tpu.memory_space<vmem>>
      %dma_start3A_43 = arith.constant 0 : i32
      %dma_start3A_44 = arith.constant 0 : i32
      %dma_start3A_45 = tpu.memref_slice %arg13[%dma_start3A_43, %dma_start3A_44] : memref<10240x16xf32, #tpu.memory_space<vmem_shared>> -> memref<10240x16xf32, #tpu.memory_space<vmem_shared>>
      tpu.enqueue_indirect_dma source(%arg16 : memref<128x16xf32, #tpu.memory_space<vmem>>) target(%dma_start3A_45 : memref<10240x16xf32, #tpu.memory_space<vmem_shared>>) offsets(%dma_start3A_42 : memref<128xi32, #tpu.memory_space<vmem>>) semaphore(%arg21 : memref<!tpu.dma_semaphore, #tpu.memory_space<semaphore_mem>>) {add = true}
      %dma_start3A_46 = arith.constant 1 : i32
      %dma_start3A_47 = arith.constant 0 : i32
      %dma_start3A_48 = tpu.memref_slice %arg17[%dma_start3A_46, %dma_start3A_47] : memref<16x128xi32, #tpu.memory_space<vmem>> -> memref<1x128xi32, #tpu.memory_space<vmem>>
      %dma_start3A_49 = tpu.memref_squeeze %dma_start3A_48 : memref<1x128xi32, #tpu.memory_space<vmem>> -> memref<128xi32, #tpu.memory_space<vmem>>
      %dma_start3A_50 = arith.constant 0 : i32
      %dma_start3A_51 = arith.constant 0 : i32
      %dma_start3A_52 = tpu.memref_slice %arg13[%dma_start3A_50, %dma_start3A_51] : memref<10240x16xf32, #tpu.memory_space<vmem_shared>> -> memref<10240x16xf32, #tpu.memory_space<vmem_shared>>
      tpu.enqueue_indirect_dma source(%arg16 : memref<128x16xf32, #tpu.memory_space<vmem>>) target(%dma_start3A_52 : memref<10240x16xf32, #tpu.memory_space<vmem_shared>>) offsets(%dma_start3A_49 : memref<128xi32, #tpu.memory_space<vmem>>) semaphore(%arg21 : memref<!tpu.dma_semaphore, #tpu.memory_space<semaphore_mem>>) {add = true}
      %dma_start3A_53 = arith.constant 2 : i32
      %dma_start3A_54 = arith.constant 0 : i32
      %dma_start3A_55 = tpu.memref_slice %arg17[%dma_start3A_53, %dma_start3A_54] : memref<16x128xi32, #tpu.memory_space<vmem>> -> memref<1x128xi32, #tpu.memory_space<vmem>>
      %dma_start3A_56 = tpu.memref_squeeze %dma_start3A_55 : memref<1x128xi32, #tpu.memory_space<vmem>> -> memref<128xi32, #tpu.memory_space<vmem>>
      %dma_start3A_57 = arith.constant 0 : i32
      %dma_start3A_58 = arith.constant 0 : i32
      %dma_start3A_59 = tpu.memref_slice %arg13[%dma_start3A_57, %dma_start3A_58] : memref<10240x16xf32, #tpu.memory_space<vmem_shared>> -> memref<10240x16xf32, #tpu.memory_space<vmem_shared>>
      tpu.enqueue_indirect_dma source(%arg16 : memref<128x16xf32, #tpu.memory_space<vmem>>) target(%dma_start3A_59 : memref<10240x16xf32, #tpu.memory_space<vmem_shared>>) offsets(%dma_start3A_56 : memref<128xi32, #tpu.memory_space<vmem>>) semaphore(%arg21 : memref<!tpu.dma_semaphore, #tpu.memory_space<semaphore_mem>>) {add = true}
      %dma_start3A_60 = arith.constant 3 : i32
      %dma_start3A_61 = arith.constant 0 : i32
      %dma_start3A_62 = tpu.memref_slice %arg17[%dma_start3A_60, %dma_start3A_61] : memref<16x128xi32, #tpu.memory_space<vmem>> -> memref<1x128xi32, #tpu.memory_space<vmem>>
      %dma_start3A_63 = tpu.memref_squeeze %dma_start3A_62 : memref<1x128xi32, #tpu.memory_space<vmem>> -> memref<128xi32, #tpu.memory_space<vmem>>
      %dma_start3A_64 = arith.constant 0 : i32
      %dma_start3A_65 = arith.constant 0 : i32
      %dma_start3A_66 = tpu.memref_slice %arg13[%dma_start3A_64, %dma_start3A_65] : memref<10240x16xf32, #tpu.memory_space<vmem_shared>> -> memref<10240x16xf32, #tpu.memory_space<vmem_shared>>
      tpu.enqueue_indirect_dma source(%arg16 : memref<128x16xf32, #tpu.memory_space<vmem>>) target(%dma_start3A_66 : memref<10240x16xf32, #tpu.memory_space<vmem_shared>>) offsets(%dma_start3A_63 : memref<128xi32, #tpu.memory_space<vmem>>) semaphore(%arg21 : memref<!tpu.dma_semaphore, #tpu.memory_space<semaphore_mem>>) {add = true}
      %dma_start3A_67 = arith.constant 4 : i32
      %dma_start3A_68 = arith.constant 0 : i32
      %dma_start3A_69 = tpu.memref_slice %arg17[%dma_start3A_67, %dma_start3A_68] : memref<16x128xi32, #tpu.memory_space<vmem>> -> memref<1x128xi32, #tpu.memory_space<vmem>>
      %dma_start3A_70 = tpu.memref_squeeze %dma_start3A_69 : memref<1x128xi32, #tpu.memory_space<vmem>> -> memref<128xi32, #tpu.memory_space<vmem>>
      %dma_start3A_71 = arith.constant 0 : i32
      %dma_start3A_72 = arith.constant 0 : i32
      %dma_start3A_73 = tpu.memref_slice %arg13[%dma_start3A_71, %dma_start3A_72] : memref<10240x16xf32, #tpu.memory_space<vmem_shared>> -> memref<10240x16xf32, #tpu.memory_space<vmem_shared>>
      tpu.enqueue_indirect_dma source(%arg16 : memref<128x16xf32, #tpu.memory_space<vmem>>) target(%dma_start3A_73 : memref<10240x16xf32, #tpu.memory_space<vmem_shared>>) offsets(%dma_start3A_70 : memref<128xi32, #tpu.memory_space<vmem>>) semaphore(%arg21 : memref<!tpu.dma_semaphore, #tpu.memory_space<semaphore_mem>>) {add = true}
      %dma_start3A_74 = arith.constant 5 : i32
      %dma_start3A_75 = arith.constant 0 : i32
      %dma_start3A_76 = tpu.memref_slice %arg17[%dma_start3A_74, %dma_start3A_75] : memref<16x128xi32, #tpu.memory_space<vmem>> -> memref<1x128xi32, #tpu.memory_space<vmem>>
      %dma_start3A_77 = tpu.memref_squeeze %dma_start3A_76 : memref<1x128xi32, #tpu.memory_space<vmem>> -> memref<128xi32, #tpu.memory_space<vmem>>
      %dma_start3A_78 = arith.constant 0 : i32
      %dma_start3A_79 = arith.constant 0 : i32
      %dma_start3A_80 = tpu.memref_slice %arg13[%dma_start3A_78, %dma_start3A_79] : memref<10240x16xf32, #tpu.memory_space<vmem_shared>> -> memref<10240x16xf32, #tpu.memory_space<vmem_shared>>
      tpu.enqueue_indirect_dma source(%arg16 : memref<128x16xf32, #tpu.memory_space<vmem>>) target(%dma_start3A_80 : memref<10240x16xf32, #tpu.memory_space<vmem_shared>>) offsets(%dma_start3A_77 : memref<128xi32, #tpu.memory_space<vmem>>) semaphore(%arg21 : memref<!tpu.dma_semaphore, #tpu.memory_space<semaphore_mem>>) {add = true}
      %dma_start3A_81 = arith.constant 6 : i32
      %dma_start3A_82 = arith.constant 0 : i32
      %dma_start3A_83 = tpu.memref_slice %arg17[%dma_start3A_81, %dma_start3A_82] : memref<16x128xi32, #tpu.memory_space<vmem>> -> memref<1x128xi32, #tpu.memory_space<vmem>>
      %dma_start3A_84 = tpu.memref_squeeze %dma_start3A_83 : memref<1x128xi32, #tpu.memory_space<vmem>> -> memref<128xi32, #tpu.memory_space<vmem>>
      %dma_start3A_85 = arith.constant 0 : i32
      %dma_start3A_86 = arith.constant 0 : i32
      %dma_start3A_87 = tpu.memref_slice %arg13[%dma_start3A_85, %dma_start3A_86] : memref<10240x16xf32, #tpu.memory_space<vmem_shared>> -> memref<10240x16xf32, #tpu.memory_space<vmem_shared>>
      tpu.enqueue_indirect_dma source(%arg16 : memref<128x16xf32, #tpu.memory_space<vmem>>) target(%dma_start3A_87 : memref<10240x16xf32, #tpu.memory_space<vmem_shared>>) offsets(%dma_start3A_84 : memref<128xi32, #tpu.memory_space<vmem>>) semaphore(%arg21 : memref<!tpu.dma_semaphore, #tpu.memory_space<semaphore_mem>>) {add = true}
      %dma_start3A_88 = arith.constant 7 : i32
      %dma_start3A_89 = arith.constant 0 : i32
      %dma_start3A_90 = tpu.memref_slice %arg17[%dma_start3A_88, %dma_start3A_89] : memref<16x128xi32, #tpu.memory_space<vmem>> -> memref<1x128xi32, #tpu.memory_space<vmem>>
      %dma_start3A_91 = tpu.memref_squeeze %dma_start3A_90 : memref<1x128xi32, #tpu.memory_space<vmem>> -> memref<128xi32, #tpu.memory_space<vmem>>
      %dma_start3A_92 = arith.constant 0 : i32
      %dma_start3A_93 = arith.constant 0 : i32
      %dma_start3A_94 = tpu.memref_slice %arg13[%dma_start3A_92, %dma_start3A_93] : memref<10240x16xf32, #tpu.memory_space<vmem_shared>> -> memref<10240x16xf32, #tpu.memory_space<vmem_shared>>
      tpu.enqueue_indirect_dma source(%arg16 : memref<128x16xf32, #tpu.memory_space<vmem>>) target(%dma_start3A_94 : memref<10240x16xf32, #tpu.memory_space<vmem_shared>>) offsets(%dma_start3A_91 : memref<128xi32, #tpu.memory_space<vmem>>) semaphore(%arg21 : memref<!tpu.dma_semaphore, #tpu.memory_space<semaphore_mem>>) {add = true}
      %dma_start3A_95 = arith.constant 8 : i32
      %dma_start3A_96 = arith.constant 0 : i32
      %dma_start3A_97 = tpu.memref_slice %arg17[%dma_start3A_95, %dma_start3A_96] : memref<16x128xi32, #tpu.memory_space<vmem>> -> memref<1x128xi32, #tpu.memory_space<vmem>>
      %dma_start3A_98 = tpu.memref_squeeze %dma_start3A_97 : memref<1x128xi32, #tpu.memory_space<vmem>> -> memref<128xi32, #tpu.memory_space<vmem>>
      %dma_start3A_99 = arith.constant 0 : i32
      %dma_start3A_100 = arith.constant 0 : i32
      %dma_start3A_101 = tpu.memref_slice %arg13[%dma_start3A_99, %dma_start3A_100] : memref<10240x16xf32, #tpu.memory_space<vmem_shared>> -> memref<10240x16xf32, #tpu.memory_space<vmem_shared>>
      tpu.enqueue_indirect_dma source(%arg16 : memref<128x16xf32, #tpu.memory_space<vmem>>) target(%dma_start3A_101 : memref<10240x16xf32, #tpu.memory_space<vmem_shared>>) offsets(%dma_start3A_98 : memref<128xi32, #tpu.memory_space<vmem>>) semaphore(%arg21 : memref<!tpu.dma_semaphore, #tpu.memory_space<semaphore_mem>>) {add = true}
      %dma_start3A_102 = arith.constant 9 : i32
      %dma_start3A_103 = arith.constant 0 : i32
      %dma_start3A_104 = tpu.memref_slice %arg17[%dma_start3A_102, %dma_start3A_103] : memref<16x128xi32, #tpu.memory_space<vmem>> -> memref<1x128xi32, #tpu.memory_space<vmem>>
      %dma_start3A_105 = tpu.memref_squeeze %dma_start3A_104 : memref<1x128xi32, #tpu.memory_space<vmem>> -> memref<128xi32, #tpu.memory_space<vmem>>
      %dma_start3A_106 = arith.constant 0 : i32
      %dma_start3A_107 = arith.constant 0 : i32
      %dma_start3A_108 = tpu.memref_slice %arg13[%dma_start3A_106, %dma_start3A_107] : memref<10240x16xf32, #tpu.memory_space<vmem_shared>> -> memref<10240x16xf32, #tpu.memory_space<vmem_shared>>
      tpu.enqueue_indirect_dma source(%arg16 : memref<128x16xf32, #tpu.memory_space<vmem>>) target(%dma_start3A_108 : memref<10240x16xf32, #tpu.memory_space<vmem_shared>>) offsets(%dma_start3A_105 : memref<128xi32, #tpu.memory_space<vmem>>) semaphore(%arg21 : memref<!tpu.dma_semaphore, #tpu.memory_space<semaphore_mem>>) {add = true}
      %dma_start3A_109 = arith.constant 10 : i32
      %dma_start3A_110 = arith.constant 0 : i32
      %dma_start3A_111 = tpu.memref_slice %arg17[%dma_start3A_109, %dma_start3A_110] : memref<16x128xi32, #tpu.memory_space<vmem>> -> memref<1x128xi32, #tpu.memory_space<vmem>>
      %dma_start3A_112 = tpu.memref_squeeze %dma_start3A_111 : memref<1x128xi32, #tpu.memory_space<vmem>> -> memref<128xi32, #tpu.memory_space<vmem>>
      %dma_start3A_113 = arith.constant 0 : i32
      %dma_start3A_114 = arith.constant 0 : i32
      %dma_start3A_115 = tpu.memref_slice %arg13[%dma_start3A_113, %dma_start3A_114] : memref<10240x16xf32, #tpu.memory_space<vmem_shared>> -> memref<10240x16xf32, #tpu.memory_space<vmem_shared>>
      tpu.enqueue_indirect_dma source(%arg16 : memref<128x16xf32, #tpu.memory_space<vmem>>) target(%dma_start3A_115 : memref<10240x16xf32, #tpu.memory_space<vmem_shared>>) offsets(%dma_start3A_112 : memref<128xi32, #tpu.memory_space<vmem>>) semaphore(%arg21 : memref<!tpu.dma_semaphore, #tpu.memory_space<semaphore_mem>>) {add = true}
      %dma_start3A_116 = arith.constant 11 : i32
      %dma_start3A_117 = arith.constant 0 : i32
      %dma_start3A_118 = tpu.memref_slice %arg17[%dma_start3A_116, %dma_start3A_117] : memref<16x128xi32, #tpu.memory_space<vmem>> -> memref<1x128xi32, #tpu.memory_space<vmem>>
      %dma_start3A_119 = tpu.memref_squeeze %dma_start3A_118 : memref<1x128xi32, #tpu.memory_space<vmem>> -> memref<128xi32, #tpu.memory_space<vmem>>
      %dma_start3A_120 = arith.constant 0 : i32
      %dma_start3A_121 = arith.constant 0 : i32
      %dma_start3A_122 = tpu.memref_slice %arg13[%dma_start3A_120, %dma_start3A_121] : memref<10240x16xf32, #tpu.memory_space<vmem_shared>> -> memref<10240x16xf32, #tpu.memory_space<vmem_shared>>
      tpu.enqueue_indirect_dma source(%arg16 : memref<128x16xf32, #tpu.memory_space<vmem>>) target(%dma_start3A_122 : memref<10240x16xf32, #tpu.memory_space<vmem_shared>>) offsets(%dma_start3A_119 : memref<128xi32, #tpu.memory_space<vmem>>) semaphore(%arg21 : memref<!tpu.dma_semaphore, #tpu.memory_space<semaphore_mem>>) {add = true}
      %dma_start3A_123 = arith.constant 12 : i32
      %dma_start3A_124 = arith.constant 0 : i32
      %dma_start3A_125 = tpu.memref_slice %arg17[%dma_start3A_123, %dma_start3A_124] : memref<16x128xi32, #tpu.memory_space<vmem>> -> memref<1x128xi32, #tpu.memory_space<vmem>>
      %dma_start3A_126 = tpu.memref_squeeze %dma_start3A_125 : memref<1x128xi32, #tpu.memory_space<vmem>> -> memref<128xi32, #tpu.memory_space<vmem>>
      %dma_start3A_127 = arith.constant 0 : i32
      %dma_start3A_128 = arith.constant 0 : i32
      %dma_start3A_129 = tpu.memref_slice %arg13[%dma_start3A_127, %dma_start3A_128] : memref<10240x16xf32, #tpu.memory_space<vmem_shared>> -> memref<10240x16xf32, #tpu.memory_space<vmem_shared>>
      tpu.enqueue_indirect_dma source(%arg16 : memref<128x16xf32, #tpu.memory_space<vmem>>) target(%dma_start3A_129 : memref<10240x16xf32, #tpu.memory_space<vmem_shared>>) offsets(%dma_start3A_126 : memref<128xi32, #tpu.memory_space<vmem>>) semaphore(%arg21 : memref<!tpu.dma_semaphore, #tpu.memory_space<semaphore_mem>>) {add = true}
      %dma_start3A_130 = arith.constant 13 : i32
      %dma_start3A_131 = arith.constant 0 : i32
      %dma_start3A_132 = tpu.memref_slice %arg17[%dma_start3A_130, %dma_start3A_131] : memref<16x128xi32, #tpu.memory_space<vmem>> -> memref<1x128xi32, #tpu.memory_space<vmem>>
      %dma_start3A_133 = tpu.memref_squeeze %dma_start3A_132 : memref<1x128xi32, #tpu.memory_space<vmem>> -> memref<128xi32, #tpu.memory_space<vmem>>
      %dma_start3A_134 = arith.constant 0 : i32
      %dma_start3A_135 = arith.constant 0 : i32
      %dma_start3A_136 = tpu.memref_slice %arg13[%dma_start3A_134, %dma_start3A_135] : memref<10240x16xf32, #tpu.memory_space<vmem_shared>> -> memref<10240x16xf32, #tpu.memory_space<vmem_shared>>
      tpu.enqueue_indirect_dma source(%arg16 : memref<128x16xf32, #tpu.memory_space<vmem>>) target(%dma_start3A_136 : memref<10240x16xf32, #tpu.memory_space<vmem_shared>>) offsets(%dma_start3A_133 : memref<128xi32, #tpu.memory_space<vmem>>) semaphore(%arg21 : memref<!tpu.dma_semaphore, #tpu.memory_space<semaphore_mem>>) {add = true}
      %dma_start3A_137 = arith.constant 14 : i32
      %dma_start3A_138 = arith.constant 0 : i32
      %dma_start3A_139 = tpu.memref_slice %arg17[%dma_start3A_137, %dma_start3A_138] : memref<16x128xi32, #tpu.memory_space<vmem>> -> memref<1x128xi32, #tpu.memory_space<vmem>>
      %dma_start3A_140 = tpu.memref_squeeze %dma_start3A_139 : memref<1x128xi32, #tpu.memory_space<vmem>> -> memref<128xi32, #tpu.memory_space<vmem>>
      %dma_start3A_141 = arith.constant 0 : i32
      %dma_start3A_142 = arith.constant 0 : i32
      %dma_start3A_143 = tpu.memref_slice %arg13[%dma_start3A_141, %dma_start3A_142] : memref<10240x16xf32, #tpu.memory_space<vmem_shared>> -> memref<10240x16xf32, #tpu.memory_space<vmem_shared>>
      tpu.enqueue_indirect_dma source(%arg16 : memref<128x16xf32, #tpu.memory_space<vmem>>) target(%dma_start3A_143 : memref<10240x16xf32, #tpu.memory_space<vmem_shared>>) offsets(%dma_start3A_140 : memref<128xi32, #tpu.memory_space<vmem>>) semaphore(%arg21 : memref<!tpu.dma_semaphore, #tpu.memory_space<semaphore_mem>>) {add = true}
      %dma_start3A_144 = arith.constant 15 : i32
      %dma_start3A_145 = arith.constant 0 : i32
      %dma_start3A_146 = tpu.memref_slice %arg17[%dma_start3A_144, %dma_start3A_145] : memref<16x128xi32, #tpu.memory_space<vmem>> -> memref<1x128xi32, #tpu.memory_space<vmem>>
      %dma_start3A_147 = tpu.memref_squeeze %dma_start3A_146 : memref<1x128xi32, #tpu.memory_space<vmem>> -> memref<128xi32, #tpu.memory_space<vmem>>
      %dma_start3A_148 = arith.constant 0 : i32
      %dma_start3A_149 = arith.constant 0 : i32
      %dma_start3A_150 = tpu.memref_slice %arg13[%dma_start3A_148, %dma_start3A_149] : memref<10240x16xf32, #tpu.memory_space<vmem_shared>> -> memref<10240x16xf32, #tpu.memory_space<vmem_shared>>
      tpu.enqueue_indirect_dma source(%arg16 : memref<128x16xf32, #tpu.memory_space<vmem>>) target(%dma_start3A_150 : memref<10240x16xf32, #tpu.memory_space<vmem_shared>>) offsets(%dma_start3A_147 : memref<128xi32, #tpu.memory_space<vmem>>) semaphore(%arg21 : memref<!tpu.dma_semaphore, #tpu.memory_space<semaphore_mem>>) {add = true}
      %dma_wait3A = arith.constant 0 : i32
      %dma_wait3A_151 = arith.constant 0 : i32
      %dma_wait3A_152 = tpu.memref_slice %arg17[%dma_wait3A, %dma_wait3A_151] : memref<16x128xi32, #tpu.memory_space<vmem>> -> memref<1x128xi32, #tpu.memory_space<vmem>>
      %dma_wait3A_153 = tpu.memref_squeeze %dma_wait3A_152 : memref<1x128xi32, #tpu.memory_space<vmem>> -> memref<128xi32, #tpu.memory_space<vmem>>
      %dma_wait3A_154 = arith.constant 0 : i32
      %dma_wait3A_155 = arith.constant 0 : i32
      %dma_wait3A_156 = tpu.memref_slice %arg13[%dma_wait3A_154, %dma_wait3A_155] : memref<10240x16xf32, #tpu.memory_space<vmem_shared>> -> memref<10240x16xf32, #tpu.memory_space<vmem_shared>>
      tpu.wait_indirect_dma semaphore(%arg21 : memref<!tpu.dma_semaphore, #tpu.memory_space<semaphore_mem>>) src(%arg16 : memref<128x16xf32, #tpu.memory_space<vmem>>) dst(%dma_wait3A_156 : memref<10240x16xf32, #tpu.memory_space<vmem_shared>>)
      %dma_wait3A_157 = arith.constant 1 : i32
      %dma_wait3A_158 = arith.constant 0 : i32
      %dma_wait3A_159 = tpu.memref_slice %arg17[%dma_wait3A_157, %dma_wait3A_158] : memref<16x128xi32, #tpu.memory_space<vmem>> -> memref<1x128xi32, #tpu.memory_space<vmem>>
      %dma_wait3A_160 = tpu.memref_squeeze %dma_wait3A_159 : memref<1x128xi32, #tpu.memory_space<vmem>> -> memref<128xi32, #tpu.memory_space<vmem>>
      %dma_wait3A_161 = arith.constant 0 : i32
      %dma_wait3A_162 = arith.constant 0 : i32
      %dma_wait3A_163 = tpu.memref_slice %arg13[%dma_wait3A_161, %dma_wait3A_162] : memref<10240x16xf32, #tpu.memory_space<vmem_shared>> -> memref<10240x16xf32, #tpu.memory_space<vmem_shared>>
      tpu.wait_indirect_dma semaphore(%arg21 : memref<!tpu.dma_semaphore, #tpu.memory_space<semaphore_mem>>) src(%arg16 : memref<128x16xf32, #tpu.memory_space<vmem>>) dst(%dma_wait3A_163 : memref<10240x16xf32, #tpu.memory_space<vmem_shared>>)
      %dma_wait3A_164 = arith.constant 2 : i32
      %dma_wait3A_165 = arith.constant 0 : i32
      %dma_wait3A_166 = tpu.memref_slice %arg17[%dma_wait3A_164, %dma_wait3A_165] : memref<16x128xi32, #tpu.memory_space<vmem>> -> memref<1x128xi32, #tpu.memory_space<vmem>>
      %dma_wait3A_167 = tpu.memref_squeeze %dma_wait3A_166 : memref<1x128xi32, #tpu.memory_space<vmem>> -> memref<128xi32, #tpu.memory_space<vmem>>
      %dma_wait3A_168 = arith.constant 0 : i32
      %dma_wait3A_169 = arith.constant 0 : i32
      %dma_wait3A_170 = tpu.memref_slice %arg13[%dma_wait3A_168, %dma_wait3A_169] : memref<10240x16xf32, #tpu.memory_space<vmem_shared>> -> memref<10240x16xf32, #tpu.memory_space<vmem_shared>>
      tpu.wait_indirect_dma semaphore(%arg21 : memref<!tpu.dma_semaphore, #tpu.memory_space<semaphore_mem>>) src(%arg16 : memref<128x16xf32, #tpu.memory_space<vmem>>) dst(%dma_wait3A_170 : memref<10240x16xf32, #tpu.memory_space<vmem_shared>>)
      %dma_wait3A_171 = arith.constant 3 : i32
      %dma_wait3A_172 = arith.constant 0 : i32
      %dma_wait3A_173 = tpu.memref_slice %arg17[%dma_wait3A_171, %dma_wait3A_172] : memref<16x128xi32, #tpu.memory_space<vmem>> -> memref<1x128xi32, #tpu.memory_space<vmem>>
      %dma_wait3A_174 = tpu.memref_squeeze %dma_wait3A_173 : memref<1x128xi32, #tpu.memory_space<vmem>> -> memref<128xi32, #tpu.memory_space<vmem>>
      %dma_wait3A_175 = arith.constant 0 : i32
      %dma_wait3A_176 = arith.constant 0 : i32
      %dma_wait3A_177 = tpu.memref_slice %arg13[%dma_wait3A_175, %dma_wait3A_176] : memref<10240x16xf32, #tpu.memory_space<vmem_shared>> -> memref<10240x16xf32, #tpu.memory_space<vmem_shared>>
      tpu.wait_indirect_dma semaphore(%arg21 : memref<!tpu.dma_semaphore, #tpu.memory_space<semaphore_mem>>) src(%arg16 : memref<128x16xf32, #tpu.memory_space<vmem>>) dst(%dma_wait3A_177 : memref<10240x16xf32, #tpu.memory_space<vmem_shared>>)
      %dma_wait3A_178 = arith.constant 4 : i32
      %dma_wait3A_179 = arith.constant 0 : i32
      %dma_wait3A_180 = tpu.memref_slice %arg17[%dma_wait3A_178, %dma_wait3A_179] : memref<16x128xi32, #tpu.memory_space<vmem>> -> memref<1x128xi32, #tpu.memory_space<vmem>>
      %dma_wait3A_181 = tpu.memref_squeeze %dma_wait3A_180 : memref<1x128xi32, #tpu.memory_space<vmem>> -> memref<128xi32, #tpu.memory_space<vmem>>
      %dma_wait3A_182 = arith.constant 0 : i32
      %dma_wait3A_183 = arith.constant 0 : i32
      %dma_wait3A_184 = tpu.memref_slice %arg13[%dma_wait3A_182, %dma_wait3A_183] : memref<10240x16xf32, #tpu.memory_space<vmem_shared>> -> memref<10240x16xf32, #tpu.memory_space<vmem_shared>>
      tpu.wait_indirect_dma semaphore(%arg21 : memref<!tpu.dma_semaphore, #tpu.memory_space<semaphore_mem>>) src(%arg16 : memref<128x16xf32, #tpu.memory_space<vmem>>) dst(%dma_wait3A_184 : memref<10240x16xf32, #tpu.memory_space<vmem_shared>>)
      %dma_wait3A_185 = arith.constant 5 : i32
      %dma_wait3A_186 = arith.constant 0 : i32
      %dma_wait3A_187 = tpu.memref_slice %arg17[%dma_wait3A_185, %dma_wait3A_186] : memref<16x128xi32, #tpu.memory_space<vmem>> -> memref<1x128xi32, #tpu.memory_space<vmem>>
      %dma_wait3A_188 = tpu.memref_squeeze %dma_wait3A_187 : memref<1x128xi32, #tpu.memory_space<vmem>> -> memref<128xi32, #tpu.memory_space<vmem>>
      %dma_wait3A_189 = arith.constant 0 : i32
      %dma_wait3A_190 = arith.constant 0 : i32
      %dma_wait3A_191 = tpu.memref_slice %arg13[%dma_wait3A_189, %dma_wait3A_190] : memref<10240x16xf32, #tpu.memory_space<vmem_shared>> -> memref<10240x16xf32, #tpu.memory_space<vmem_shared>>
      tpu.wait_indirect_dma semaphore(%arg21 : memref<!tpu.dma_semaphore, #tpu.memory_space<semaphore_mem>>) src(%arg16 : memref<128x16xf32, #tpu.memory_space<vmem>>) dst(%dma_wait3A_191 : memref<10240x16xf32, #tpu.memory_space<vmem_shared>>)
      %dma_wait3A_192 = arith.constant 6 : i32
      %dma_wait3A_193 = arith.constant 0 : i32
      %dma_wait3A_194 = tpu.memref_slice %arg17[%dma_wait3A_192, %dma_wait3A_193] : memref<16x128xi32, #tpu.memory_space<vmem>> -> memref<1x128xi32, #tpu.memory_space<vmem>>
      %dma_wait3A_195 = tpu.memref_squeeze %dma_wait3A_194 : memref<1x128xi32, #tpu.memory_space<vmem>> -> memref<128xi32, #tpu.memory_space<vmem>>
      %dma_wait3A_196 = arith.constant 0 : i32
      %dma_wait3A_197 = arith.constant 0 : i32
      %dma_wait3A_198 = tpu.memref_slice %arg13[%dma_wait3A_196, %dma_wait3A_197] : memref<10240x16xf32, #tpu.memory_space<vmem_shared>> -> memref<10240x16xf32, #tpu.memory_space<vmem_shared>>
      tpu.wait_indirect_dma semaphore(%arg21 : memref<!tpu.dma_semaphore, #tpu.memory_space<semaphore_mem>>) src(%arg16 : memref<128x16xf32, #tpu.memory_space<vmem>>) dst(%dma_wait3A_198 : memref<10240x16xf32, #tpu.memory_space<vmem_shared>>)
      %dma_wait3A_199 = arith.constant 7 : i32
      %dma_wait3A_200 = arith.constant 0 : i32
      %dma_wait3A_201 = tpu.memref_slice %arg17[%dma_wait3A_199, %dma_wait3A_200] : memref<16x128xi32, #tpu.memory_space<vmem>> -> memref<1x128xi32, #tpu.memory_space<vmem>>
      %dma_wait3A_202 = tpu.memref_squeeze %dma_wait3A_201 : memref<1x128xi32, #tpu.memory_space<vmem>> -> memref<128xi32, #tpu.memory_space<vmem>>
      %dma_wait3A_203 = arith.constant 0 : i32
      %dma_wait3A_204 = arith.constant 0 : i32
      %dma_wait3A_205 = tpu.memref_slice %arg13[%dma_wait3A_203, %dma_wait3A_204] : memref<10240x16xf32, #tpu.memory_space<vmem_shared>> -> memref<10240x16xf32, #tpu.memory_space<vmem_shared>>
      tpu.wait_indirect_dma semaphore(%arg21 : memref<!tpu.dma_semaphore, #tpu.memory_space<semaphore_mem>>) src(%arg16 : memref<128x16xf32, #tpu.memory_space<vmem>>) dst(%dma_wait3A_205 : memref<10240x16xf32, #tpu.memory_space<vmem_shared>>)
      %dma_wait3A_206 = arith.constant 8 : i32
      %dma_wait3A_207 = arith.constant 0 : i32
      %dma_wait3A_208 = tpu.memref_slice %arg17[%dma_wait3A_206, %dma_wait3A_207] : memref<16x128xi32, #tpu.memory_space<vmem>> -> memref<1x128xi32, #tpu.memory_space<vmem>>
      %dma_wait3A_209 = tpu.memref_squeeze %dma_wait3A_208 : memref<1x128xi32, #tpu.memory_space<vmem>> -> memref<128xi32, #tpu.memory_space<vmem>>
      %dma_wait3A_210 = arith.constant 0 : i32
      %dma_wait3A_211 = arith.constant 0 : i32
      %dma_wait3A_212 = tpu.memref_slice %arg13[%dma_wait3A_210, %dma_wait3A_211] : memref<10240x16xf32, #tpu.memory_space<vmem_shared>> -> memref<10240x16xf32, #tpu.memory_space<vmem_shared>>
      tpu.wait_indirect_dma semaphore(%arg21 : memref<!tpu.dma_semaphore, #tpu.memory_space<semaphore_mem>>) src(%arg16 : memref<128x16xf32, #tpu.memory_space<vmem>>) dst(%dma_wait3A_212 : memref<10240x16xf32, #tpu.memory_space<vmem_shared>>)
      %dma_wait3A_213 = arith.constant 9 : i32
      %dma_wait3A_214 = arith.constant 0 : i32
      %dma_wait3A_215 = tpu.memref_slice %arg17[%dma_wait3A_213, %dma_wait3A_214] : memref<16x128xi32, #tpu.memory_space<vmem>> -> memref<1x128xi32, #tpu.memory_space<vmem>>
      %dma_wait3A_216 = tpu.memref_squeeze %dma_wait3A_215 : memref<1x128xi32, #tpu.memory_space<vmem>> -> memref<128xi32, #tpu.memory_space<vmem>>
      %dma_wait3A_217 = arith.constant 0 : i32
      %dma_wait3A_218 = arith.constant 0 : i32
      %dma_wait3A_219 = tpu.memref_slice %arg13[%dma_wait3A_217, %dma_wait3A_218] : memref<10240x16xf32, #tpu.memory_space<vmem_shared>> -> memref<10240x16xf32, #tpu.memory_space<vmem_shared>>
      tpu.wait_indirect_dma semaphore(%arg21 : memref<!tpu.dma_semaphore, #tpu.memory_space<semaphore_mem>>) src(%arg16 : memref<128x16xf32, #tpu.memory_space<vmem>>) dst(%dma_wait3A_219 : memref<10240x16xf32, #tpu.memory_space<vmem_shared>>)
      %dma_wait3A_220 = arith.constant 10 : i32
      %dma_wait3A_221 = arith.constant 0 : i32
      %dma_wait3A_222 = tpu.memref_slice %arg17[%dma_wait3A_220, %dma_wait3A_221] : memref<16x128xi32, #tpu.memory_space<vmem>> -> memref<1x128xi32, #tpu.memory_space<vmem>>
      %dma_wait3A_223 = tpu.memref_squeeze %dma_wait3A_222 : memref<1x128xi32, #tpu.memory_space<vmem>> -> memref<128xi32, #tpu.memory_space<vmem>>
      %dma_wait3A_224 = arith.constant 0 : i32
      %dma_wait3A_225 = arith.constant 0 : i32
      %dma_wait3A_226 = tpu.memref_slice %arg13[%dma_wait3A_224, %dma_wait3A_225] : memref<10240x16xf32, #tpu.memory_space<vmem_shared>> -> memref<10240x16xf32, #tpu.memory_space<vmem_shared>>
      tpu.wait_indirect_dma semaphore(%arg21 : memref<!tpu.dma_semaphore, #tpu.memory_space<semaphore_mem>>) src(%arg16 : memref<128x16xf32, #tpu.memory_space<vmem>>) dst(%dma_wait3A_226 : memref<10240x16xf32, #tpu.memory_space<vmem_shared>>)
      %dma_wait3A_227 = arith.constant 11 : i32
      %dma_wait3A_228 = arith.constant 0 : i32
      %dma_wait3A_229 = tpu.memref_slice %arg17[%dma_wait3A_227, %dma_wait3A_228] : memref<16x128xi32, #tpu.memory_space<vmem>> -> memref<1x128xi32, #tpu.memory_space<vmem>>
      %dma_wait3A_230 = tpu.memref_squeeze %dma_wait3A_229 : memref<1x128xi32, #tpu.memory_space<vmem>> -> memref<128xi32, #tpu.memory_space<vmem>>
      %dma_wait3A_231 = arith.constant 0 : i32
      %dma_wait3A_232 = arith.constant 0 : i32
      %dma_wait3A_233 = tpu.memref_slice %arg13[%dma_wait3A_231, %dma_wait3A_232] : memref<10240x16xf32, #tpu.memory_space<vmem_shared>> -> memref<10240x16xf32, #tpu.memory_space<vmem_shared>>
      tpu.wait_indirect_dma semaphore(%arg21 : memref<!tpu.dma_semaphore, #tpu.memory_space<semaphore_mem>>) src(%arg16 : memref<128x16xf32, #tpu.memory_space<vmem>>) dst(%dma_wait3A_233 : memref<10240x16xf32, #tpu.memory_space<vmem_shared>>)
      %dma_wait3A_234 = arith.constant 12 : i32
      %dma_wait3A_235 = arith.constant 0 : i32
      %dma_wait3A_236 = tpu.memref_slice %arg17[%dma_wait3A_234, %dma_wait3A_235] : memref<16x128xi32, #tpu.memory_space<vmem>> -> memref<1x128xi32, #tpu.memory_space<vmem>>
      %dma_wait3A_237 = tpu.memref_squeeze %dma_wait3A_236 : memref<1x128xi32, #tpu.memory_space<vmem>> -> memref<128xi32, #tpu.memory_space<vmem>>
      %dma_wait3A_238 = arith.constant 0 : i32
      %dma_wait3A_239 = arith.constant 0 : i32
      %dma_wait3A_240 = tpu.memref_slice %arg13[%dma_wait3A_238, %dma_wait3A_239] : memref<10240x16xf32, #tpu.memory_space<vmem_shared>> -> memref<10240x16xf32, #tpu.memory_space<vmem_shared>>
      tpu.wait_indirect_dma semaphore(%arg21 : memref<!tpu.dma_semaphore, #tpu.memory_space<semaphore_mem>>) src(%arg16 : memref<128x16xf32, #tpu.memory_space<vmem>>) dst(%dma_wait3A_240 : memref<10240x16xf32, #tpu.memory_space<vmem_shared>>)
      %dma_wait3A_241 = arith.constant 13 : i32
      %dma_wait3A_242 = arith.constant 0 : i32
      %dma_wait3A_243 = tpu.memref_slice %arg17[%dma_wait3A_241, %dma_wait3A_242] : memref<16x128xi32, #tpu.memory_space<vmem>> -> memref<1x128xi32, #tpu.memory_space<vmem>>
      %dma_wait3A_244 = tpu.memref_squeeze %dma_wait3A_243 : memref<1x128xi32, #tpu.memory_space<vmem>> -> memref<128xi32, #tpu.memory_space<vmem>>
      %dma_wait3A_245 = arith.constant 0 : i32
      %dma_wait3A_246 = arith.constant 0 : i32
      %dma_wait3A_247 = tpu.memref_slice %arg13[%dma_wait3A_245, %dma_wait3A_246] : memref<10240x16xf32, #tpu.memory_space<vmem_shared>> -> memref<10240x16xf32, #tpu.memory_space<vmem_shared>>
      tpu.wait_indirect_dma semaphore(%arg21 : memref<!tpu.dma_semaphore, #tpu.memory_space<semaphore_mem>>) src(%arg16 : memref<128x16xf32, #tpu.memory_space<vmem>>) dst(%dma_wait3A_247 : memref<10240x16xf32, #tpu.memory_space<vmem_shared>>)
      %dma_wait3A_248 = arith.constant 14 : i32
      %dma_wait3A_249 = arith.constant 0 : i32
      %dma_wait3A_250 = tpu.memref_slice %arg17[%dma_wait3A_248, %dma_wait3A_249] : memref<16x128xi32, #tpu.memory_space<vmem>> -> memref<1x128xi32, #tpu.memory_space<vmem>>
      %dma_wait3A_251 = tpu.memref_squeeze %dma_wait3A_250 : memref<1x128xi32, #tpu.memory_space<vmem>> -> memref<128xi32, #tpu.memory_space<vmem>>
      %dma_wait3A_252 = arith.constant 0 : i32
      %dma_wait3A_253 = arith.constant 0 : i32
      %dma_wait3A_254 = tpu.memref_slice %arg13[%dma_wait3A_252, %dma_wait3A_253] : memref<10240x16xf32, #tpu.memory_space<vmem_shared>> -> memref<10240x16xf32, #tpu.memory_space<vmem_shared>>
      tpu.wait_indirect_dma semaphore(%arg21 : memref<!tpu.dma_semaphore, #tpu.memory_space<semaphore_mem>>) src(%arg16 : memref<128x16xf32, #tpu.memory_space<vmem>>) dst(%dma_wait3A_254 : memref<10240x16xf32, #tpu.memory_space<vmem_shared>>)
      %dma_wait3A_255 = arith.constant 15 : i32
      %dma_wait3A_256 = arith.constant 0 : i32
      %dma_wait3A_257 = tpu.memref_slice %arg17[%dma_wait3A_255, %dma_wait3A_256] : memref<16x128xi32, #tpu.memory_space<vmem>> -> memref<1x128xi32, #tpu.memory_space<vmem>>
      %dma_wait3A_258 = tpu.memref_squeeze %dma_wait3A_257 : memref<1x128xi32, #tpu.memory_space<vmem>> -> memref<128xi32, #tpu.memory_space<vmem>>
      %dma_wait3A_259 = arith.constant 0 : i32
      %dma_wait3A_260 = arith.constant 0 : i32
      %dma_wait3A_261 = tpu.memref_slice %arg13[%dma_wait3A_259, %dma_wait3A_260] : memref<10240x16xf32, #tpu.memory_space<vmem_shared>> -> memref<10240x16xf32, #tpu.memory_space<vmem_shared>>
      tpu.wait_indirect_dma semaphore(%arg21 : memref<!tpu.dma_semaphore, #tpu.memory_space<semaphore_mem>>) src(%arg16 : memref<128x16xf32, #tpu.memory_space<vmem>>) dst(%dma_wait3A_261 : memref<10240x16xf32, #tpu.memory_space<vmem_shared>>)
    }
    %scan3A_11 = arith.constant 5 : i32
    %scan3A_12 = arith.constant 0 : i32
    %scan3A_13 = arith.constant 0 : i32
    %scan3A_14 = arith.constant 5 : i32
    %scan3A_15 = arith.addi %scan3A_13, %scan3A_14 : i32
    %scan3A_16 = arith.constant 1 : i32
    scf.for %scan3A_37 = %scan3A_13 to %scan3A_15 step %scan3A_16  : i32 {
      %mul3A_38 = arith.constant 8 : i32
      %mul3A_39 = arith.muli %scan3A_37, %mul3A_38 : i32
      "tpu.region"() ({
        %run_scoped3A = tpu.sem_alloc : memref<!tpu.dma_semaphore, #tpu.memory_space<semaphore_mem>>
        %dma_start3A_150 = arith.constant 0 : i32
        %dma_start3A_151 = tpu.memref_slice %arg4[%add3A, %mul3A_39, %dma_start3A_150] : memref<32x40x128xi32, #tpu.memory_space<hbm>> -> memref<1x8x128xi32, #tpu.memory_space<hbm>>
        %dma_start3A_152 = tpu.memref_squeeze %dma_start3A_151 : memref<1x8x128xi32, #tpu.memory_space<hbm>> -> memref<8x128xi32, #tpu.memory_space<hbm>>
        %dma_start3A_153 = arith.constant 0 : i32
        %dma_start3A_154 = tpu.memref_slice %arg4[%add3A, %mul3A_39, %dma_start3A_153] : memref<32x40x128xi32, #tpu.memory_space<hbm>> -> memref<1x8x128xi32, #tpu.memory_space<hbm>>
        %dma_start3A_155 = tpu.memref_squeeze %dma_start3A_154 : memref<1x8x128xi32, #tpu.memory_space<hbm>> -> memref<8x128xi32, #tpu.memory_space<hbm>>
        tpu.enqueue_dma source(%dma_start3A_155 : memref<8x128xi32, #tpu.memory_space<hbm>>) target(%arg19 : memref<8x128xi32, #tpu.memory_space<vmem>>) target_semaphore(%run_scoped3A : memref<!tpu.dma_semaphore, #tpu.memory_space<semaphore_mem>>)
        %dma_wait3A_156 = arith.constant 0 : i32
        %dma_wait3A_157 = tpu.memref_slice %arg4[%add3A, %mul3A_39, %dma_wait3A_156] : memref<32x40x128xi32, #tpu.memory_space<hbm>> -> memref<1x8x128xi32, #tpu.memory_space<hbm>>
        %dma_wait3A_158 = tpu.memref_squeeze %dma_wait3A_157 : memref<1x8x128xi32, #tpu.memory_space<hbm>> -> memref<8x128xi32, #tpu.memory_space<hbm>>
        %dma_wait3A_159 = arith.constant 0 : i32
        %dma_wait3A_160 = tpu.memref_slice %arg4[%add3A, %mul3A_39, %dma_wait3A_159] : memref<32x40x128xi32, #tpu.memory_space<hbm>> -> memref<1x8x128xi32, #tpu.memory_space<hbm>>
        %dma_wait3A_161 = tpu.memref_squeeze %dma_wait3A_160 : memref<1x8x128xi32, #tpu.memory_space<hbm>> -> memref<8x128xi32, #tpu.memory_space<hbm>>
        tpu.wait_dma2 semaphore(%run_scoped3A : memref<!tpu.dma_semaphore, #tpu.memory_space<semaphore_mem>>) src(%dma_wait3A_161 : memref<8x128xi32, #tpu.memory_space<hbm>>) dst(%arg19 : memref<8x128xi32, #tpu.memory_space<vmem>>)
        tpu.yield
      }) : () -> ()
      %dma_start3A = arith.constant 0 : i32
      %dma_start3A_40 = arith.constant 0 : i32
      %dma_start3A_41 = tpu.memref_slice %arg19[%dma_start3A, %dma_start3A_40] : memref<8x128xi32, #tpu.memory_space<vmem>> -> memref<1x128xi32, #tpu.memory_space<vmem>>
      %dma_start3A_42 = tpu.memref_squeeze %dma_start3A_41 : memref<1x128xi32, #tpu.memory_space<vmem>> -> memref<128xi32, #tpu.memory_space<vmem>>
      %dma_start3A_43 = arith.constant 0 : i32
      %dma_start3A_44 = arith.constant 0 : i32
      %dma_start3A_45 = tpu.memref_slice %arg14[%dma_start3A_43, %dma_start3A_44] : memref<1024x16xf32, #tpu.memory_space<vmem_shared>> -> memref<1024x16xf32, #tpu.memory_space<vmem_shared>>
      tpu.enqueue_indirect_dma source(%arg16 : memref<128x16xf32, #tpu.memory_space<vmem>>) target(%dma_start3A_45 : memref<1024x16xf32, #tpu.memory_space<vmem_shared>>) offsets(%dma_start3A_42 : memref<128xi32, #tpu.memory_space<vmem>>) semaphore(%arg21 : memref<!tpu.dma_semaphore, #tpu.memory_space<semaphore_mem>>) {add = true}
      %dma_start3A_46 = arith.constant 1 : i32
      %dma_start3A_47 = arith.constant 0 : i32
      %dma_start3A_48 = tpu.memref_slice %arg19[%dma_start3A_46, %dma_start3A_47] : memref<8x128xi32, #tpu.memory_space<vmem>> -> memref<1x128xi32, #tpu.memory_space<vmem>>
      %dma_start3A_49 = tpu.memref_squeeze %dma_start3A_48 : memref<1x128xi32, #tpu.memory_space<vmem>> -> memref<128xi32, #tpu.memory_space<vmem>>
      %dma_start3A_50 = arith.constant 0 : i32
      %dma_start3A_51 = arith.constant 0 : i32
      %dma_start3A_52 = tpu.memref_slice %arg14[%dma_start3A_50, %dma_start3A_51] : memref<1024x16xf32, #tpu.memory_space<vmem_shared>> -> memref<1024x16xf32, #tpu.memory_space<vmem_shared>>
      tpu.enqueue_indirect_dma source(%arg16 : memref<128x16xf32, #tpu.memory_space<vmem>>) target(%dma_start3A_52 : memref<1024x16xf32, #tpu.memory_space<vmem_shared>>) offsets(%dma_start3A_49 : memref<128xi32, #tpu.memory_space<vmem>>) semaphore(%arg21 : memref<!tpu.dma_semaphore, #tpu.memory_space<semaphore_mem>>) {add = true}
      %dma_start3A_53 = arith.constant 2 : i32
      %dma_start3A_54 = arith.constant 0 : i32
      %dma_start3A_55 = tpu.memref_slice %arg19[%dma_start3A_53, %dma_start3A_54] : memref<8x128xi32, #tpu.memory_space<vmem>> -> memref<1x128xi32, #tpu.memory_space<vmem>>
      %dma_start3A_56 = tpu.memref_squeeze %dma_start3A_55 : memref<1x128xi32, #tpu.memory_space<vmem>> -> memref<128xi32, #tpu.memory_space<vmem>>
      %dma_start3A_57 = arith.constant 0 : i32
      %dma_start3A_58 = arith.constant 0 : i32
      %dma_start3A_59 = tpu.memref_slice %arg14[%dma_start3A_57, %dma_start3A_58] : memref<1024x16xf32, #tpu.memory_space<vmem_shared>> -> memref<1024x16xf32, #tpu.memory_space<vmem_shared>>
      tpu.enqueue_indirect_dma source(%arg16 : memref<128x16xf32, #tpu.memory_space<vmem>>) target(%dma_start3A_59 : memref<1024x16xf32, #tpu.memory_space<vmem_shared>>) offsets(%dma_start3A_56 : memref<128xi32, #tpu.memory_space<vmem>>) semaphore(%arg21 : memref<!tpu.dma_semaphore, #tpu.memory_space<semaphore_mem>>) {add = true}
      %dma_start3A_60 = arith.constant 3 : i32
      %dma_start3A_61 = arith.constant 0 : i32
      %dma_start3A_62 = tpu.memref_slice %arg19[%dma_start3A_60, %dma_start3A_61] : memref<8x128xi32, #tpu.memory_space<vmem>> -> memref<1x128xi32, #tpu.memory_space<vmem>>
      %dma_start3A_63 = tpu.memref_squeeze %dma_start3A_62 : memref<1x128xi32, #tpu.memory_space<vmem>> -> memref<128xi32, #tpu.memory_space<vmem>>
      %dma_start3A_64 = arith.constant 0 : i32
      %dma_start3A_65 = arith.constant 0 : i32
      %dma_start3A_66 = tpu.memref_slice %arg14[%dma_start3A_64, %dma_start3A_65] : memref<1024x16xf32, #tpu.memory_space<vmem_shared>> -> memref<1024x16xf32, #tpu.memory_space<vmem_shared>>
      tpu.enqueue_indirect_dma source(%arg16 : memref<128x16xf32, #tpu.memory_space<vmem>>) target(%dma_start3A_66 : memref<1024x16xf32, #tpu.memory_space<vmem_shared>>) offsets(%dma_start3A_63 : memref<128xi32, #tpu.memory_space<vmem>>) semaphore(%arg21 : memref<!tpu.dma_semaphore, #tpu.memory_space<semaphore_mem>>) {add = true}
      %dma_start3A_67 = arith.constant 4 : i32
      %dma_start3A_68 = arith.constant 0 : i32
      %dma_start3A_69 = tpu.memref_slice %arg19[%dma_start3A_67, %dma_start3A_68] : memref<8x128xi32, #tpu.memory_space<vmem>> -> memref<1x128xi32, #tpu.memory_space<vmem>>
      %dma_start3A_70 = tpu.memref_squeeze %dma_start3A_69 : memref<1x128xi32, #tpu.memory_space<vmem>> -> memref<128xi32, #tpu.memory_space<vmem>>
      %dma_start3A_71 = arith.constant 0 : i32
      %dma_start3A_72 = arith.constant 0 : i32
      %dma_start3A_73 = tpu.memref_slice %arg14[%dma_start3A_71, %dma_start3A_72] : memref<1024x16xf32, #tpu.memory_space<vmem_shared>> -> memref<1024x16xf32, #tpu.memory_space<vmem_shared>>
      tpu.enqueue_indirect_dma source(%arg16 : memref<128x16xf32, #tpu.memory_space<vmem>>) target(%dma_start3A_73 : memref<1024x16xf32, #tpu.memory_space<vmem_shared>>) offsets(%dma_start3A_70 : memref<128xi32, #tpu.memory_space<vmem>>) semaphore(%arg21 : memref<!tpu.dma_semaphore, #tpu.memory_space<semaphore_mem>>) {add = true}
      %dma_start3A_74 = arith.constant 5 : i32
      %dma_start3A_75 = arith.constant 0 : i32
      %dma_start3A_76 = tpu.memref_slice %arg19[%dma_start3A_74, %dma_start3A_75] : memref<8x128xi32, #tpu.memory_space<vmem>> -> memref<1x128xi32, #tpu.memory_space<vmem>>
      %dma_start3A_77 = tpu.memref_squeeze %dma_start3A_76 : memref<1x128xi32, #tpu.memory_space<vmem>> -> memref<128xi32, #tpu.memory_space<vmem>>
      %dma_start3A_78 = arith.constant 0 : i32
      %dma_start3A_79 = arith.constant 0 : i32
      %dma_start3A_80 = tpu.memref_slice %arg14[%dma_start3A_78, %dma_start3A_79] : memref<1024x16xf32, #tpu.memory_space<vmem_shared>> -> memref<1024x16xf32, #tpu.memory_space<vmem_shared>>
      tpu.enqueue_indirect_dma source(%arg16 : memref<128x16xf32, #tpu.memory_space<vmem>>) target(%dma_start3A_80 : memref<1024x16xf32, #tpu.memory_space<vmem_shared>>) offsets(%dma_start3A_77 : memref<128xi32, #tpu.memory_space<vmem>>) semaphore(%arg21 : memref<!tpu.dma_semaphore, #tpu.memory_space<semaphore_mem>>) {add = true}
      %dma_start3A_81 = arith.constant 6 : i32
      %dma_start3A_82 = arith.constant 0 : i32
      %dma_start3A_83 = tpu.memref_slice %arg19[%dma_start3A_81, %dma_start3A_82] : memref<8x128xi32, #tpu.memory_space<vmem>> -> memref<1x128xi32, #tpu.memory_space<vmem>>
      %dma_start3A_84 = tpu.memref_squeeze %dma_start3A_83 : memref<1x128xi32, #tpu.memory_space<vmem>> -> memref<128xi32, #tpu.memory_space<vmem>>
      %dma_start3A_85 = arith.constant 0 : i32
      %dma_start3A_86 = arith.constant 0 : i32
      %dma_start3A_87 = tpu.memref_slice %arg14[%dma_start3A_85, %dma_start3A_86] : memref<1024x16xf32, #tpu.memory_space<vmem_shared>> -> memref<1024x16xf32, #tpu.memory_space<vmem_shared>>
      tpu.enqueue_indirect_dma source(%arg16 : memref<128x16xf32, #tpu.memory_space<vmem>>) target(%dma_start3A_87 : memref<1024x16xf32, #tpu.memory_space<vmem_shared>>) offsets(%dma_start3A_84 : memref<128xi32, #tpu.memory_space<vmem>>) semaphore(%arg21 : memref<!tpu.dma_semaphore, #tpu.memory_space<semaphore_mem>>) {add = true}
      %dma_start3A_88 = arith.constant 7 : i32
      %dma_start3A_89 = arith.constant 0 : i32
      %dma_start3A_90 = tpu.memref_slice %arg19[%dma_start3A_88, %dma_start3A_89] : memref<8x128xi32, #tpu.memory_space<vmem>> -> memref<1x128xi32, #tpu.memory_space<vmem>>
      %dma_start3A_91 = tpu.memref_squeeze %dma_start3A_90 : memref<1x128xi32, #tpu.memory_space<vmem>> -> memref<128xi32, #tpu.memory_space<vmem>>
      %dma_start3A_92 = arith.constant 0 : i32
      %dma_start3A_93 = arith.constant 0 : i32
      %dma_start3A_94 = tpu.memref_slice %arg14[%dma_start3A_92, %dma_start3A_93] : memref<1024x16xf32, #tpu.memory_space<vmem_shared>> -> memref<1024x16xf32, #tpu.memory_space<vmem_shared>>
      tpu.enqueue_indirect_dma source(%arg16 : memref<128x16xf32, #tpu.memory_space<vmem>>) target(%dma_start3A_94 : memref<1024x16xf32, #tpu.memory_space<vmem_shared>>) offsets(%dma_start3A_91 : memref<128xi32, #tpu.memory_space<vmem>>) semaphore(%arg21 : memref<!tpu.dma_semaphore, #tpu.memory_space<semaphore_mem>>) {add = true}
      %dma_wait3A = arith.constant 0 : i32
      %dma_wait3A_95 = arith.constant 0 : i32
      %dma_wait3A_96 = tpu.memref_slice %arg19[%dma_wait3A, %dma_wait3A_95] : memref<8x128xi32, #tpu.memory_space<vmem>> -> memref<1x128xi32, #tpu.memory_space<vmem>>
      %dma_wait3A_97 = tpu.memref_squeeze %dma_wait3A_96 : memref<1x128xi32, #tpu.memory_space<vmem>> -> memref<128xi32, #tpu.memory_space<vmem>>
      %dma_wait3A_98 = arith.constant 0 : i32
      %dma_wait3A_99 = arith.constant 0 : i32
      %dma_wait3A_100 = tpu.memref_slice %arg14[%dma_wait3A_98, %dma_wait3A_99] : memref<1024x16xf32, #tpu.memory_space<vmem_shared>> -> memref<1024x16xf32, #tpu.memory_space<vmem_shared>>
      tpu.wait_indirect_dma semaphore(%arg21 : memref<!tpu.dma_semaphore, #tpu.memory_space<semaphore_mem>>) src(%arg16 : memref<128x16xf32, #tpu.memory_space<vmem>>) dst(%dma_wait3A_100 : memref<1024x16xf32, #tpu.memory_space<vmem_shared>>)
      %dma_wait3A_101 = arith.constant 1 : i32
      %dma_wait3A_102 = arith.constant 0 : i32
      %dma_wait3A_103 = tpu.memref_slice %arg19[%dma_wait3A_101, %dma_wait3A_102] : memref<8x128xi32, #tpu.memory_space<vmem>> -> memref<1x128xi32, #tpu.memory_space<vmem>>
      %dma_wait3A_104 = tpu.memref_squeeze %dma_wait3A_103 : memref<1x128xi32, #tpu.memory_space<vmem>> -> memref<128xi32, #tpu.memory_space<vmem>>
      %dma_wait3A_105 = arith.constant 0 : i32
      %dma_wait3A_106 = arith.constant 0 : i32
      %dma_wait3A_107 = tpu.memref_slice %arg14[%dma_wait3A_105, %dma_wait3A_106] : memref<1024x16xf32, #tpu.memory_space<vmem_shared>> -> memref<1024x16xf32, #tpu.memory_space<vmem_shared>>
      tpu.wait_indirect_dma semaphore(%arg21 : memref<!tpu.dma_semaphore, #tpu.memory_space<semaphore_mem>>) src(%arg16 : memref<128x16xf32, #tpu.memory_space<vmem>>) dst(%dma_wait3A_107 : memref<1024x16xf32, #tpu.memory_space<vmem_shared>>)
      %dma_wait3A_108 = arith.constant 2 : i32
      %dma_wait3A_109 = arith.constant 0 : i32
      %dma_wait3A_110 = tpu.memref_slice %arg19[%dma_wait3A_108, %dma_wait3A_109] : memref<8x128xi32, #tpu.memory_space<vmem>> -> memref<1x128xi32, #tpu.memory_space<vmem>>
      %dma_wait3A_111 = tpu.memref_squeeze %dma_wait3A_110 : memref<1x128xi32, #tpu.memory_space<vmem>> -> memref<128xi32, #tpu.memory_space<vmem>>
      %dma_wait3A_112 = arith.constant 0 : i32
      %dma_wait3A_113 = arith.constant 0 : i32
      %dma_wait3A_114 = tpu.memref_slice %arg14[%dma_wait3A_112, %dma_wait3A_113] : memref<1024x16xf32, #tpu.memory_space<vmem_shared>> -> memref<1024x16xf32, #tpu.memory_space<vmem_shared>>
      tpu.wait_indirect_dma semaphore(%arg21 : memref<!tpu.dma_semaphore, #tpu.memory_space<semaphore_mem>>) src(%arg16 : memref<128x16xf32, #tpu.memory_space<vmem>>) dst(%dma_wait3A_114 : memref<1024x16xf32, #tpu.memory_space<vmem_shared>>)
      %dma_wait3A_115 = arith.constant 3 : i32
      %dma_wait3A_116 = arith.constant 0 : i32
      %dma_wait3A_117 = tpu.memref_slice %arg19[%dma_wait3A_115, %dma_wait3A_116] : memref<8x128xi32, #tpu.memory_space<vmem>> -> memref<1x128xi32, #tpu.memory_space<vmem>>
      %dma_wait3A_118 = tpu.memref_squeeze %dma_wait3A_117 : memref<1x128xi32, #tpu.memory_space<vmem>> -> memref<128xi32, #tpu.memory_space<vmem>>
      %dma_wait3A_119 = arith.constant 0 : i32
      %dma_wait3A_120 = arith.constant 0 : i32
      %dma_wait3A_121 = tpu.memref_slice %arg14[%dma_wait3A_119, %dma_wait3A_120] : memref<1024x16xf32, #tpu.memory_space<vmem_shared>> -> memref<1024x16xf32, #tpu.memory_space<vmem_shared>>
      tpu.wait_indirect_dma semaphore(%arg21 : memref<!tpu.dma_semaphore, #tpu.memory_space<semaphore_mem>>) src(%arg16 : memref<128x16xf32, #tpu.memory_space<vmem>>) dst(%dma_wait3A_121 : memref<1024x16xf32, #tpu.memory_space<vmem_shared>>)
      %dma_wait3A_122 = arith.constant 4 : i32
      %dma_wait3A_123 = arith.constant 0 : i32
      %dma_wait3A_124 = tpu.memref_slice %arg19[%dma_wait3A_122, %dma_wait3A_123] : memref<8x128xi32, #tpu.memory_space<vmem>> -> memref<1x128xi32, #tpu.memory_space<vmem>>
      %dma_wait3A_125 = tpu.memref_squeeze %dma_wait3A_124 : memref<1x128xi32, #tpu.memory_space<vmem>> -> memref<128xi32, #tpu.memory_space<vmem>>
      %dma_wait3A_126 = arith.constant 0 : i32
      %dma_wait3A_127 = arith.constant 0 : i32
      %dma_wait3A_128 = tpu.memref_slice %arg14[%dma_wait3A_126, %dma_wait3A_127] : memref<1024x16xf32, #tpu.memory_space<vmem_shared>> -> memref<1024x16xf32, #tpu.memory_space<vmem_shared>>
      tpu.wait_indirect_dma semaphore(%arg21 : memref<!tpu.dma_semaphore, #tpu.memory_space<semaphore_mem>>) src(%arg16 : memref<128x16xf32, #tpu.memory_space<vmem>>) dst(%dma_wait3A_128 : memref<1024x16xf32, #tpu.memory_space<vmem_shared>>)
      %dma_wait3A_129 = arith.constant 5 : i32
      %dma_wait3A_130 = arith.constant 0 : i32
      %dma_wait3A_131 = tpu.memref_slice %arg19[%dma_wait3A_129, %dma_wait3A_130] : memref<8x128xi32, #tpu.memory_space<vmem>> -> memref<1x128xi32, #tpu.memory_space<vmem>>
      %dma_wait3A_132 = tpu.memref_squeeze %dma_wait3A_131 : memref<1x128xi32, #tpu.memory_space<vmem>> -> memref<128xi32, #tpu.memory_space<vmem>>
      %dma_wait3A_133 = arith.constant 0 : i32
      %dma_wait3A_134 = arith.constant 0 : i32
      %dma_wait3A_135 = tpu.memref_slice %arg14[%dma_wait3A_133, %dma_wait3A_134] : memref<1024x16xf32, #tpu.memory_space<vmem_shared>> -> memref<1024x16xf32, #tpu.memory_space<vmem_shared>>
      tpu.wait_indirect_dma semaphore(%arg21 : memref<!tpu.dma_semaphore, #tpu.memory_space<semaphore_mem>>) src(%arg16 : memref<128x16xf32, #tpu.memory_space<vmem>>) dst(%dma_wait3A_135 : memref<1024x16xf32, #tpu.memory_space<vmem_shared>>)
      %dma_wait3A_136 = arith.constant 6 : i32
      %dma_wait3A_137 = arith.constant 0 : i32
      %dma_wait3A_138 = tpu.memref_slice %arg19[%dma_wait3A_136, %dma_wait3A_137] : memref<8x128xi32, #tpu.memory_space<vmem>> -> memref<1x128xi32, #tpu.memory_space<vmem>>
      %dma_wait3A_139 = tpu.memref_squeeze %dma_wait3A_138 : memref<1x128xi32, #tpu.memory_space<vmem>> -> memref<128xi32, #tpu.memory_space<vmem>>
      %dma_wait3A_140 = arith.constant 0 : i32
      %dma_wait3A_141 = arith.constant 0 : i32
      %dma_wait3A_142 = tpu.memref_slice %arg14[%dma_wait3A_140, %dma_wait3A_141] : memref<1024x16xf32, #tpu.memory_space<vmem_shared>> -> memref<1024x16xf32, #tpu.memory_space<vmem_shared>>
      tpu.wait_indirect_dma semaphore(%arg21 : memref<!tpu.dma_semaphore, #tpu.memory_space<semaphore_mem>>) src(%arg16 : memref<128x16xf32, #tpu.memory_space<vmem>>) dst(%dma_wait3A_142 : memref<1024x16xf32, #tpu.memory_space<vmem_shared>>)
      %dma_wait3A_143 = arith.constant 7 : i32
      %dma_wait3A_144 = arith.constant 0 : i32
      %dma_wait3A_145 = tpu.memref_slice %arg19[%dma_wait3A_143, %dma_wait3A_144] : memref<8x128xi32, #tpu.memory_space<vmem>> -> memref<1x128xi32, #tpu.memory_space<vmem>>
      %dma_wait3A_146 = tpu.memref_squeeze %dma_wait3A_145 : memref<1x128xi32, #tpu.memory_space<vmem>> -> memref<128xi32, #tpu.memory_space<vmem>>
      %dma_wait3A_147 = arith.constant 0 : i32
      %dma_wait3A_148 = arith.constant 0 : i32
      %dma_wait3A_149 = tpu.memref_slice %arg14[%dma_wait3A_147, %dma_wait3A_148] : memref<1024x16xf32, #tpu.memory_space<vmem_shared>> -> memref<1024x16xf32, #tpu.memory_space<vmem_shared>>
      tpu.wait_indirect_dma semaphore(%arg21 : memref<!tpu.dma_semaphore, #tpu.memory_space<semaphore_mem>>) src(%arg16 : memref<128x16xf32, #tpu.memory_space<vmem>>) dst(%dma_wait3A_149 : memref<1024x16xf32, #tpu.memory_space<vmem_shared>>)
    }
    %scan3A_17 = arith.constant 5 : i32
    %scan3A_18 = arith.constant 0 : i32
    %scan3A_19 = arith.constant 0 : i32
    %scan3A_20 = arith.constant 5 : i32
    %scan3A_21 = arith.addi %scan3A_19, %scan3A_20 : i32
    %scan3A_22 = arith.constant 1 : i32
    scf.for %scan3A_37 = %scan3A_19 to %scan3A_21 step %scan3A_22  : i32 {
      %mul3A_38 = arith.constant 8 : i32
      %mul3A_39 = arith.muli %scan3A_37, %mul3A_38 : i32
      "tpu.region"() ({
        %run_scoped3A = tpu.sem_alloc : memref<!tpu.dma_semaphore, #tpu.memory_space<semaphore_mem>>
        %dma_start3A = arith.constant 0 : i32
        %dma_start3A_48 = tpu.memref_slice %arg3[%add3A, %mul3A_39, %dma_start3A] : memref<32x40x128xi32, #tpu.memory_space<hbm>> -> memref<1x8x128xi32, #tpu.memory_space<hbm>>
        %dma_start3A_49 = tpu.memref_squeeze %dma_start3A_48 : memref<1x8x128xi32, #tpu.memory_space<hbm>> -> memref<8x128xi32, #tpu.memory_space<hbm>>
        %dma_start3A_50 = arith.constant 0 : i32
        %dma_start3A_51 = tpu.memref_slice %arg3[%add3A, %mul3A_39, %dma_start3A_50] : memref<32x40x128xi32, #tpu.memory_space<hbm>> -> memref<1x8x128xi32, #tpu.memory_space<hbm>>
        %dma_start3A_52 = tpu.memref_squeeze %dma_start3A_51 : memref<1x8x128xi32, #tpu.memory_space<hbm>> -> memref<8x128xi32, #tpu.memory_space<hbm>>
        tpu.enqueue_dma source(%dma_start3A_52 : memref<8x128xi32, #tpu.memory_space<hbm>>) target(%arg18 : memref<8x128xi32, #tpu.memory_space<vmem>>) target_semaphore(%run_scoped3A : memref<!tpu.dma_semaphore, #tpu.memory_space<semaphore_mem>>)
        %dma_wait3A = arith.constant 0 : i32
        %dma_wait3A_53 = tpu.memref_slice %arg3[%add3A, %mul3A_39, %dma_wait3A] : memref<32x40x128xi32, #tpu.memory_space<hbm>> -> memref<1x8x128xi32, #tpu.memory_space<hbm>>
        %dma_wait3A_54 = tpu.memref_squeeze %dma_wait3A_53 : memref<1x8x128xi32, #tpu.memory_space<hbm>> -> memref<8x128xi32, #tpu.memory_space<hbm>>
        %dma_wait3A_55 = arith.constant 0 : i32
        %dma_wait3A_56 = tpu.memref_slice %arg3[%add3A, %mul3A_39, %dma_wait3A_55] : memref<32x40x128xi32, #tpu.memory_space<hbm>> -> memref<1x8x128xi32, #tpu.memory_space<hbm>>
        %dma_wait3A_57 = tpu.memref_squeeze %dma_wait3A_56 : memref<1x8x128xi32, #tpu.memory_space<hbm>> -> memref<8x128xi32, #tpu.memory_space<hbm>>
        tpu.wait_dma2 semaphore(%run_scoped3A : memref<!tpu.dma_semaphore, #tpu.memory_space<semaphore_mem>>) src(%dma_wait3A_57 : memref<8x128xi32, #tpu.memory_space<hbm>>) dst(%arg18 : memref<8x128xi32, #tpu.memory_space<vmem>>)
        tpu.yield
      }) : () -> ()
      %mul3A_40 = arith.constant 8 : i32
      %mul3A_41 = arith.muli %scan3A_37, %mul3A_40 : i32
      "tpu.region"() ({
        %run_scoped3A = tpu.sem_alloc : memref<!tpu.dma_semaphore, #tpu.memory_space<semaphore_mem>>
        %dma_start3A = arith.constant 0 : i32
        %dma_start3A_48 = tpu.memref_slice %arg4[%add3A, %mul3A_41, %dma_start3A] : memref<32x40x128xi32, #tpu.memory_space<hbm>> -> memref<1x8x128xi32, #tpu.memory_space<hbm>>
        %dma_start3A_49 = tpu.memref_squeeze %dma_start3A_48 : memref<1x8x128xi32, #tpu.memory_space<hbm>> -> memref<8x128xi32, #tpu.memory_space<hbm>>
        %dma_start3A_50 = arith.constant 0 : i32
        %dma_start3A_51 = tpu.memref_slice %arg4[%add3A, %mul3A_41, %dma_start3A_50] : memref<32x40x128xi32, #tpu.memory_space<hbm>> -> memref<1x8x128xi32, #tpu.memory_space<hbm>>
        %dma_start3A_52 = tpu.memref_squeeze %dma_start3A_51 : memref<1x8x128xi32, #tpu.memory_space<hbm>> -> memref<8x128xi32, #tpu.memory_space<hbm>>
        tpu.enqueue_dma source(%dma_start3A_52 : memref<8x128xi32, #tpu.memory_space<hbm>>) target(%arg19 : memref<8x128xi32, #tpu.memory_space<vmem>>) target_semaphore(%run_scoped3A : memref<!tpu.dma_semaphore, #tpu.memory_space<semaphore_mem>>)
        %dma_wait3A = arith.constant 0 : i32
        %dma_wait3A_53 = tpu.memref_slice %arg4[%add3A, %mul3A_41, %dma_wait3A] : memref<32x40x128xi32, #tpu.memory_space<hbm>> -> memref<1x8x128xi32, #tpu.memory_space<hbm>>
        %dma_wait3A_54 = tpu.memref_squeeze %dma_wait3A_53 : memref<1x8x128xi32, #tpu.memory_space<hbm>> -> memref<8x128xi32, #tpu.memory_space<hbm>>
        %dma_wait3A_55 = arith.constant 0 : i32
        %dma_wait3A_56 = tpu.memref_slice %arg4[%add3A, %mul3A_41, %dma_wait3A_55] : memref<32x40x128xi32, #tpu.memory_space<hbm>> -> memref<1x8x128xi32, #tpu.memory_space<hbm>>
        %dma_wait3A_57 = tpu.memref_squeeze %dma_wait3A_56 : memref<1x8x128xi32, #tpu.memory_space<hbm>> -> memref<8x128xi32, #tpu.memory_space<hbm>>
        tpu.wait_dma2 semaphore(%run_scoped3A : memref<!tpu.dma_semaphore, #tpu.memory_space<semaphore_mem>>) src(%dma_wait3A_57 : memref<8x128xi32, #tpu.memory_space<hbm>>) dst(%arg19 : memref<8x128xi32, #tpu.memory_space<vmem>>)
        tpu.yield
      }) : () -> ()
      %scan3A_42 = arith.constant 0 : i32
      %scan3A_43 = arith.constant 0 : i32
      %scan3A_44 = arith.constant 8 : i32
      %scan3A_45 = arith.addi %scan3A_43, %scan3A_44 : i32
      %scan3A_46 = arith.constant 1 : i32
      scf.for %scan3A_48 = %scan3A_43 to %scan3A_45 step %scan3A_46  : i32 {
        "tpu.region"() ({
          %run_scoped3A = tpu.sem_alloc : memref<!tpu.dma_semaphore, #tpu.memory_space<semaphore_mem>>
          %dma_start3A = arith.constant 0 : i32
          %dma_start3A_49 = tpu.memref_slice %arg18[%scan3A_48, %dma_start3A] : memref<8x128xi32, #tpu.memory_space<vmem>> -> memref<1x128xi32, #tpu.memory_space<vmem>>
          %dma_start3A_50 = tpu.memref_squeeze %dma_start3A_49 : memref<1x128xi32, #tpu.memory_space<vmem>> -> memref<128xi32, #tpu.memory_space<vmem>>
          %dma_start3A_51 = arith.constant 0 : i32
          %dma_start3A_52 = arith.constant 0 : i32
          %dma_start3A_53 = tpu.memref_slice %arg5[%dma_start3A_51, %dma_start3A_52] : memref<10000x128xf32, #tpu.memory_space<hbm>> -> memref<10000x128xf32, #tpu.memory_space<hbm>>
          tpu.enqueue_indirect_dma source(%dma_start3A_53 : memref<10000x128xf32, #tpu.memory_space<hbm>>) target(%arg20 : memref<128x128xf32, #tpu.memory_space<vmem>>) offsets(%dma_start3A_50 : memref<128xi32, #tpu.memory_space<vmem>>) semaphore(%run_scoped3A : memref<!tpu.dma_semaphore, #tpu.memory_space<semaphore_mem>>)
          %dma_wait3A = arith.constant 0 : i32
          %dma_wait3A_54 = tpu.memref_slice %arg18[%scan3A_48, %dma_wait3A] : memref<8x128xi32, #tpu.memory_space<vmem>> -> memref<1x128xi32, #tpu.memory_space<vmem>>
          %dma_wait3A_55 = tpu.memref_squeeze %dma_wait3A_54 : memref<1x128xi32, #tpu.memory_space<vmem>> -> memref<128xi32, #tpu.memory_space<vmem>>
          %dma_wait3A_56 = arith.constant 0 : i32
          %dma_wait3A_57 = arith.constant 0 : i32
          %dma_wait3A_58 = tpu.memref_slice %arg5[%dma_wait3A_56, %dma_wait3A_57] : memref<10000x128xf32, #tpu.memory_space<hbm>> -> memref<10000x128xf32, #tpu.memory_space<hbm>>
          tpu.wait_indirect_dma semaphore(%run_scoped3A : memref<!tpu.dma_semaphore, #tpu.memory_space<semaphore_mem>>) src(%dma_wait3A_58 : memref<10000x128xf32, #tpu.memory_space<hbm>>) dst(%arg20 : memref<128x128xf32, #tpu.memory_space<vmem>>)
          tpu.yield
        }) : () -> ()
        "tpu.region"() ({
          %run_scoped3A = tpu.sem_alloc : memref<!tpu.dma_semaphore, #tpu.memory_space<semaphore_mem>>
          %dma_start3A = arith.constant 0 : i32
          %dma_start3A_49 = tpu.memref_slice %arg19[%scan3A_48, %dma_start3A] : memref<8x128xi32, #tpu.memory_space<vmem>> -> memref<1x128xi32, #tpu.memory_space<vmem>>
          %dma_start3A_50 = tpu.memref_squeeze %dma_start3A_49 : memref<1x128xi32, #tpu.memory_space<vmem>> -> memref<128xi32, #tpu.memory_space<vmem>>
          %dma_start3A_51 = arith.constant 0 : i32
          %dma_start3A_52 = arith.constant 0 : i32
          %dma_start3A_53 = tpu.memref_slice %arg15[%dma_start3A_51, %dma_start3A_52] : memref<1024x128xf32, #tpu.memory_space<vmem_shared>> -> memref<1024x128xf32, #tpu.memory_space<vmem_shared>>
          tpu.enqueue_indirect_dma source(%arg20 : memref<128x128xf32, #tpu.memory_space<vmem>>) target(%dma_start3A_53 : memref<1024x128xf32, #tpu.memory_space<vmem_shared>>) offsets(%dma_start3A_50 : memref<128xi32, #tpu.memory_space<vmem>>) semaphore(%run_scoped3A : memref<!tpu.dma_semaphore, #tpu.memory_space<semaphore_mem>>) {add = true}
          %dma_wait3A = arith.constant 0 : i32
          %dma_wait3A_54 = tpu.memref_slice %arg19[%scan3A_48, %dma_wait3A] : memref<8x128xi32, #tpu.memory_space<vmem>> -> memref<1x128xi32, #tpu.memory_space<vmem>>
          %dma_wait3A_55 = tpu.memref_squeeze %dma_wait3A_54 : memref<1x128xi32, #tpu.memory_space<vmem>> -> memref<128xi32, #tpu.memory_space<vmem>>
          %dma_wait3A_56 = arith.constant 0 : i32
          %dma_wait3A_57 = arith.constant 0 : i32
          %dma_wait3A_58 = tpu.memref_slice %arg15[%dma_wait3A_56, %dma_wait3A_57] : memref<1024x128xf32, #tpu.memory_space<vmem_shared>> -> memref<1024x128xf32, #tpu.memory_space<vmem_shared>>
          tpu.wait_indirect_dma semaphore(%run_scoped3A : memref<!tpu.dma_semaphore, #tpu.memory_space<semaphore_mem>>) src(%arg20 : memref<128x128xf32, #tpu.memory_space<vmem>>) dst(%dma_wait3A_58 : memref<1024x128xf32, #tpu.memory_space<vmem_shared>>)
          tpu.yield
        }) : () -> ()
      }
      %scan3A_47 = arith.constant 8 : i32
    }
    %scan3A_23 = arith.constant 5 : i32
    %barrier3A_24 = arith.constant 0 : index
    tpu.barrier barrier_id(%barrier3A_24)
    %mul3A_25 = arith.constant 640 : i32
    %mul3A_26 = arith.muli %arg1, %mul3A_25 : i32
    %mul3A_27 = arith.constant 640 : i32
    %mul3A_28 = arith.muli %arg1, %mul3A_27 : i32
    "tpu.region"() ({
      %run_scoped3A = tpu.sem_alloc : memref<!tpu.dma_semaphore, #tpu.memory_space<semaphore_mem>>
      %dma_start3A = arith.constant 0 : i32
      %dma_start3A_37 = arith.constant 0 : i32
      %dma_start3A_38 = tpu.memref_slice %arg10[%arg0, %dma_start3A, %dma_start3A_37] : memref<2x10240x16xf32, #tpu.memory_space<hbm>> -> memref<1x10240x16xf32, #tpu.memory_space<hbm>>
      %dma_start3A_39 = tpu.memref_squeeze %dma_start3A_38 : memref<1x10240x16xf32, #tpu.memory_space<hbm>> -> memref<10240x16xf32, #tpu.memory_space<hbm>>
      %dma_start3A_40 = arith.constant 0 : i32
      %dma_start3A_41 = tpu.memref_slice %dma_start3A_39[%mul3A_28, %dma_start3A_40] : memref<10240x16xf32, #tpu.memory_space<hbm>> -> memref<640x16xf32, #tpu.memory_space<hbm>>
      %dma_start3A_42 = arith.constant 0 : i32
      %dma_start3A_43 = tpu.memref_slice %arg13[%mul3A_26, %dma_start3A_42] : memref<10240x16xf32, #tpu.memory_space<vmem_shared>> -> memref<640x16xf32, #tpu.memory_space<vmem_shared>>
      tpu.enqueue_dma source(%dma_start3A_43 : memref<640x16xf32, #tpu.memory_space<vmem_shared>>) target(%dma_start3A_41 : memref<640x16xf32, #tpu.memory_space<hbm>>) target_semaphore(%run_scoped3A : memref<!tpu.dma_semaphore, #tpu.memory_space<semaphore_mem>>)
      %dma_wait3A = arith.constant 0 : i32
      %dma_wait3A_44 = arith.constant 0 : i32
      %dma_wait3A_45 = tpu.memref_slice %arg10[%arg0, %dma_wait3A, %dma_wait3A_44] : memref<2x10240x16xf32, #tpu.memory_space<hbm>> -> memref<1x10240x16xf32, #tpu.memory_space<hbm>>
      %dma_wait3A_46 = tpu.memref_squeeze %dma_wait3A_45 : memref<1x10240x16xf32, #tpu.memory_space<hbm>> -> memref<10240x16xf32, #tpu.memory_space<hbm>>
      %dma_wait3A_47 = arith.constant 0 : i32
      %dma_wait3A_48 = tpu.memref_slice %dma_wait3A_46[%mul3A_28, %dma_wait3A_47] : memref<10240x16xf32, #tpu.memory_space<hbm>> -> memref<640x16xf32, #tpu.memory_space<hbm>>
      %dma_wait3A_49 = arith.constant 0 : i32
      %dma_wait3A_50 = tpu.memref_slice %arg13[%mul3A_26, %dma_wait3A_49] : memref<10240x16xf32, #tpu.memory_space<vmem_shared>> -> memref<640x16xf32, #tpu.memory_space<vmem_shared>>
      tpu.wait_dma2 semaphore(%run_scoped3A : memref<!tpu.dma_semaphore, #tpu.memory_space<semaphore_mem>>) src(%dma_wait3A_50 : memref<640x16xf32, #tpu.memory_space<vmem_shared>>) dst(%dma_wait3A_48 : memref<640x16xf32, #tpu.memory_space<hbm>>)
      tpu.yield
    }) : () -> ()
    %mul3A_29 = arith.constant 64 : i32
    %mul3A_30 = arith.muli %arg1, %mul3A_29 : i32
    %mul3A_31 = arith.constant 64 : i32
    %mul3A_32 = arith.muli %arg1, %mul3A_31 : i32
    "tpu.region"() ({
      %run_scoped3A = tpu.sem_alloc : memref<!tpu.dma_semaphore, #tpu.memory_space<semaphore_mem>>
      %dma_start3A = arith.constant 0 : i32
      %dma_start3A_37 = arith.constant 0 : i32
      %dma_start3A_38 = tpu.memref_slice %arg11[%arg0, %dma_start3A, %dma_start3A_37] : memref<2x1024x16xf32, #tpu.memory_space<hbm>> -> memref<1x1024x16xf32, #tpu.memory_space<hbm>>
      %dma_start3A_39 = tpu.memref_squeeze %dma_start3A_38 : memref<1x1024x16xf32, #tpu.memory_space<hbm>> -> memref<1024x16xf32, #tpu.memory_space<hbm>>
      %dma_start3A_40 = arith.constant 0 : i32
      %dma_start3A_41 = tpu.memref_slice %dma_start3A_39[%mul3A_32, %dma_start3A_40] : memref<1024x16xf32, #tpu.memory_space<hbm>> -> memref<64x16xf32, #tpu.memory_space<hbm>>
      %dma_start3A_42 = arith.constant 0 : i32
      %dma_start3A_43 = tpu.memref_slice %arg14[%mul3A_30, %dma_start3A_42] : memref<1024x16xf32, #tpu.memory_space<vmem_shared>> -> memref<64x16xf32, #tpu.memory_space<vmem_shared>>
      tpu.enqueue_dma source(%dma_start3A_43 : memref<64x16xf32, #tpu.memory_space<vmem_shared>>) target(%dma_start3A_41 : memref<64x16xf32, #tpu.memory_space<hbm>>) target_semaphore(%run_scoped3A : memref<!tpu.dma_semaphore, #tpu.memory_space<semaphore_mem>>)
      %dma_wait3A = arith.constant 0 : i32
      %dma_wait3A_44 = arith.constant 0 : i32
      %dma_wait3A_45 = tpu.memref_slice %arg11[%arg0, %dma_wait3A, %dma_wait3A_44] : memref<2x1024x16xf32, #tpu.memory_space<hbm>> -> memref<1x1024x16xf32, #tpu.memory_space<hbm>>
      %dma_wait3A_46 = tpu.memref_squeeze %dma_wait3A_45 : memref<1x1024x16xf32, #tpu.memory_space<hbm>> -> memref<1024x16xf32, #tpu.memory_space<hbm>>
      %dma_wait3A_47 = arith.constant 0 : i32
      %dma_wait3A_48 = tpu.memref_slice %dma_wait3A_46[%mul3A_32, %dma_wait3A_47] : memref<1024x16xf32, #tpu.memory_space<hbm>> -> memref<64x16xf32, #tpu.memory_space<hbm>>
      %dma_wait3A_49 = arith.constant 0 : i32
      %dma_wait3A_50 = tpu.memref_slice %arg14[%mul3A_30, %dma_wait3A_49] : memref<1024x16xf32, #tpu.memory_space<vmem_shared>> -> memref<64x16xf32, #tpu.memory_space<vmem_shared>>
      tpu.wait_dma2 semaphore(%run_scoped3A : memref<!tpu.dma_semaphore, #tpu.memory_space<semaphore_mem>>) src(%dma_wait3A_50 : memref<64x16xf32, #tpu.memory_space<vmem_shared>>) dst(%dma_wait3A_48 : memref<64x16xf32, #tpu.memory_space<hbm>>)
      tpu.yield
    }) : () -> ()
    %mul3A_33 = arith.constant 64 : i32
    %mul3A_34 = arith.muli %arg1, %mul3A_33 : i32
    %mul3A_35 = arith.constant 64 : i32
    %mul3A_36 = arith.muli %arg1, %mul3A_35 : i32
    "tpu.region"() ({
      %run_scoped3A = tpu.sem_alloc : memref<!tpu.dma_semaphore, #tpu.memory_space<semaphore_mem>>
      %dma_start3A = arith.constant 0 : i32
      %dma_start3A_37 = arith.constant 0 : i32
      %dma_start3A_38 = tpu.memref_slice %arg12[%arg0, %dma_start3A, %dma_start3A_37] : memref<2x1024x128xf32, #tpu.memory_space<hbm>> -> memref<1x1024x128xf32, #tpu.memory_space<hbm>>
      %dma_start3A_39 = tpu.memref_squeeze %dma_start3A_38 : memref<1x1024x128xf32, #tpu.memory_space<hbm>> -> memref<1024x128xf32, #tpu.memory_space<hbm>>
      %dma_start3A_40 = arith.constant 0 : i32
      %dma_start3A_41 = tpu.memref_slice %dma_start3A_39[%mul3A_36, %dma_start3A_40] : memref<1024x128xf32, #tpu.memory_space<hbm>> -> memref<64x128xf32, #tpu.memory_space<hbm>>
      %dma_start3A_42 = arith.constant 0 : i32
      %dma_start3A_43 = tpu.memref_slice %arg15[%mul3A_34, %dma_start3A_42] : memref<1024x128xf32, #tpu.memory_space<vmem_shared>> -> memref<64x128xf32, #tpu.memory_space<vmem_shared>>
      tpu.enqueue_dma source(%dma_start3A_43 : memref<64x128xf32, #tpu.memory_space<vmem_shared>>) target(%dma_start3A_41 : memref<64x128xf32, #tpu.memory_space<hbm>>) target_semaphore(%run_scoped3A : memref<!tpu.dma_semaphore, #tpu.memory_space<semaphore_mem>>)
      %dma_wait3A = arith.constant 0 : i32
      %dma_wait3A_44 = arith.constant 0 : i32
      %dma_wait3A_45 = tpu.memref_slice %arg12[%arg0, %dma_wait3A, %dma_wait3A_44] : memref<2x1024x128xf32, #tpu.memory_space<hbm>> -> memref<1x1024x128xf32, #tpu.memory_space<hbm>>
      %dma_wait3A_46 = tpu.memref_squeeze %dma_wait3A_45 : memref<1x1024x128xf32, #tpu.memory_space<hbm>> -> memref<1024x128xf32, #tpu.memory_space<hbm>>
      %dma_wait3A_47 = arith.constant 0 : i32
      %dma_wait3A_48 = tpu.memref_slice %dma_wait3A_46[%mul3A_36, %dma_wait3A_47] : memref<1024x128xf32, #tpu.memory_space<hbm>> -> memref<64x128xf32, #tpu.memory_space<hbm>>
      %dma_wait3A_49 = arith.constant 0 : i32
      %dma_wait3A_50 = tpu.memref_slice %arg15[%mul3A_34, %dma_wait3A_49] : memref<1024x128xf32, #tpu.memory_space<vmem_shared>> -> memref<64x128xf32, #tpu.memory_space<vmem_shared>>
      tpu.wait_dma2 semaphore(%run_scoped3A : memref<!tpu.dma_semaphore, #tpu.memory_space<semaphore_mem>>) src(%dma_wait3A_50 : memref<64x128xf32, #tpu.memory_space<vmem_shared>>) dst(%dma_wait3A_48 : memref<64x128xf32, #tpu.memory_space<hbm>>)
      tpu.yield
    }) : () -> ()
    return
  }
}

module attributes {stable_mosaic.version = 14 : i64} {
  func.func @_tc_a_body(%arg0: memref<2x10240x16xf32, #tpu.memory_space<vmem>>, %arg1: memref<2x1024x16xf32, #tpu.memory_space<vmem>>, %arg2: memref<2x1024x128xf32, #tpu.memory_space<vmem>>, %arg3: memref<10000x128xf32, #tpu.memory_space<vmem>>, %arg4: memref<1000x128xf32, #tpu.memory_space<vmem>>, %arg5: memref<128x128xf32, #tpu.memory_space<vmem>>, %arg6: memref<128x128xf32, #tpu.memory_space<vmem>>, %arg7: memref<1x128xf32, #tpu.memory_space<vmem>>, %arg8: memref<10000x128xf32, #tpu.memory_space<vmem>>, %arg9: memref<10000x1xf32, #tpu.memory_space<vmem>>, %arg10: memref<1000x128xf32, #tpu.memory_space<vmem>>, %arg11: memref<1000x1xf32, #tpu.memory_space<vmem>>) attributes {dimension_semantics = [], scalar_prefetch = 0 : i64, scratch_operands = 0 : i64, tpu.core_type = #tpu.core_type<tc>} {
    %get3A = arith.constant 0 : index
    %get3A_0 = arith.constant 0 : index
    %get3A_1 = arith.constant 0 : index
    %get3A_2 = vector.load %arg0[%get3A, %get3A_0, %get3A_1] : memref<2x10240x16xf32, #tpu.memory_space<vmem>>, vector<1x10000x1xf32>
    %get3A_3 = vector.shape_cast %get3A_2 : vector<1x10000x1xf32> to vector<10000x1xf32>
    %get3A_4 = arith.constant 1 : index
    %get3A_5 = arith.constant 0 : index
    %get3A_6 = arith.constant 0 : index
    %get3A_7 = vector.load %arg0[%get3A_4, %get3A_5, %get3A_6] : memref<2x10240x16xf32, #tpu.memory_space<vmem>>, vector<1x10000x1xf32>
    %get3A_8 = vector.shape_cast %get3A_7 : vector<1x10000x1xf32> to vector<10000x1xf32>
    %add3A = arith.addf %get3A_3, %get3A_8 : vector<10000x1xf32>
    %add3A_9 = arith.constant 1.000000e+00 : f32
    %add3A_10 = vector.broadcast %add3A_9 : f32 to vector<10000x1xf32>
    %add3A_11 = arith.addf %add3A, %add3A_10 : vector<10000x1xf32>
    %rsqrt3A = math.rsqrt %add3A_11 : vector<10000x1xf32>
    %swap3A = arith.constant 0 : index
    %swap3A_12 = arith.constant 0 : index
    %swap3A_13 = vector.load %arg9[%swap3A, %swap3A_12] : memref<10000x1xf32, #tpu.memory_space<vmem>>, vector<10000x1xf32>
    tpu.vector_store %arg9[%swap3A, %swap3A_12], %rsqrt3A {strides = array<i32>} : memref<10000x1xf32, #tpu.memory_space<vmem>>, vector<10000x1xf32>,
    %get3A_14 = arith.constant 0 : index
    %get3A_15 = arith.constant 0 : index
    %get3A_16 = vector.load %arg3[%get3A_14, %get3A_15] : memref<10000x128xf32, #tpu.memory_space<vmem>>, vector<10000x128xf32>
    %mul3A = vector.broadcast %rsqrt3A : vector<10000x1xf32> to vector<10000x128xf32>
    %mul3A_17 = arith.mulf %get3A_16, %mul3A : vector<10000x128xf32>
    %swap3A_18 = arith.constant 0 : index
    %swap3A_19 = arith.constant 0 : index
    %swap3A_20 = vector.load %arg8[%swap3A_18, %swap3A_19] : memref<10000x128xf32, #tpu.memory_space<vmem>>, vector<10000x128xf32>
    tpu.vector_store %arg8[%swap3A_18, %swap3A_19], %mul3A_17 {strides = array<i32>} : memref<10000x128xf32, #tpu.memory_space<vmem>>, vector<10000x128xf32>,
    %get3A_21 = arith.constant 0 : index
    %get3A_22 = arith.constant 0 : index
    %get3A_23 = arith.constant 0 : index
    %get3A_24 = vector.load %arg1[%get3A_21, %get3A_22, %get3A_23] : memref<2x1024x16xf32, #tpu.memory_space<vmem>>, vector<1x1000x1xf32>
    %get3A_25 = vector.shape_cast %get3A_24 : vector<1x1000x1xf32> to vector<1000x1xf32>
    %get3A_26 = arith.constant 1 : index
    %get3A_27 = arith.constant 0 : index
    %get3A_28 = arith.constant 0 : index
    %get3A_29 = vector.load %arg1[%get3A_26, %get3A_27, %get3A_28] : memref<2x1024x16xf32, #tpu.memory_space<vmem>>, vector<1x1000x1xf32>
    %get3A_30 = vector.shape_cast %get3A_29 : vector<1x1000x1xf32> to vector<1000x1xf32>
    %add3A_31 = arith.addf %get3A_25, %get3A_30 : vector<1000x1xf32>
    %max3A = arith.constant 1.000000e+00 : f32
    %max3A_32 = vector.broadcast %max3A : f32 to vector<1000x1xf32>
    %max3A_33 = arith.maximumf %add3A_31, %max3A_32 : vector<1000x1xf32>
    %div3A = arith.constant 1.000000e+00 : f32
    %div3A_34 = vector.broadcast %div3A : f32 to vector<1000x1xf32>
    %div3A_35 = arith.divf %div3A_34, %max3A_33 : vector<1000x1xf32>
    %swap3A_36 = arith.constant 0 : index
    %swap3A_37 = arith.constant 0 : index
    %swap3A_38 = vector.load %arg11[%swap3A_36, %swap3A_37] : memref<1000x1xf32, #tpu.memory_space<vmem>>, vector<1000x1xf32>
    tpu.vector_store %arg11[%swap3A_36, %swap3A_37], %div3A_35 {strides = array<i32>} : memref<1000x1xf32, #tpu.memory_space<vmem>>, vector<1000x1xf32>,
    %get3A_39 = arith.constant 0 : index
    %get3A_40 = arith.constant 0 : index
    %get3A_41 = arith.constant 0 : index
    %get3A_42 = vector.load %arg2[%get3A_39, %get3A_40, %get3A_41] : memref<2x1024x128xf32, #tpu.memory_space<vmem>>, vector<1x1000x128xf32>
    %get3A_43 = vector.shape_cast %get3A_42 : vector<1x1000x128xf32> to vector<1000x128xf32>
    %get3A_44 = arith.constant 1 : index
    %get3A_45 = arith.constant 0 : index
    %get3A_46 = arith.constant 0 : index
    %get3A_47 = vector.load %arg2[%get3A_44, %get3A_45, %get3A_46] : memref<2x1024x128xf32, #tpu.memory_space<vmem>>, vector<1x1000x128xf32>
    %get3A_48 = vector.shape_cast %get3A_47 : vector<1x1000x128xf32> to vector<1000x128xf32>
    %add3A_49 = arith.addf %get3A_43, %get3A_48 : vector<1000x128xf32>
    %mul3A_50 = vector.broadcast %div3A_35 : vector<1000x1xf32> to vector<1000x128xf32>
    %mul3A_51 = arith.mulf %add3A_49, %mul3A_50 : vector<1000x128xf32>
    %get3A_52 = arith.constant 0 : index
    %get3A_53 = arith.constant 0 : index
    %get3A_54 = vector.load %arg5[%get3A_52, %get3A_53] : memref<128x128xf32, #tpu.memory_space<vmem>>, vector<128x128xf32>
    %dot_general3A = arith.constant dense<0.000000e+00> : vector<1000x128xf32>
    %dot_general3A_55 = tpu.matmul %mul3A_51, %get3A_54, %dot_general3A {dimension_numbers = #tpu.dot_dimension_numbers<[1], [0], [0], [1], [0, 0, 1, 1], [], []>, transpose_lhs_hint = false} : vector<1000x128xf32>, vector<128x128xf32>, vector<1000x128xf32> -> vector<1000x128xf32>
    %get3A_56 = arith.constant 0 : index
    %get3A_57 = arith.constant 0 : index
    %get3A_58 = vector.load %arg4[%get3A_56, %get3A_57] : memref<1000x128xf32, #tpu.memory_space<vmem>>, vector<1000x128xf32>
    %get3A_59 = arith.constant 0 : index
    %get3A_60 = arith.constant 0 : index
    %get3A_61 = vector.load %arg6[%get3A_59, %get3A_60] : memref<128x128xf32, #tpu.memory_space<vmem>>, vector<128x128xf32>
    %dot_general3A_62 = arith.constant dense<0.000000e+00> : vector<1000x128xf32>
    %dot_general3A_63 = tpu.matmul %get3A_58, %get3A_61, %dot_general3A_62 {dimension_numbers = #tpu.dot_dimension_numbers<[1], [0], [0], [1], [0, 0, 1, 1], [], []>, transpose_lhs_hint = false} : vector<1000x128xf32>, vector<128x128xf32>, vector<1000x128xf32> -> vector<1000x128xf32>
    %add3A_64 = arith.addf %dot_general3A_55, %dot_general3A_63 : vector<1000x128xf32>
    %get3A_65 = arith.constant 0 : index
    %get3A_66 = arith.constant 0 : index
    %get3A_67 = vector.load %arg7[%get3A_65, %get3A_66] : memref<1x128xf32, #tpu.memory_space<vmem>>, vector<1x128xf32>
    %add3A_68 = vector.broadcast %get3A_67 : vector<1x128xf32> to vector<1000x128xf32>
    %add3A_69 = arith.addf %add3A_64, %add3A_68 : vector<1000x128xf32>
    %swap3A_70 = arith.constant 0 : index
    %swap3A_71 = arith.constant 0 : index
    %swap3A_72 = vector.load %arg10[%swap3A_70, %swap3A_71] : memref<1000x128xf32, #tpu.memory_space<vmem>>, vector<1000x128xf32>
    tpu.vector_store %arg10[%swap3A_70, %swap3A_71], %add3A_69 {strides = array<i32>} : memref<1000x128xf32, #tpu.memory_space<vmem>>, vector<1000x128xf32>,
    return
  }
}

module attributes {stable_mosaic.version = 14 : i64} {
  func.func @_tc_b_body(%arg0: memref<2x10240x128xf32, #tpu.memory_space<vmem>>, %arg1: memref<10000x128xf32, #tpu.memory_space<vmem>>, %arg2: memref<10000x1xf32, #tpu.memory_space<vmem>>, %arg3: memref<128x128xf32, #tpu.memory_space<vmem>>, %arg4: memref<1x128xf32, #tpu.memory_space<vmem>>, %arg5: memref<10000x128xf32, #tpu.memory_space<vmem>>, %arg6: memref<10000x128xf32, #tpu.memory_space<vmem>>) attributes {dimension_semantics = [], scalar_prefetch = 0 : i64, scratch_operands = 0 : i64, tpu.core_type = #tpu.core_type<tc>} {
    %get3A = arith.constant 0 : index
    %get3A_0 = arith.constant 0 : index
    %get3A_1 = arith.constant 0 : index
    %get3A_2 = vector.load %arg0[%get3A, %get3A_0, %get3A_1] : memref<2x10240x128xf32, #tpu.memory_space<vmem>>, vector<1x10000x128xf32>
    %get3A_3 = vector.shape_cast %get3A_2 : vector<1x10000x128xf32> to vector<10000x128xf32>
    %get3A_4 = arith.constant 1 : index
    %get3A_5 = arith.constant 0 : index
    %get3A_6 = arith.constant 0 : index
    %get3A_7 = vector.load %arg0[%get3A_4, %get3A_5, %get3A_6] : memref<2x10240x128xf32, #tpu.memory_space<vmem>>, vector<1x10000x128xf32>
    %get3A_8 = vector.shape_cast %get3A_7 : vector<1x10000x128xf32> to vector<10000x128xf32>
    %add3A = arith.addf %get3A_3, %get3A_8 : vector<10000x128xf32>
    %get3A_9 = arith.constant 0 : index
    %get3A_10 = arith.constant 0 : index
    %get3A_11 = vector.load %arg1[%get3A_9, %get3A_10] : memref<10000x128xf32, #tpu.memory_space<vmem>>, vector<10000x128xf32>
    %add3A_12 = arith.addf %add3A, %get3A_11 : vector<10000x128xf32>
    %get3A_13 = arith.constant 0 : index
    %get3A_14 = arith.constant 0 : index
    %get3A_15 = vector.load %arg2[%get3A_13, %get3A_14] : memref<10000x1xf32, #tpu.memory_space<vmem>>, vector<10000x1xf32>
    %mul3A = vector.broadcast %get3A_15 : vector<10000x1xf32> to vector<10000x128xf32>
    %mul3A_16 = arith.mulf %add3A_12, %mul3A : vector<10000x128xf32>
    %get3A_17 = arith.constant 0 : index
    %get3A_18 = arith.constant 0 : index
    %get3A_19 = vector.load %arg3[%get3A_17, %get3A_18] : memref<128x128xf32, #tpu.memory_space<vmem>>, vector<128x128xf32>
    %dot_general3A = arith.constant dense<0.000000e+00> : vector<10000x128xf32>
    %dot_general3A_20 = tpu.matmul %mul3A_16, %get3A_19, %dot_general3A {dimension_numbers = #tpu.dot_dimension_numbers<[1], [0], [0], [1], [0, 0, 1, 1], [], []>, transpose_lhs_hint = false} : vector<10000x128xf32>, vector<128x128xf32>, vector<10000x128xf32> -> vector<10000x128xf32>
    %get3A_21 = arith.constant 0 : index
    %get3A_22 = arith.constant 0 : index
    %get3A_23 = vector.load %arg4[%get3A_21, %get3A_22] : memref<1x128xf32, #tpu.memory_space<vmem>>, vector<1x128xf32>
    %add3A_24 = vector.broadcast %get3A_23 : vector<1x128xf32> to vector<10000x128xf32>
    %add3A_25 = arith.addf %dot_general3A_20, %add3A_24 : vector<10000x128xf32>
    %swap3A = arith.constant 0 : index
    %swap3A_26 = arith.constant 0 : index
    %swap3A_27 = vector.load %arg5[%swap3A, %swap3A_26] : memref<10000x128xf32, #tpu.memory_space<vmem>>, vector<10000x128xf32>
    tpu.vector_store %arg5[%swap3A, %swap3A_26], %add3A_25 {strides = array<i32>} : memref<10000x128xf32, #tpu.memory_space<vmem>>, vector<10000x128xf32>,
    %get3A_28 = arith.constant 0 : index
    %get3A_29 = arith.constant 0 : index
    %get3A_30 = vector.load %arg2[%get3A_28, %get3A_29] : memref<10000x1xf32, #tpu.memory_space<vmem>>, vector<10000x1xf32>
    %mul3A_31 = vector.broadcast %get3A_30 : vector<10000x1xf32> to vector<10000x128xf32>
    %mul3A_32 = arith.mulf %add3A_25, %mul3A_31 : vector<10000x128xf32>
    %swap3A_33 = arith.constant 0 : index
    %swap3A_34 = arith.constant 0 : index
    %swap3A_35 = vector.load %arg6[%swap3A_33, %swap3A_34] : memref<10000x128xf32, #tpu.memory_space<vmem>>, vector<10000x128xf32>
    tpu.vector_store %arg6[%swap3A_33, %swap3A_34], %mul3A_32 {strides = array<i32>} : memref<10000x128xf32, #tpu.memory_space<vmem>>, vector<10000x128xf32>,
    return
  }
}

module attributes {stable_mosaic.version = 14 : i64} {
  func.func @_tc_c_body(%arg0: memref<2x10240x128xf32, #tpu.memory_space<vmem>>, %arg1: memref<10000x128xf32, #tpu.memory_space<vmem>>, %arg2: memref<10000x1xf32, #tpu.memory_space<vmem>>, %arg3: memref<128x128xf32, #tpu.memory_space<vmem>>, %arg4: memref<1x128xf32, #tpu.memory_space<vmem>>, %arg5: memref<2x1024x128xf32, #tpu.memory_space<vmem>>, %arg6: memref<1000x1xf32, #tpu.memory_space<vmem>>, %arg7: memref<1000x128xf32, #tpu.memory_space<vmem>>, %arg8: memref<128x128xf32, #tpu.memory_space<vmem>>, %arg9: memref<128x128xf32, #tpu.memory_space<vmem>>, %arg10: memref<1x128xf32, #tpu.memory_space<vmem>>, %arg11: memref<128x32xf32, #tpu.memory_space<vmem>>, %arg12: memref<1x32xf32, #tpu.memory_space<vmem>>, %arg13: memref<10000x32xf32, #tpu.memory_space<vmem>>, %arg14: memref<1000x32xf32, #tpu.memory_space<vmem>>) attributes {dimension_semantics = [], scalar_prefetch = 0 : i64, scratch_operands = 0 : i64, tpu.core_type = #tpu.core_type<tc>} {
    %get3A = arith.constant 0 : index
    %get3A_0 = arith.constant 0 : index
    %get3A_1 = arith.constant 0 : index
    %get3A_2 = vector.load %arg0[%get3A, %get3A_0, %get3A_1] : memref<2x10240x128xf32, #tpu.memory_space<vmem>>, vector<1x10000x128xf32>
    %get3A_3 = vector.shape_cast %get3A_2 : vector<1x10000x128xf32> to vector<10000x128xf32>
    %get3A_4 = arith.constant 1 : index
    %get3A_5 = arith.constant 0 : index
    %get3A_6 = arith.constant 0 : index
    %get3A_7 = vector.load %arg0[%get3A_4, %get3A_5, %get3A_6] : memref<2x10240x128xf32, #tpu.memory_space<vmem>>, vector<1x10000x128xf32>
    %get3A_8 = vector.shape_cast %get3A_7 : vector<1x10000x128xf32> to vector<10000x128xf32>
    %add3A = arith.addf %get3A_3, %get3A_8 : vector<10000x128xf32>
    %get3A_9 = arith.constant 0 : index
    %get3A_10 = arith.constant 0 : index
    %get3A_11 = vector.load %arg1[%get3A_9, %get3A_10] : memref<10000x128xf32, #tpu.memory_space<vmem>>, vector<10000x128xf32>
    %add3A_12 = arith.addf %add3A, %get3A_11 : vector<10000x128xf32>
    %get3A_13 = arith.constant 0 : index
    %get3A_14 = arith.constant 0 : index
    %get3A_15 = vector.load %arg2[%get3A_13, %get3A_14] : memref<10000x1xf32, #tpu.memory_space<vmem>>, vector<10000x1xf32>
    %mul3A = vector.broadcast %get3A_15 : vector<10000x1xf32> to vector<10000x128xf32>
    %mul3A_16 = arith.mulf %add3A_12, %mul3A : vector<10000x128xf32>
    %get3A_17 = arith.constant 0 : index
    %get3A_18 = arith.constant 0 : index
    %get3A_19 = vector.load %arg3[%get3A_17, %get3A_18] : memref<128x128xf32, #tpu.memory_space<vmem>>, vector<128x128xf32>
    %dot_general3A = arith.constant dense<0.000000e+00> : vector<10000x128xf32>
    %dot_general3A_20 = tpu.matmul %mul3A_16, %get3A_19, %dot_general3A {dimension_numbers = #tpu.dot_dimension_numbers<[1], [0], [0], [1], [0, 0, 1, 1], [], []>, transpose_lhs_hint = false} : vector<10000x128xf32>, vector<128x128xf32>, vector<10000x128xf32> -> vector<10000x128xf32>
    %get3A_21 = arith.constant 0 : index
    %get3A_22 = arith.constant 0 : index
    %get3A_23 = vector.load %arg4[%get3A_21, %get3A_22] : memref<1x128xf32, #tpu.memory_space<vmem>>, vector<1x128xf32>
    %add3A_24 = vector.broadcast %get3A_23 : vector<1x128xf32> to vector<10000x128xf32>
    %add3A_25 = arith.addf %dot_general3A_20, %add3A_24 : vector<10000x128xf32>
    %get3A_26 = arith.constant 0 : index
    %get3A_27 = arith.constant 0 : index
    %get3A_28 = vector.load %arg11[%get3A_26, %get3A_27] : memref<128x32xf32, #tpu.memory_space<vmem>>, vector<128x32xf32>
    %dot_general3A_29 = arith.constant dense<0.000000e+00> : vector<10000x32xf32>
    %dot_general3A_30 = tpu.matmul %add3A_25, %get3A_28, %dot_general3A_29 {dimension_numbers = #tpu.dot_dimension_numbers<[1], [0], [0], [1], [0, 0, 1, 1], [], []>, transpose_lhs_hint = false} : vector<10000x128xf32>, vector<128x32xf32>, vector<10000x32xf32> -> vector<10000x32xf32>
    %get3A_31 = arith.constant 0 : index
    %get3A_32 = arith.constant 0 : index
    %get3A_33 = vector.load %arg12[%get3A_31, %get3A_32] : memref<1x32xf32, #tpu.memory_space<vmem>>, vector<1x32xf32>
    %add3A_34 = vector.broadcast %get3A_33 : vector<1x32xf32> to vector<10000x32xf32>
    %add3A_35 = arith.addf %dot_general3A_30, %add3A_34 : vector<10000x32xf32>
    %swap3A = arith.constant 0 : index
    %swap3A_36 = arith.constant 0 : index
    %swap3A_37 = vector.load %arg13[%swap3A, %swap3A_36] : memref<10000x32xf32, #tpu.memory_space<vmem>>, vector<10000x32xf32>
    tpu.vector_store %arg13[%swap3A, %swap3A_36], %add3A_35 {strides = array<i32>} : memref<10000x32xf32, #tpu.memory_space<vmem>>, vector<10000x32xf32>,
    %get3A_38 = arith.constant 0 : index
    %get3A_39 = arith.constant 0 : index
    %get3A_40 = arith.constant 0 : index
    %get3A_41 = vector.load %arg5[%get3A_38, %get3A_39, %get3A_40] : memref<2x1024x128xf32, #tpu.memory_space<vmem>>, vector<1x1000x128xf32>
    %get3A_42 = vector.shape_cast %get3A_41 : vector<1x1000x128xf32> to vector<1000x128xf32>
    %get3A_43 = arith.constant 1 : index
    %get3A_44 = arith.constant 0 : index
    %get3A_45 = arith.constant 0 : index
    %get3A_46 = vector.load %arg5[%get3A_43, %get3A_44, %get3A_45] : memref<2x1024x128xf32, #tpu.memory_space<vmem>>, vector<1x1000x128xf32>
    %get3A_47 = vector.shape_cast %get3A_46 : vector<1x1000x128xf32> to vector<1000x128xf32>
    %add3A_48 = arith.addf %get3A_42, %get3A_47 : vector<1000x128xf32>
    %get3A_49 = arith.constant 0 : index
    %get3A_50 = arith.constant 0 : index
    %get3A_51 = vector.load %arg6[%get3A_49, %get3A_50] : memref<1000x1xf32, #tpu.memory_space<vmem>>, vector<1000x1xf32>
    %mul3A_52 = vector.broadcast %get3A_51 : vector<1000x1xf32> to vector<1000x128xf32>
    %mul3A_53 = arith.mulf %add3A_48, %mul3A_52 : vector<1000x128xf32>
    %get3A_54 = arith.constant 0 : index
    %get3A_55 = arith.constant 0 : index
    %get3A_56 = vector.load %arg8[%get3A_54, %get3A_55] : memref<128x128xf32, #tpu.memory_space<vmem>>, vector<128x128xf32>
    %dot_general3A_57 = arith.constant dense<0.000000e+00> : vector<1000x128xf32>
    %dot_general3A_58 = tpu.matmul %mul3A_53, %get3A_56, %dot_general3A_57 {dimension_numbers = #tpu.dot_dimension_numbers<[1], [0], [0], [1], [0, 0, 1, 1], [], []>, transpose_lhs_hint = false} : vector<1000x128xf32>, vector<128x128xf32>, vector<1000x128xf32> -> vector<1000x128xf32>
    %get3A_59 = arith.constant 0 : index
    %get3A_60 = arith.constant 0 : index
    %get3A_61 = vector.load %arg7[%get3A_59, %get3A_60] : memref<1000x128xf32, #tpu.memory_space<vmem>>, vector<1000x128xf32>
    %get3A_62 = arith.constant 0 : index
    %get3A_63 = arith.constant 0 : index
    %get3A_64 = vector.load %arg9[%get3A_62, %get3A_63] : memref<128x128xf32, #tpu.memory_space<vmem>>, vector<128x128xf32>
    %dot_general3A_65 = arith.constant dense<0.000000e+00> : vector<1000x128xf32>
    %dot_general3A_66 = tpu.matmul %get3A_61, %get3A_64, %dot_general3A_65 {dimension_numbers = #tpu.dot_dimension_numbers<[1], [0], [0], [1], [0, 0, 1, 1], [], []>, transpose_lhs_hint = false} : vector<1000x128xf32>, vector<128x128xf32>, vector<1000x128xf32> -> vector<1000x128xf32>
    %add3A_67 = arith.addf %dot_general3A_58, %dot_general3A_66 : vector<1000x128xf32>
    %get3A_68 = arith.constant 0 : index
    %get3A_69 = arith.constant 0 : index
    %get3A_70 = vector.load %arg10[%get3A_68, %get3A_69] : memref<1x128xf32, #tpu.memory_space<vmem>>, vector<1x128xf32>
    %add3A_71 = vector.broadcast %get3A_70 : vector<1x128xf32> to vector<1000x128xf32>
    %add3A_72 = arith.addf %add3A_67, %add3A_71 : vector<1000x128xf32>
    %get3A_73 = arith.constant 0 : index
    %get3A_74 = arith.constant 0 : index
    %get3A_75 = vector.load %arg11[%get3A_73, %get3A_74] : memref<128x32xf32, #tpu.memory_space<vmem>>, vector<128x32xf32>
    %dot_general3A_76 = arith.constant dense<0.000000e+00> : vector<1000x32xf32>
    %dot_general3A_77 = tpu.matmul %add3A_72, %get3A_75, %dot_general3A_76 {dimension_numbers = #tpu.dot_dimension_numbers<[1], [0], [0], [1], [0, 0, 1, 1], [], []>, transpose_lhs_hint = false} : vector<1000x128xf32>, vector<128x32xf32>, vector<1000x32xf32> -> vector<1000x32xf32>
    %get3A_78 = arith.constant 0 : index
    %get3A_79 = arith.constant 0 : index
    %get3A_80 = vector.load %arg12[%get3A_78, %get3A_79] : memref<1x32xf32, #tpu.memory_space<vmem>>, vector<1x32xf32>
    %add3A_81 = vector.broadcast %get3A_80 : vector<1x32xf32> to vector<1000x32xf32>
    %add3A_82 = arith.addf %dot_general3A_77, %add3A_81 : vector<1000x32xf32>
    %swap3A_83 = arith.constant 0 : index
    %swap3A_84 = arith.constant 0 : index
    %swap3A_85 = vector.load %arg14[%swap3A_83, %swap3A_84] : memref<1000x32xf32, #tpu.memory_space<vmem>>, vector<1000x32xf32>
    tpu.vector_store %arg14[%swap3A_83, %swap3A_84], %add3A_82 {strides = array<i32>} : memref<1000x32xf32, #tpu.memory_space<vmem>>, vector<1000x32xf32>,
    return
  }
}

</mosaic_0001>

<sc_bundles>
// kernel: kernel.12.cloned.1.call-start
scs
__scs_entry_jumppad:
0x0: {  	(pc) =	sbr.rel $0x88, $3  }
0x1: {  	(tag) =	ssettag $0x0;
	lr =	simm.s32 $0x1  }
0x2: {  	[smem:$0x3F91] =	sst lr;
	_ =	strace $0xD0000000  }
0x3: {  	_ = 	snop  }
0x4: {  	_ = 	snop  }
0x5: {  	_ = 	snop  }
0x6: {  	_ = 	snop  }
0x7: {  	_ = 	snop  }
__scs_overlays_trampoline_lowered:
0x8: {  	[smem:$0x3FA0] =	sst s0  }
0x9: {  	[smem:$0x3FA1] =	sst s1  }
0xa: {  	[smem:$0x3FA2] =	sst s2  }
0xb: {  	[smem:$0x3FA3] =	sst s3  }
0xc: {  	[smem:$0x3FA4] =	sst s4  }
0xd: {  	[smem:$0x3FA5] =	sst s5  }
0xe: {  	[smem:$0x3FA6] =	sst s6  }
0xf: {  	[smem:$0x3FA7] =	sst s7  }
0x10: {  	[smem:$0x3FA8] =	sst s8  }
0x11: {  	[smem:$0x3FA9] =	sst s9;
	s0 =	simm.s32 @!p0 $0x0  }
0x12: {  	s1 =	sld [smem:$0x3F8F];
	s0 =	simm.s32 @p0 $0x1  }
0x13: {  	[smem:$0x3FAA] =	sst s0;
	s0 =	simm.s32 @!p1 $0x0  }
0x14: {  	s2 =	sld [smem:$0x3F8E];
	s0 =	simm.s32 @p1 $0x1  }
0x15: {  	[smem:$0x3FAB] =	sst s0;
	s0 =	simm.s32 @!p2 $0x0  }
0x16: {  	s3 =	sld [smem:$0x3FDB];
	s0 =	simm.s32 @p2 $0x1  }
0x17: {  	s4 =	simm.s32 $0x1BF5;
	[smem:$0x3FAD] =	sst s0  }
0x18: {  	s0 =	sld [smem:$0x3F90];
	_ =	swait.ge [sflag:s4], $0x0  }
0x19: {  	s7 =	sld [smem:$0x3F91]  }
0x1a: {  	s8 =	sadd.s32 $0xFFFFE003, lr  }
0x1b: {  	s9 =	sadd.s32 $0xFFFFFEF7, lr;
	s5 =	simm.s32 $0xFFFFFFFF;
	p2 =	slt.u32 s8, $0xFFFFF086  }
0x1c: {  	p1 =	slt.u32 s9, $0xF7A;
	s5 =	simm.s32 @!p2 $0x0  }
0x1d: {  	s5 =	simm.s32 @p1 $0x1;
	p0 =	seq.s32 s7, s2  }
0x1e: {  	s7 =	smul.u32 @!p0 $0xF7A, s2;
	p2 =	seq.s32 @!p0 s5, $0x0  }
0x1f: {  	s9 =	smul.u32 $0xF7A, s1;
	s8 =	simm.s32 @!p0 $0x1BF5;
	p2 =	por !p2, p0  }
0x20: {  	[sflag:s8] =	ssyncset.s32 @!p0 $0xFFFFF086;
	s6 =	sadd.s32 @!p0 s3, s7;
	s7 =	simm.s32 @!p0 $0x108  }
0x21: {  	s3 =	sadd.s32 s3, s9;
	s6 =	sadd.s32 @!p0 $0x88, s6;
	s7 =	simm.s32 @p2 $0x1082  }
0x22: {  	[simem:s7], [sflag:s8] =	dma.local @!p0 [hbm:s6], $0xF7A  }
0x23: {  	s9 =	sor.u32 $0xD0000000, s2;
	s6 =	simm.s32 $0x108;
	_ =	swait.ge @!p0 [sflag:s8], $0x0  }
0x24: {  	s3 =	sadd.s32 $0x88, s3;
	s6 =	simm.s32 @!p1 $0x1082;
	[sflag:s4] =	ssyncset.s32 $0xFFFFF086  }
0x25: {  	[simem:s6], [sflag:s4] =	dma.local [hbm:s3], $0xF7A  }
0x26: {  	[smem:$0x3F91] =	sst s1;
	(tag) =	ssettag s2;
	_ =	strace s9  }
0x27: {  	s1 =	sld [smem:$0x3FA1]  }
0x28: {  	s2 =	sld [smem:$0x3FA2]  }
0x29: {  	s4 =	sld [smem:$0x3FA4]  }
0x2a: {  	p0 =	seq.s32 s5, $0x0;
	s5 =	sld [smem:$0x3FA5]  }
0x2b: {  	s6 =	sld [smem:$0x3FA6]  }
0x2c: {  	s7 =	sld [smem:$0x3FA7]  }
0x2d: {  	s3 =	simm.s32 $0x108;
	s8 =	sld [smem:$0x3FA8]  }
0x2e: {  	s3 =	simm.s32 @!p0 $0x1082;
	s9 =	sld [smem:$0x3FA9]  }
0x2f: {  	lr =	sadd.s32 s0, s3;
	s0 =	sld [smem:$0x3FA0]  }
0x30: {  	s3 =	sld [smem:$0x3FA3]  }
0x31: {  	[smem:$0x3FAC] =	sst s10  }
0x32: {  	s10 =	sld [smem:$0x3FAA];
	_ =	sdelay $0x3  }
0x33: {  	p0 =	seq.s32 s10, $0x1;
	s10 =	sld [smem:$0x3FAC];
	_ =	sdelay $0x3  }
0x34: {  	[smem:$0x3FAC] =	sst s10  }
0x35: {  	s10 =	sld [smem:$0x3FAB];
	_ =	sdelay $0x3  }
0x36: {  	p1 =	seq.s32 s10, $0x1;
	s10 =	sld [smem:$0x3FAC];
	_ =	sdelay $0x3  }
0x37: {  	[smem:$0x3FAC] =	sst s10  }
0x38: {  	s10 =	sld [smem:$0x3FAD]  }
0x39: {  	_ = 	snop;
	(pc) =	sbr.ind lr, $3  }
0x3a: {  	_ = 	snop  }
0x3b: {  	_ = 	snop  }
0x3c: {  	p2 =	seq.s32 s10, $0x1;
	s10 =	sld [smem:$0x3FAC]  }
0x3d: {  	_ =	shalt  }
0x3e: {  	_ =	shalt  }
0x3f: {  	_ =	shalt  }
0x40: {  	_ =	shalt  }
0x41: {  	_ =	shalt  }
0x42: {  	_ =	shalt  }
0x43: {  	_ =	shalt  }
0x44: {  	_ =	shalt  }
0x45: {  	_ =	shalt  }
0x46: {  	_ =	shalt  }
0x47: {  	_ =	shalt  }
0x48: {  	_ =	shalt  }
0x49: {  	_ =	shalt  }
0x4a: {  	_ =	shalt  }
0x4b: {  	_ =	shalt  }
0x4c: {  	_ =	shalt  }
0x4d: {  	_ =	shalt  }
0x4e: {  	_ =	shalt  }
0x4f: {  	_ =	shalt  }
0x50: {  	_ =	shalt  }
0x51: {  	_ =	shalt  }
0x52: {  	_ =	shalt  }
0x53: {  	_ =	shalt  }
0x54: {  	_ =	shalt  }
0x55: {  	_ =	shalt  }
0x56: {  	_ =	shalt  }
0x57: {  	_ =	shalt  }
0x58: {  	_ =	shalt  }
0x59: {  	_ =	shalt  }
0x5a: {  	_ =	shalt  }
0x5b: {  	_ =	shalt  }
0x5c: {  	_ =	shalt  }
0x5d: {  	_ =	shalt  }
0x5e: {  	_ =	shalt  }
0x5f: {  	_ =	shalt  }
0x60: {  	_ =	shalt  }
0x61: {  	_ =	shalt  }
0x62: {  	_ =	shalt  }
0x63: {  	_ =	shalt  }
0x64: {  	_ =	shalt  }
0x65: {  	_ =	shalt  }
0x66: {  	_ =	shalt  }
0x67: {  	_ =	shalt  }
0x68: {  	_ =	shalt  }
0x69: {  	_ =	shalt  }
0x6a: {  	_ =	shalt  }
0x6b: {  	_ =	shalt  }
0x6c: {  	_ =	shalt  }
0x6d: {  	_ =	shalt  }
0x6e: {  	_ =	shalt  }
0x6f: {  	_ =	shalt  }
0x70: {  	_ =	shalt  }
0x71: {  	_ =	shalt  }
0x72: {  	_ =	shalt  }
0x73: {  	_ =	shalt  }
0x74: {  	_ =	shalt  }
0x75: {  	_ =	shalt  }
0x76: {  	_ =	shalt  }
0x77: {  	_ =	shalt  }
0x78: {  	_ =	shalt  }
0x79: {  	_ =	shalt  }
0x7a: {  	_ =	shalt  }
0x7b: {  	_ =	shalt  }
0x7c: {  	_ =	shalt  }
0x7d: {  	_ =	shalt  }
0x7e: {  	_ =	shalt  }
0x7f: {  	_ =	shalt  }
0x80: {  	_ =	shalt  }
0x81: {  	_ =	shalt  }
0x82: {  	_ =	shalt  }
0x83: {  	_ =	shalt  }
0x84: {  	_ =	shalt  }
0x85: {  	_ =	shalt  }
0x86: {  	_ =	shalt  }
0x87: {  	_ =	shalt  }
.Lfunc_end0:
.L_simem_size_0:
called_computation.1_lowered:
.L_overlay_start_0:
0x88: {  	s2 =	sld [smem:$0x3FD9]  }
0x89: {  	s3 =	sld [smem:$0x3FFE];
	_ =	sdelay $0x1  }
0x8a: {  	s1 =	srdreg.scid  }
0x8b: {  	s0 =	sand.u32 $0x1, s1  }
0x8c: {  	s16 =	sshll.u32 s0, $0xA;
	s2 =	sadd.s32 s3, s2  }
0x8d: {  	s2 =	sadd.s32 s2, s16  }
0x8e: {  	[smem:$0x3FB8] =	sst s2  }
0x8f: {  	_ = 	snop  }
0x90: {  	(tm) =	ssettm $0x1  }
0x91: {  	s17 =	sld [smem:$0x3FFB];
	_ =	sdelay $0x3  }
0x92: {  	_ =	strace s17  }
0x93: {  	s2 =	sld [smem:$0x3FFC];
	_ =	sdelay $0x3  }
0x94: {  	_ =	strace s2  }
0x95: {  	s2 =	sld [smem:$0x3FFD];
	_ =	sdelay $0x3  }
0x96: {  	_ =	strace s2  }
0x97: {  	_ =	strace $0x8FFFFFFF  }
0x98: {  	s18 =	sld [smem:$0x3FDB];
	_ =	sdelay $0x1  }
0x99: {  	s19 =	simm.s32 $_scs_section_size  }
0x9a: {  	s4 =	simm.s32 $_size__tile_overlayer_lowered;
	s5 =	simm.s32 $_tile_overlayer_lowered  }
0x9b: {  	s22 =	simm.s32 $0x1BFF;
	s21 =	sshll.u32 s5, $0x1;
	s2 =	sadd.s32 s19, s18  }
0x9c: {  	s6 =	simm.s32 $0x0;
	s20 =	sshll.u32 s4, $0x1;
	s4 =	sadd.s32 s21, s2  }
0x9d: {  	[timem:s6], [sflag:s22] =	dma.local [hbm:s4], s20  }
0x9e: {  	_ =	swait.ge [sflag:s22], s20  }
0x9f: {  	s3 =	ssub.s32 $0x0, s20;
	[sflag:s22] =	ssyncset.done $0x0  }
0xa0: {  	[sflag:s22] =	ssyncadd.s32 s3;
	_ =	sdelay $0x1  }
0xa1: {  	s23 =	simm.s32 $0x1B8B  }
0xa2: {  	_ =	swait.ge [sflag:s23], $0x1  }
0xa3: {  	[sflag:s23] =	ssyncset.done $0x0  }
0xa4: {  	s25 =	simm.s32 $0x1B8E;
	s24 =	sld [smem:$0x3FFE];
	[sflag:s23] =	ssyncadd.s32 $0xFFFFFFFF  }
0xa5: {  	s26 =	simm.s32 $execute0_lowered;
	[smem:$0x3FD2] =	sst s25  }
0xa6: {  	s4 =	sshll.u32 s26, $0x1;
	_ =	strace $0x80000049;
	[dreg:$0x1] =	wrdreg $0xFFFFFFFF  }
0xa7: {  	s28 =	simm.s32 $_size_execute0_lowered;
	s2 =	sadd.s32 s2, s4;
	[dreg:$0x0] =	wrdreg $0x0  }
0xa8: {  	s4 =	sshll.u32 s28, $0x1;
	[dreg:$0x2] =	wrdreg s2  }
0xa9: {  	[dreg:$0x3] =	wrdreg s4  }
0xaa: {  	[dreg:$0x4] =	wrdreg $0xC0  }
0xab: {  	_ =	task [dreg:s6], $0x5FFFF  }
0xac: {  	[dreg:$0x1] =	wrdreg $0xFFFFFFFF  }
0xad: {  	[dreg:$0x0] =	wrdreg $0x60  }
0xae: {  	[dreg:$0x2] =	wrdreg s24  }
0xaf: {  	[dreg:$0x3] =	wrdreg $0x0  }
0xb0: {  	[dreg:$0x4] =	wrdreg $0x9  }
0xb1: {  	_ =	task.clear_ibuf [dreg:s6], $0x5FFFF;
	_ =	strace $0x90000049  }
0xb2: {  	s29 =	simm.s32 $0x9;
	_ =	strace $0x8000004B  }
0xb3: {  	_ =	swait.ge [sflag:s29], $0x1  }
0xb4: {  	[sflag:s29] =	ssyncadd.s32 $0xFFFFFFFF  }
0xb5: {  	_ =	strace $0x9000004B  }
0xb6: {  	_ =	sfence  }
0xb7: {  	s30 =	sld [smem:$0x0];
	_ =	sdelay $0x2  }
0xb8: {  	s31 =	sshll.u32 s1, $0xD;
	s1 =	sshrl.u32 s1, $0x2  }
0xb9: {  	s3 =	sand.u32 $0x4000, s31;
	s1 =	sadd.s32 s1, s30  }
0xba: {  	s0 =	sor.u32 s3, s0;
	s1 =	sshll.u32 s1, $0x11  }
0xbb: {  	s0 =	sor.u32 s1, s0  }
0xbc: {  	s0 =	sadd.s32 $0x8F2B, s0  }
0xbd: {  	[sflag:s0] =	ssyncadd.remote.s32 $0x1  }
0xbe: {  	_ =	sfence.sel $0xFFFF  }
0xbf: {  	[dreg:$0x0] =	wrdreg $0xFFFFFFFF;
	(pc) =	sbr.abs _section_cstart, $3  }
0xc0: {  	[dreg:$0x1] =	wrdreg $0xFFFFFFFF  }
0xc1: {  	_ =	task.clear_ibuf [dreg:s6], $0x2FFFF;
	_ =	strace $0x9FFFFFFF  }
0xc2: {  	(tm) =	ssettm $0x7FFFFFFF  }
0xc3: {  	_ =	shalt  }
tec
execute0_lowered:
.L_overlay_start_1:
0x0: {  	(tag) =	ssettag $0x1  }
0x1: {  	s8 =	rddreg [dreg:$0x0]  }
0x2: {  	s1 =	rddreg [dreg:$0x1]  }
0x3: {  	s0 =	rddreg [dreg:$0x2]  }
0x4: {  	s2 =	simm.s32 $0x0;
	s3 =	srdreg.scid;
	s14 =	simm.s32 $0x14800  }
0x5: {  	s15 =	simm.s32 $0x80;
	s16 =	simm.s32 $0x15000;
	[smem:$0x7FF] =	sst s2  }
0x6: {  	s4 =	sadd.s32 $0x73800, s8;
	s9 =	sand.u32 $0x1, s3;
	s5 =	sadd.s32 $0x4800, s8  }
0x7: {  	s3 =	stileid.u32;
	s6 =	sadd.s32 $0x18C00, s8;
	s7 =	sadd.s32 $0x3FE00, s8  }
0x8: {  	_ =	strace $0x8000004A;
	s10 =	smul.u32 $0x28000, s9;
	s11 =	ssub.s32 $0x2, s9  }
0x9: {  	s12 =	smul.u32 $0x50000, s3;
	s28 =	sshll.u32 s9, $0x4;
	s31 =	sshll.u32 s3, $0x6  }
0xa: {  	s18 =	smul.u32 $0x2800, s3;
	s26 =	sshrl.u32 s11, $0x1;
	s30 =	sor.u32 s3, s28  }
0xb: {  	s10 =	sadd.s32 s10, s8;
	s11 =	ssub.s32 s11, s26;
	s29 =	sshrl.u32 s12, $0x2  }
0xc: {  	s8 =	sor.u32 $0x1C01, s31;
	s9 =	smul.u32 $0x2800, s30;
	s12 =	simm.s32 $0x1  }
0xd: {  	s13 =	sadd.s32 s29, s1;
	s17 =	sadd.s32 $0x7D800, s10;
	s10 =	smax.u32 s11, $0x1  }
0xe: {  	s11 =	sshrl.u32 s13, $0x3;
	s13 =	simm.s32 $0x14000;
	s17 =	sadd.s32 s18, s17  }
.LBB2_1:
0xf: {  	[spmem:s11], [sflag:s8] =	dma.local [hbm:s7], $0x2800  }
0x10: {  	_ =	swait.ge [sflag:s12], $0x2800  }
0x11: {  	[sflag:s12] =	ssyncset.done $0x0  }
0x12: {  	[sflag:s12] =	ssyncadd.s32 $0xFFFFD800  }
0x13: {  	s18 =	simm.s32 $0x0;
	[bflag:$0x0] =	sbarrier.arrive $0xFFFF  }
.LBB2_2:
0x14: {  	s19 =	sshll.u32 s18, $0xB  }
0x15: {  	s19 =	sadd.s32 s9, s19  }
0x16: {  	s19 =	sshrl.u32 s19, $0x3  }
0x17: {  	s21 =	simm.s32 $0x0;
	s20 =	sadd.s32 s4, s19  }
0x18: {  	[tilespmem:s13], [sflag:$0x1] =	stream.linear.gather [hbm4b:s20+s21], $0x800, $0x38;
	[tilespmem:$0x19000] =	vst v63  }
0x19: {  	_ =	swait.ge [sflag:s12], $0x800  }
0x1a: {  	[sflag:s12] =	ssyncset.done $0x0  }
0x1b: {  	s19 =	sadd.s32 s5, s19;
	[sflag:s12] =	ssyncadd.s32 $0xFFFFF800  }
0x1c: {  	[tilespmem:s14], [sflag:$0x1] =	stream.linear.gather [hbm4b:s19+s21], $0x800, $0x38;
	[tilespmem:$0x19000] =	vst v63  }
0x1d: {  	_ =	swait.ge [sflag:s12], $0x800  }
0x1e: {  	[sflag:s12] =	ssyncset.done $0x0  }
0x1f: {  	s30 =	simm.s32 $0x14000;
	[sflag:s12] =	ssyncadd.s32 $0xFFFFF800  }
0x20: {  	[tilespmem:s16], [sflag:$0x1] =	stream.indirect.gather [hbm4b:s6+s15], $0x80, s30, s15, $0xb8;
	[tilespmem:$0x19000] =	vst v63  }
0x21: {  	_ =	swait.ge [sflag:s12], $0x4000  }
0x22: {  	[sflag:s12] =	ssyncset.done $0x0  }
0x23: {  	s31 =	simm.s32 $0x14800;
	[sflag:s12] =	ssyncadd.s32 $0xFFFFC000  }
0x24: {  	[spmem:s1] =	stream.indirect.scatter.add.f32 [tilespmem:s16], [sflag:$0x1], $0x80, s31, s15, $0xb8;
	[tilespmem:$0x19000] =	vst v63  }
0x25: {  	_ =	swait.ge [sflag:s12], $0x4000  }
0x26: {  	s20 =	simm.s32 $0x400;
	s19 =	simm.s32 $0x80;
	[sflag:s12] =	ssyncset.done $0x0  }
.LBB2_3:
0x27: {  	s21 =	sadd.s32 $0x14000, s19  }
0x28: {  	[sflag:s12] =	ssyncadd.s32 $0xFFFFC000;
	s22 =	smov.u32 s20;
	s23 =	sadd.s32 $0x200, s20  }
0x29: {  	[tilespmem:s16], [sflag:$0x1] =	stream.indirect.gather [hbm4b:s6+s15], $0x80, s21, s15, $0xb8;
	[tilespmem:$0x19000] =	vst v63  }
0x2a: {  	p0 =	sne.s32 s20, $0x1E00;
	_ =	swait.ge [sflag:s12], $0x4000  }
.Ltmp0:
0x2b: {  	[sflag:s12] =	ssyncset.done $0x0;
	(pc) =	sbr.rel @p0 .LBB2_3-.Ltmp0, $4  }
0x2c: {  	s19 =	sadd.s32 $0x14800, s19;
	[sflag:s12] =	ssyncadd.s32 $0xFFFFC000  }
0x2d: {  	[spmem:s1] =	stream.indirect.scatter.add.f32 [tilespmem:s16], [sflag:$0x1], $0x80, s19, s15, $0xb8;
	[tilespmem:$0x19000] =	vst v63  }
0x2e: {  	_ =	swait.ge [sflag:s12], $0x4000  }
0x2f: {  	s20 =	smov.u32 s23;
	s19 =	sshra.s32 s22, $0x2;
	[sflag:s12] =	ssyncset.done $0x0  }
0x30: {  	s20 =	sadd.s32 $0x14000, s19;
	[sflag:s12] =	ssyncadd.s32 $0xFFFFC000  }
0x31: {  	[tilespmem:s16], [sflag:$0x1] =	stream.indirect.gather [hbm4b:s6+s15], $0x80, s20, s15, $0xb8;
	[tilespmem:$0x19000] =	vst v63  }
0x32: {  	s18 =	sadd.s32 $0x1, s18;
	_ =	swait.ge [sflag:s12], $0x4000  }
0x33: {  	p0 =	sne.s32 s18, $0x5;
	[sflag:s12] =	ssyncset.done $0x0  }
.Ltmp1:
0x34: {  	s31 =	sadd.s32 $0x14800, s19;
	[sflag:s12] =	ssyncadd.s32 $0xFFFFC000;
	(pc) =	sbr.rel @p0 .LBB2_2-.Ltmp1, $4  }
0x35: {  	[spmem:s1] =	stream.indirect.scatter.add.f32 [tilespmem:s16], [sflag:$0x1], $0x80, s31, s15, $0xb8;
	[tilespmem:$0x19000] =	vst v63  }
0x36: {  	_ =	swait.ge [sflag:s12], $0x4000  }
0x37: {  	[sflag:s12] =	ssyncset.done $0x0  }
0x38: {  	[sflag:s12] =	ssyncadd.s32 $0xFFFFC000  }
0x39: {  	s2 =	sadd.s32 $0x1, s2  }
0x3a: {  	p0 =	sne.s32 s2, s10  }
.Ltmp2:
0x3b: {  	[bflag:$0x0] =	sbarrier.arrive $0xFFFF;
	(pc) =	sbr.rel @p0 .LBB2_1-.Ltmp2, $4  }
0x3c: {  	[hbm:s17], [sflag:s8] =	dma.local [spmem:s11], $0x2800  }
0x3d: {  	_ =	swait.ge [sflag:s12], $0x2800  }
0x3e: {  	[sflag:s12] =	ssyncset.done $0x0  }
0x3f: {  	[sflag:s12] =	ssyncadd.s32 $0xFFFFD800  }
0x40: {  	_ =	sfence.sel $0x180000  }
0x41: {  	[bflag:$0x0] =	sbarrier.arrive $0xFFFF  }
0x42: {  	p0 =	sne.s32 s3, $0x0;
	_ =	strace $0x9000004A  }
0x43: {  	s0 =	sadd.s32 @!p0 $0x100000, s0;
	[bflag:$0x2] =	sbarrier.arrive $0xFFFF  }
0x44: {  	[sflag:s0] =	ssyncadd.tile.s32 @!p0 $0x1;
	_ =	shalt  }
.Lfunc_end2:
_tile_overlayer_lowered:
.L_overlay_start_2:
0x45: {  	(tag) =	ssettag $0x2  }
0x46: {  	s0 =	rddreg [dreg:$0x0];
	s2 =	stileid.u32  }
0x47: {  	s1 =	rddreg [dreg:$0x1];
	p0 =	sne.s32 s2, $0x0  }
0x48: {  	s3 =	rddreg [dreg:$0x2];
	[bflag:$0x3] =	sbarrier.arrive $0xFFFF;
	s2 =	simm.s32 @!p0 $0x1C01  }
0x49: {  	[timem:s3], [sflag:s2] =	dma.local @!p0 [hbm:s0], s1  }
0x4a: {  	s0 =	simm.s32 @!p0 $0x1  }
0x4b: {  	_ =	swait.ge @!p0 [sflag:s0], s1  }
0x4c: {  	s1 =	ssub.s32 @!p0 $0x0, s1;
	[sflag:s0] =	ssyncset.done @!p0 $0x0  }
0x4d: {  	[sflag:s0] =	ssyncadd.s32 @!p0 s1  }
0x4e: {  	[bflag:$0x3] =	sbarrier.arrive $0xFFFF  }
0x4f: {  	_ =	shalt  }

// kernel: kernel.15.cloned.1.call-start
scs
__scs_entry_jumppad:
0x0: {  	(pc) =	sbr.rel $0x88, $3  }
0x1: {  	(tag) =	ssettag $0x0;
	lr =	simm.s32 $0x1  }
0x2: {  	[smem:$0x3F91] =	sst lr;
	_ =	strace $0xD0000000  }
0x3: {  	_ = 	snop  }
0x4: {  	_ = 	snop  }
0x5: {  	_ = 	snop  }
0x6: {  	_ = 	snop  }
0x7: {  	_ = 	snop  }
__scs_overlays_trampoline_lowered:
0x8: {  	[smem:$0x3FA0] =	sst s0  }
0x9: {  	[smem:$0x3FA1] =	sst s1  }
0xa: {  	[smem:$0x3FA2] =	sst s2  }
0xb: {  	[smem:$0x3FA3] =	sst s3  }
0xc: {  	[smem:$0x3FA4] =	sst s4  }
0xd: {  	[smem:$0x3FA5] =	sst s5  }
0xe: {  	[smem:$0x3FA6] =	sst s6  }
0xf: {  	[smem:$0x3FA7] =	sst s7  }
0x10: {  	[smem:$0x3FA8] =	sst s8  }
0x11: {  	[smem:$0x3FA9] =	sst s9;
	s0 =	simm.s32 @!p0 $0x0  }
0x12: {  	s1 =	sld [smem:$0x3F8F];
	s0 =	simm.s32 @p0 $0x1  }
0x13: {  	[smem:$0x3FAA] =	sst s0;
	s0 =	simm.s32 @!p1 $0x0  }
0x14: {  	s2 =	sld [smem:$0x3F8E];
	s0 =	simm.s32 @p1 $0x1  }
0x15: {  	[smem:$0x3FAB] =	sst s0;
	s0 =	simm.s32 @!p2 $0x0  }
0x16: {  	s3 =	sld [smem:$0x3FDB];
	s0 =	simm.s32 @p2 $0x1  }
0x17: {  	s4 =	simm.s32 $0x1BF5;
	[smem:$0x3FAD] =	sst s0  }
0x18: {  	s0 =	sld [smem:$0x3F90];
	_ =	swait.ge [sflag:s4], $0x0  }
0x19: {  	s7 =	sld [smem:$0x3F91]  }
0x1a: {  	s8 =	sadd.s32 $0xFFFFE003, lr  }
0x1b: {  	s9 =	sadd.s32 $0xFFFFFEF7, lr;
	s5 =	simm.s32 $0xFFFFFFFF;
	p2 =	slt.u32 s8, $0xFFFFF086  }
0x1c: {  	p1 =	slt.u32 s9, $0xF7A;
	s5 =	simm.s32 @!p2 $0x0  }
0x1d: {  	s5 =	simm.s32 @p1 $0x1;
	p0 =	seq.s32 s7, s2  }
0x1e: {  	s7 =	smul.u32 @!p0 $0xF7A, s2;
	p2 =	seq.s32 @!p0 s5, $0x0  }
0x1f: {  	s9 =	smul.u32 $0xF7A, s1;
	s8 =	simm.s32 @!p0 $0x1BF5;
	p2 =	por !p2, p0  }
0x20: {  	[sflag:s8] =	ssyncset.s32 @!p0 $0xFFFFF086;
	s6 =	sadd.s32 @!p0 s3, s7;
	s7 =	simm.s32 @!p0 $0x108  }
0x21: {  	s3 =	sadd.s32 s3, s9;
	s6 =	sadd.s32 @!p0 $0x88, s6;
	s7 =	simm.s32 @p2 $0x1082  }
0x22: {  	[simem:s7], [sflag:s8] =	dma.local @!p0 [hbm:s6], $0xF7A  }
0x23: {  	s9 =	sor.u32 $0xD0000000, s2;
	s6 =	simm.s32 $0x108;
	_ =	swait.ge @!p0 [sflag:s8], $0x0  }
0x24: {  	s3 =	sadd.s32 $0x88, s3;
	s6 =	simm.s32 @!p1 $0x1082;
	[sflag:s4] =	ssyncset.s32 $0xFFFFF086  }
0x25: {  	[simem:s6], [sflag:s4] =	dma.local [hbm:s3], $0xF7A  }
0x26: {  	[smem:$0x3F91] =	sst s1;
	(tag) =	ssettag s2;
	_ =	strace s9  }
0x27: {  	s1 =	sld [smem:$0x3FA1]  }
0x28: {  	s2 =	sld [smem:$0x3FA2]  }
0x29: {  	s4 =	sld [smem:$0x3FA4]  }
0x2a: {  	p0 =	seq.s32 s5, $0x0;
	s5 =	sld [smem:$0x3FA5]  }
0x2b: {  	s6 =	sld [smem:$0x3FA6]  }
0x2c: {  	s7 =	sld [smem:$0x3FA7]  }
0x2d: {  	s3 =	simm.s32 $0x108;
	s8 =	sld [smem:$0x3FA8]  }
0x2e: {  	s3 =	simm.s32 @!p0 $0x1082;
	s9 =	sld [smem:$0x3FA9]  }
0x2f: {  	lr =	sadd.s32 s0, s3;
	s0 =	sld [smem:$0x3FA0]  }
0x30: {  	s3 =	sld [smem:$0x3FA3]  }
0x31: {  	[smem:$0x3FAC] =	sst s10  }
0x32: {  	s10 =	sld [smem:$0x3FAA];
	_ =	sdelay $0x3  }
0x33: {  	p0 =	seq.s32 s10, $0x1;
	s10 =	sld [smem:$0x3FAC];
	_ =	sdelay $0x3  }
0x34: {  	[smem:$0x3FAC] =	sst s10  }
0x35: {  	s10 =	sld [smem:$0x3FAB];
	_ =	sdelay $0x3  }
0x36: {  	p1 =	seq.s32 s10, $0x1;
	s10 =	sld [smem:$0x3FAC];
	_ =	sdelay $0x3  }
0x37: {  	[smem:$0x3FAC] =	sst s10  }
0x38: {  	s10 =	sld [smem:$0x3FAD]  }
0x39: {  	_ = 	snop;
	(pc) =	sbr.ind lr, $3  }
0x3a: {  	_ = 	snop  }
0x3b: {  	_ = 	snop  }
0x3c: {  	p2 =	seq.s32 s10, $0x1;
	s10 =	sld [smem:$0x3FAC]  }
0x3d: {  	_ =	shalt  }
0x3e: {  	_ =	shalt  }
0x3f: {  	_ =	shalt  }
0x40: {  	_ =	shalt  }
0x41: {  	_ =	shalt  }
0x42: {  	_ =	shalt  }
0x43: {  	_ =	shalt  }
0x44: {  	_ =	shalt  }
0x45: {  	_ =	shalt  }
0x46: {  	_ =	shalt  }
0x47: {  	_ =	shalt  }
0x48: {  	_ =	shalt  }
0x49: {  	_ =	shalt  }
0x4a: {  	_ =	shalt  }
0x4b: {  	_ =	shalt  }
0x4c: {  	_ =	shalt  }
0x4d: {  	_ =	shalt  }
0x4e: {  	_ =	shalt  }
0x4f: {  	_ =	shalt  }
0x50: {  	_ =	shalt  }
0x51: {  	_ =	shalt  }
0x52: {  	_ =	shalt  }
0x53: {  	_ =	shalt  }
0x54: {  	_ =	shalt  }
0x55: {  	_ =	shalt  }
0x56: {  	_ =	shalt  }
0x57: {  	_ =	shalt  }
0x58: {  	_ =	shalt  }
0x59: {  	_ =	shalt  }
0x5a: {  	_ =	shalt  }
0x5b: {  	_ =	shalt  }
0x5c: {  	_ =	shalt  }
0x5d: {  	_ =	shalt  }
0x5e: {  	_ =	shalt  }
0x5f: {  	_ =	shalt  }
0x60: {  	_ =	shalt  }
0x61: {  	_ =	shalt  }
0x62: {  	_ =	shalt  }
0x63: {  	_ =	shalt  }
0x64: {  	_ =	shalt  }
0x65: {  	_ =	shalt  }
0x66: {  	_ =	shalt  }
0x67: {  	_ =	shalt  }
0x68: {  	_ =	shalt  }
0x69: {  	_ =	shalt  }
0x6a: {  	_ =	shalt  }
0x6b: {  	_ =	shalt  }
0x6c: {  	_ =	shalt  }
0x6d: {  	_ =	shalt  }
0x6e: {  	_ =	shalt  }
0x6f: {  	_ =	shalt  }
0x70: {  	_ =	shalt  }
0x71: {  	_ =	shalt  }
0x72: {  	_ =	shalt  }
0x73: {  	_ =	shalt  }
0x74: {  	_ =	shalt  }
0x75: {  	_ =	shalt  }
0x76: {  	_ =	shalt  }
0x77: {  	_ =	shalt  }
0x78: {  	_ =	shalt  }
0x79: {  	_ =	shalt  }
0x7a: {  	_ =	shalt  }
0x7b: {  	_ =	shalt  }
0x7c: {  	_ =	shalt  }
0x7d: {  	_ =	shalt  }
0x7e: {  	_ =	shalt  }
0x7f: {  	_ =	shalt  }
0x80: {  	_ =	shalt  }
0x81: {  	_ =	shalt  }
0x82: {  	_ =	shalt  }
0x83: {  	_ =	shalt  }
0x84: {  	_ =	shalt  }
0x85: {  	_ =	shalt  }
0x86: {  	_ =	shalt  }
0x87: {  	_ =	shalt  }
.Lfunc_end0:
.L_simem_size_0:
called_computation.2_lowered:
.L_overlay_start_0:
0x88: {  	s2 =	sld [smem:$0x3FD9]  }
0x89: {  	s3 =	sld [smem:$0x3FFE];
	_ =	sdelay $0x1  }
0x8a: {  	s1 =	srdreg.scid  }
0x8b: {  	s0 =	sand.u32 $0x1, s1  }
0x8c: {  	s17 =	sshll.u32 s0, $0xA;
	s2 =	sadd.s32 s3, s2  }
0x8d: {  	s2 =	sadd.s32 s2, s17  }
0x8e: {  	[smem:$0x3FB8] =	sst s2  }
0x8f: {  	_ = 	snop  }
0x90: {  	(tm) =	ssettm $0x1  }
0x91: {  	s18 =	sld [smem:$0x3FFB];
	_ =	sdelay $0x3  }
0x92: {  	_ =	strace s18  }
0x93: {  	s2 =	sld [smem:$0x3FFC];
	_ =	sdelay $0x3  }
0x94: {  	_ =	strace s2  }
0x95: {  	s2 =	sld [smem:$0x3FFD];
	_ =	sdelay $0x3  }
0x96: {  	_ =	strace s2  }
0x97: {  	_ =	strace $0x8FFFFFFF  }
0x98: {  	s19 =	sld [smem:$0x3FDB];
	_ =	sdelay $0x1  }
0x99: {  	s20 =	simm.s32 $_scs_section_size  }
0x9a: {  	s4 =	simm.s32 $_size__tile_overlayer_lowered;
	s5 =	simm.s32 $_tile_overlayer_lowered  }
0x9b: {  	s6 =	simm.s32 $0x1BFF;
	s21 =	sshll.u32 s5, $0x1;
	s3 =	sadd.s32 s20, s19  }
0x9c: {  	s22 =	simm.s32 $0x0;
	s4 =	sshll.u32 s4, $0x1;
	s5 =	sadd.s32 s21, s3  }
0x9d: {  	[timem:s22], [sflag:s6] =	dma.local [hbm:s5], s4  }
0x9e: {  	_ =	swait.ge [sflag:s6], s4  }
0x9f: {  	s4 =	ssub.s32 $0x0, s4;
	[sflag:s6] =	ssyncset.done $0x0  }
0xa0: {  	[sflag:s6] =	ssyncadd.s32 s4;
	_ =	sdelay $0x1  }
0xa1: {  	s23 =	simm.s32 $0x1B8B  }
0xa2: {  	_ =	swait.ge [sflag:s23], $0x1  }
0xa3: {  	[sflag:s23] =	ssyncset.done $0x0  }
0xa4: {  	[sflag:s23] =	ssyncadd.s32 $0xFFFFFFFF  }
0xa5: {  	s4 =	sld [smem:$0x0]  }
0xa6: {  	s5 =	sand.u32 $0xFFFFFFFE, s1  }
0xa7: {  	p0 =	sne.s32 s1, s5  }
0xa8: {  	s5 =	sshll.u32 @p0 s5, $0xE  }
0xa9: {  	s5 =	sadd.s32 @p0 $0x11B8D, s5;
	s6 =	sshll.u32 @p0 s4, $0x11  }
0xaa: {  	s5 =	sor.u32 @p0 s6, s5  }
0xab: {  	[sflag:s5] =	ssyncadd.remote.s32 @p0 $0x1;
	_ =	sdelay $0x1  }
0xac: {  	s5 =	simm.s32 @p0 $0x1B8D  }
0xad: {  	_ =	swait.eq @p0 [sflag:s5], $0x1  }
0xae: {  	[sflag:s5] =	ssyncadd.s32 @p0 $0xFFFFFFFF  }
0xaf: {  	s6 =	sshll.u32 @!p0 s1, $0xE  }
0xb0: {  	s6 =	sor.u32 @!p0 $0x4000, s6;
	s5 =	simm.s32 @!p0 $0x1B8D  }
0xb1: {  	s4 =	sshll.u32 @!p0 s4, $0x11;
	s6 =	sadd.s32 @!p0 $0x11B8D, s6;
	_ =	swait.eq @!p0 [sflag:s5], $0x1  }
0xb2: {  	s4 =	sor.u32 @!p0 s4, s6;
	[sflag:s5] =	ssyncadd.s32 @!p0 $0xFFFFFFFF  }
0xb3: {  	s25 =	simm.s32 $0x1B8E;
	s24 =	sld [smem:$0x3FFE];
	[sflag:s4] =	ssyncadd.remote.s32 @!p0 $0x1  }
0xb4: {  	s26 =	simm.s32 $execute0_lowered;
	[smem:$0x3FD2] =	sst s25  }
0xb5: {  	s5 =	sshll.u32 s26, $0x1;
	_ =	strace $0x8000004F;
	[dreg:$0x1] =	wrdreg $0xFFFFFFFF  }
0xb6: {  	s28 =	simm.s32 $_size_execute0_lowered;
	s3 =	sadd.s32 s3, s5;
	[dreg:$0x0] =	wrdreg $0x0  }
0xb7: {  	s5 =	sshll.u32 s28, $0x1;
	[dreg:$0x2] =	wrdreg s3  }
0xb8: {  	[dreg:$0x3] =	wrdreg s5  }
0xb9: {  	[dreg:$0x4] =	wrdreg $0xC0  }
0xba: {  	_ =	task [dreg:s22], $0x5FFFF  }
0xbb: {  	[dreg:$0x1] =	wrdreg $0xFFFFFFFF  }
0xbc: {  	[dreg:$0x0] =	wrdreg $0x60  }
0xbd: {  	[dreg:$0x2] =	wrdreg s24  }
0xbe: {  	[dreg:$0x3] =	wrdreg $0x0  }
0xbf: {  	[dreg:$0x4] =	wrdreg $0x9  }
0xc0: {  	_ =	task.clear_ibuf [dreg:s22], $0x5FFFF;
	_ =	strace $0x9000004F  }
0xc1: {  	s29 =	simm.s32 $0x9;
	_ =	strace $0x80000051  }
0xc2: {  	_ =	swait.ge [sflag:s29], $0x1  }
0xc3: {  	[sflag:s29] =	ssyncadd.s32 $0xFFFFFFFF  }
0xc4: {  	_ =	strace $0x90000051  }
0xc5: {  	_ =	sfence  }
0xc6: {  	s30 =	sld [smem:$0x0];
	_ =	sdelay $0x2  }
0xc7: {  	s31 =	sshll.u32 s1, $0xD;
	s1 =	sshrl.u32 s1, $0x2  }
0xc8: {  	s4 =	sand.u32 $0x4000, s31;
	s1 =	sadd.s32 s1, s30  }
0xc9: {  	s0 =	sor.u32 s4, s0;
	s1 =	sshll.u32 s1, $0x11  }
0xca: {  	s0 =	sor.u32 s1, s0  }
0xcb: {  	s0 =	sadd.s32 $0x8F2B, s0  }
0xcc: {  	[sflag:s0] =	ssyncadd.remote.s32 $0x1  }
0xcd: {  	_ =	sfence.sel $0xFFFF  }
0xce: {  	[dreg:$0x0] =	wrdreg $0xFFFFFFFF;
	(pc) =	sbr.abs _section_cstart, $3  }
0xcf: {  	[dreg:$0x1] =	wrdreg $0xFFFFFFFF  }
0xd0: {  	_ =	task.clear_ibuf [dreg:s22], $0x2FFFF;
	_ =	strace $0x9FFFFFFF  }
0xd1: {  	(tm) =	ssettm $0x7FFFFFFF  }
tec
execute0_lowered:
.L_overlay_start_1:
0x0: {  	(tag) =	ssettag $0x1  }
0x1: {  	s8 =	rddreg [dreg:$0x0]  }
0x2: {  	s1 =	rddreg [dreg:$0x1]  }
0x3: {  	s0 =	rddreg [dreg:$0x2]  }
0x4: {  	s2 =	simm.s32 $0x0;
	s3 =	srdreg.scid;
	s14 =	simm.s32 $0x14800  }
0x5: {  	s15 =	simm.s32 $0x80;
	s16 =	simm.s32 $0x15000;
	[smem:$0x7FF] =	sst s2  }
0x6: {  	s4 =	sadd.s32 $0x73800, s8;
	s9 =	sand.u32 $0x1, s3;
	s5 =	sadd.s32 $0x4800, s8  }
0x7: {  	s3 =	stileid.u32;
	s6 =	sadd.s32 $0x42600, s8;
	s7 =	sadd.s32 $0x3FE00, s8  }
0x8: {  	_ =	strace $0x80000050;
	s10 =	smul.u32 $0x28000, s9;
	s11 =	ssub.s32 $0x2, s9  }
0x9: {  	s12 =	smul.u32 $0x50000, s3;
	s28 =	sshll.u32 s9, $0x4;
	s31 =	sshll.u32 s3, $0x6  }
0xa: {  	s18 =	smul.u32 $0x2800, s3;
	s26 =	sshrl.u32 s11, $0x1;
	s30 =	sor.u32 s3, s28  }
0xb: {  	s10 =	sadd.s32 s10, s8;
	s11 =	ssub.s32 s11, s26;
	s29 =	sshrl.u32 s12, $0x2  }
0xc: {  	s8 =	sor.u32 $0x1C01, s31;
	s9 =	smul.u32 $0x2800, s30;
	s12 =	simm.s32 $0x1  }
0xd: {  	s13 =	sadd.s32 s29, s1;
	s17 =	sadd.s32 $0x7D800, s10;
	s10 =	smax.u32 s11, $0x1  }
0xe: {  	s11 =	sshrl.u32 s13, $0x3;
	s13 =	simm.s32 $0x14000;
	s17 =	sadd.s32 s18, s17  }
.LBB2_1:
0xf: {  	[spmem:s11], [sflag:s8] =	dma.local [hbm:s7], $0x2800  }
0x10: {  	_ =	swait.ge [sflag:s12], $0x2800  }
0x11: {  	[sflag:s12] =	ssyncset.done $0x0  }
0x12: {  	[sflag:s12] =	ssyncadd.s32 $0xFFFFD800  }
0x13: {  	s18 =	simm.s32 $0x0;
	[bflag:$0x0] =	sbarrier.arrive $0xFFFF  }
.LBB2_2:
0x14: {  	s19 =	sshll.u32 s18, $0xB  }
0x15: {  	s19 =	sadd.s32 s9, s19  }
0x16: {  	s19 =	sshrl.u32 s19, $0x3  }
0x17: {  	s21 =	simm.s32 $0x0;
	s20 =	sadd.s32 s4, s19  }
0x18: {  	[tilespmem:s13], [sflag:$0x1] =	stream.linear.gather [hbm4b:s20+s21], $0x800, $0x38;
	[tilespmem:$0x19000] =	vst v63  }
0x19: {  	_ =	swait.ge [sflag:s12], $0x800  }
0x1a: {  	[sflag:s12] =	ssyncset.done $0x0  }
0x1b: {  	s19 =	sadd.s32 s5, s19;
	[sflag:s12] =	ssyncadd.s32 $0xFFFFF800  }
0x1c: {  	[tilespmem:s14], [sflag:$0x1] =	stream.linear.gather [hbm4b:s19+s21], $0x800, $0x38;
	[tilespmem:$0x19000] =	vst v63  }
0x1d: {  	_ =	swait.ge [sflag:s12], $0x800  }
0x1e: {  	[sflag:s12] =	ssyncset.done $0x0  }
0x1f: {  	s30 =	simm.s32 $0x14000;
	[sflag:s12] =	ssyncadd.s32 $0xFFFFF800  }
0x20: {  	[tilespmem:s16], [sflag:$0x1] =	stream.indirect.gather [hbm4b:s6+s15], $0x80, s30, s15, $0xb8;
	[tilespmem:$0x19000] =	vst v63  }
0x21: {  	_ =	swait.ge [sflag:s12], $0x4000  }
0x22: {  	[sflag:s12] =	ssyncset.done $0x0  }
0x23: {  	s31 =	simm.s32 $0x14800;
	[sflag:s12] =	ssyncadd.s32 $0xFFFFC000  }
0x24: {  	[spmem:s1] =	stream.indirect.scatter.add.f32 [tilespmem:s16], [sflag:$0x1], $0x80, s31, s15, $0xb8;
	[tilespmem:$0x19000] =	vst v63  }
0x25: {  	_ =	swait.ge [sflag:s12], $0x4000  }
0x26: {  	s20 =	simm.s32 $0x400;
	s19 =	simm.s32 $0x80;
	[sflag:s12] =	ssyncset.done $0x0  }
.LBB2_3:
0x27: {  	s21 =	sadd.s32 $0x14000, s19  }
0x28: {  	[sflag:s12] =	ssyncadd.s32 $0xFFFFC000;
	s22 =	smov.u32 s20;
	s23 =	sadd.s32 $0x200, s20  }
0x29: {  	[tilespmem:s16], [sflag:$0x1] =	stream.indirect.gather [hbm4b:s6+s15], $0x80, s21, s15, $0xb8;
	[tilespmem:$0x19000] =	vst v63  }
0x2a: {  	p0 =	sne.s32 s20, $0x1E00;
	_ =	swait.ge [sflag:s12], $0x4000  }
.Ltmp0:
0x2b: {  	[sflag:s12] =	ssyncset.done $0x0;
	(pc) =	sbr.rel @p0 .LBB2_3-.Ltmp0, $4  }
0x2c: {  	s19 =	sadd.s32 $0x14800, s19;
	[sflag:s12] =	ssyncadd.s32 $0xFFFFC000  }
0x2d: {  	[spmem:s1] =	stream.indirect.scatter.add.f32 [tilespmem:s16], [sflag:$0x1], $0x80, s19, s15, $0xb8;
	[tilespmem:$0x19000] =	vst v63  }
0x2e: {  	_ =	swait.ge [sflag:s12], $0x4000  }
0x2f: {  	s20 =	smov.u32 s23;
	s19 =	sshra.s32 s22, $0x2;
	[sflag:s12] =	ssyncset.done $0x0  }
0x30: {  	s20 =	sadd.s32 $0x14000, s19;
	[sflag:s12] =	ssyncadd.s32 $0xFFFFC000  }
0x31: {  	[tilespmem:s16], [sflag:$0x1] =	stream.indirect.gather [hbm4b:s6+s15], $0x80, s20, s15, $0xb8;
	[tilespmem:$0x19000] =	vst v63  }
0x32: {  	s18 =	sadd.s32 $0x1, s18;
	_ =	swait.ge [sflag:s12], $0x4000  }
0x33: {  	p0 =	sne.s32 s18, $0x5;
	[sflag:s12] =	ssyncset.done $0x0  }
.Ltmp1:
0x34: {  	s31 =	sadd.s32 $0x14800, s19;
	[sflag:s12] =	ssyncadd.s32 $0xFFFFC000;
	(pc) =	sbr.rel @p0 .LBB2_2-.Ltmp1, $4  }
0x35: {  	[spmem:s1] =	stream.indirect.scatter.add.f32 [tilespmem:s16], [sflag:$0x1], $0x80, s31, s15, $0xb8;
	[tilespmem:$0x19000] =	vst v63  }
0x36: {  	_ =	swait.ge [sflag:s12], $0x4000  }
0x37: {  	[sflag:s12] =	ssyncset.done $0x0  }
0x38: {  	[sflag:s12] =	ssyncadd.s32 $0xFFFFC000  }
0x39: {  	s2 =	sadd.s32 $0x1, s2  }
0x3a: {  	p0 =	sne.s32 s2, s10  }
.Ltmp2:
0x3b: {  	[bflag:$0x0] =	sbarrier.arrive $0xFFFF;
	(pc) =	sbr.rel @p0 .LBB2_1-.Ltmp2, $4  }
0x3c: {  	[hbm:s17], [sflag:s8] =	dma.local [spmem:s11], $0x2800  }
0x3d: {  	_ =	swait.ge [sflag:s12], $0x2800  }
0x3e: {  	[sflag:s12] =	ssyncset.done $0x0  }
0x3f: {  	[sflag:s12] =	ssyncadd.s32 $0xFFFFD800  }
0x40: {  	_ =	sfence.sel $0x180000  }
0x41: {  	[bflag:$0x0] =	sbarrier.arrive $0xFFFF  }
0x42: {  	p0 =	sne.s32 s3, $0x0;
	_ =	strace $0x90000050  }
0x43: {  	s0 =	sadd.s32 @!p0 $0x100000, s0;
	[bflag:$0x2] =	sbarrier.arrive $0xFFFF  }
0x44: {  	[sflag:s0] =	ssyncadd.tile.s32 @!p0 $0x1;
	_ =	shalt  }
.Lfunc_end2:
_tile_overlayer_lowered:
.L_overlay_start_2:
0x45: {  	(tag) =	ssettag $0x2  }
0x46: {  	s0 =	rddreg [dreg:$0x0];
	s2 =	stileid.u32  }
0x47: {  	s1 =	rddreg [dreg:$0x1];
	p0 =	sne.s32 s2, $0x0  }
0x48: {  	s3 =	rddreg [dreg:$0x2];
	[bflag:$0x3] =	sbarrier.arrive $0xFFFF;
	s2 =	simm.s32 @!p0 $0x1C01  }
0x49: {  	[timem:s3], [sflag:s2] =	dma.local @!p0 [hbm:s0], s1  }
0x4a: {  	s0 =	simm.s32 @!p0 $0x1  }
0x4b: {  	_ =	swait.ge @!p0 [sflag:s0], s1  }
0x4c: {  	s1 =	ssub.s32 @!p0 $0x0, s1;
	[sflag:s0] =	ssyncset.done @!p0 $0x0  }
0x4d: {  	[sflag:s0] =	ssyncadd.s32 @!p0 s1  }
0x4e: {  	[bflag:$0x3] =	sbarrier.arrive $0xFFFF  }
0x4f: {  	_ =	shalt  }

// kernel: kernel.18.cloned.1.call-start
scs
__scs_entry_jumppad:
0x0: {  	(pc) =	sbr.rel $0x88, $3  }
0x1: {  	(tag) =	ssettag $0x0;
	lr =	simm.s32 $0x1  }
0x2: {  	[smem:$0x3F91] =	sst lr;
	_ =	strace $0xD0000000  }
0x3: {  	_ = 	snop  }
0x4: {  	_ = 	snop  }
0x5: {  	_ = 	snop  }
0x6: {  	_ = 	snop  }
0x7: {  	_ = 	snop  }
__scs_overlays_trampoline_lowered:
0x8: {  	[smem:$0x3FA0] =	sst s0  }
0x9: {  	[smem:$0x3FA1] =	sst s1  }
0xa: {  	[smem:$0x3FA2] =	sst s2  }
0xb: {  	[smem:$0x3FA3] =	sst s3  }
0xc: {  	[smem:$0x3FA4] =	sst s4  }
0xd: {  	[smem:$0x3FA5] =	sst s5  }
0xe: {  	[smem:$0x3FA6] =	sst s6  }
0xf: {  	[smem:$0x3FA7] =	sst s7  }
0x10: {  	[smem:$0x3FA8] =	sst s8  }
0x11: {  	[smem:$0x3FA9] =	sst s9;
	s0 =	simm.s32 @!p0 $0x0  }
0x12: {  	s1 =	sld [smem:$0x3F8F];
	s0 =	simm.s32 @p0 $0x1  }
0x13: {  	[smem:$0x3FAA] =	sst s0;
	s0 =	simm.s32 @!p1 $0x0  }
0x14: {  	s2 =	sld [smem:$0x3F8E];
	s0 =	simm.s32 @p1 $0x1  }
0x15: {  	[smem:$0x3FAB] =	sst s0;
	s0 =	simm.s32 @!p2 $0x0  }
0x16: {  	s3 =	sld [smem:$0x3FDB];
	s0 =	simm.s32 @p2 $0x1  }
0x17: {  	s4 =	simm.s32 $0x1BF5;
	[smem:$0x3FAD] =	sst s0  }
0x18: {  	s0 =	sld [smem:$0x3F90];
	_ =	swait.ge [sflag:s4], $0x0  }
0x19: {  	s7 =	sld [smem:$0x3F91]  }
0x1a: {  	s8 =	sadd.s32 $0xFFFFE003, lr  }
0x1b: {  	s9 =	sadd.s32 $0xFFFFFEF7, lr;
	s5 =	simm.s32 $0xFFFFFFFF;
	p2 =	slt.u32 s8, $0xFFFFF086  }
0x1c: {  	p1 =	slt.u32 s9, $0xF7A;
	s5 =	simm.s32 @!p2 $0x0  }
0x1d: {  	s5 =	simm.s32 @p1 $0x1;
	p0 =	seq.s32 s7, s2  }
0x1e: {  	s7 =	smul.u32 @!p0 $0xF7A, s2;
	p2 =	seq.s32 @!p0 s5, $0x0  }
0x1f: {  	s9 =	smul.u32 $0xF7A, s1;
	s8 =	simm.s32 @!p0 $0x1BF5;
	p2 =	por !p2, p0  }
0x20: {  	[sflag:s8] =	ssyncset.s32 @!p0 $0xFFFFF086;
	s6 =	sadd.s32 @!p0 s3, s7;
	s7 =	simm.s32 @!p0 $0x108  }
0x21: {  	s3 =	sadd.s32 s3, s9;
	s6 =	sadd.s32 @!p0 $0x88, s6;
	s7 =	simm.s32 @p2 $0x1082  }
0x22: {  	[simem:s7], [sflag:s8] =	dma.local @!p0 [hbm:s6], $0xF7A  }
0x23: {  	s9 =	sor.u32 $0xD0000000, s2;
	s6 =	simm.s32 $0x108;
	_ =	swait.ge @!p0 [sflag:s8], $0x0  }
0x24: {  	s3 =	sadd.s32 $0x88, s3;
	s6 =	simm.s32 @!p1 $0x1082;
	[sflag:s4] =	ssyncset.s32 $0xFFFFF086  }
0x25: {  	[simem:s6], [sflag:s4] =	dma.local [hbm:s3], $0xF7A  }
0x26: {  	[smem:$0x3F91] =	sst s1;
	(tag) =	ssettag s2;
	_ =	strace s9  }
0x27: {  	s1 =	sld [smem:$0x3FA1]  }
0x28: {  	s2 =	sld [smem:$0x3FA2]  }
0x29: {  	s4 =	sld [smem:$0x3FA4]  }
0x2a: {  	p0 =	seq.s32 s5, $0x0;
	s5 =	sld [smem:$0x3FA5]  }
0x2b: {  	s6 =	sld [smem:$0x3FA6]  }
0x2c: {  	s7 =	sld [smem:$0x3FA7]  }
0x2d: {  	s3 =	simm.s32 $0x108;
	s8 =	sld [smem:$0x3FA8]  }
0x2e: {  	s3 =	simm.s32 @!p0 $0x1082;
	s9 =	sld [smem:$0x3FA9]  }
0x2f: {  	lr =	sadd.s32 s0, s3;
	s0 =	sld [smem:$0x3FA0]  }
0x30: {  	s3 =	sld [smem:$0x3FA3]  }
0x31: {  	[smem:$0x3FAC] =	sst s10  }
0x32: {  	s10 =	sld [smem:$0x3FAA];
	_ =	sdelay $0x3  }
0x33: {  	p0 =	seq.s32 s10, $0x1;
	s10 =	sld [smem:$0x3FAC];
	_ =	sdelay $0x3  }
0x34: {  	[smem:$0x3FAC] =	sst s10  }
0x35: {  	s10 =	sld [smem:$0x3FAB];
	_ =	sdelay $0x3  }
0x36: {  	p1 =	seq.s32 s10, $0x1;
	s10 =	sld [smem:$0x3FAC];
	_ =	sdelay $0x3  }
0x37: {  	[smem:$0x3FAC] =	sst s10  }
0x38: {  	s10 =	sld [smem:$0x3FAD]  }
0x39: {  	_ = 	snop;
	(pc) =	sbr.ind lr, $3  }
0x3a: {  	_ = 	snop  }
0x3b: {  	_ = 	snop  }
0x3c: {  	p2 =	seq.s32 s10, $0x1;
	s10 =	sld [smem:$0x3FAC]  }
0x3d: {  	_ =	shalt  }
0x3e: {  	_ =	shalt  }
0x3f: {  	_ =	shalt  }
0x40: {  	_ =	shalt  }
0x41: {  	_ =	shalt  }
0x42: {  	_ =	shalt  }
0x43: {  	_ =	shalt  }
0x44: {  	_ =	shalt  }
0x45: {  	_ =	shalt  }
0x46: {  	_ =	shalt  }
0x47: {  	_ =	shalt  }
0x48: {  	_ =	shalt  }
0x49: {  	_ =	shalt  }
0x4a: {  	_ =	shalt  }
0x4b: {  	_ =	shalt  }
0x4c: {  	_ =	shalt  }
0x4d: {  	_ =	shalt  }
0x4e: {  	_ =	shalt  }
0x4f: {  	_ =	shalt  }
0x50: {  	_ =	shalt  }
0x51: {  	_ =	shalt  }
0x52: {  	_ =	shalt  }
0x53: {  	_ =	shalt  }
0x54: {  	_ =	shalt  }
0x55: {  	_ =	shalt  }
0x56: {  	_ =	shalt  }
0x57: {  	_ =	shalt  }
0x58: {  	_ =	shalt  }
0x59: {  	_ =	shalt  }
0x5a: {  	_ =	shalt  }
0x5b: {  	_ =	shalt  }
0x5c: {  	_ =	shalt  }
0x5d: {  	_ =	shalt  }
0x5e: {  	_ =	shalt  }
0x5f: {  	_ =	shalt  }
0x60: {  	_ =	shalt  }
0x61: {  	_ =	shalt  }
0x62: {  	_ =	shalt  }
0x63: {  	_ =	shalt  }
0x64: {  	_ =	shalt  }
0x65: {  	_ =	shalt  }
0x66: {  	_ =	shalt  }
0x67: {  	_ =	shalt  }
0x68: {  	_ =	shalt  }
0x69: {  	_ =	shalt  }
0x6a: {  	_ =	shalt  }
0x6b: {  	_ =	shalt  }
0x6c: {  	_ =	shalt  }
0x6d: {  	_ =	shalt  }
0x6e: {  	_ =	shalt  }
0x6f: {  	_ =	shalt  }
0x70: {  	_ =	shalt  }
0x71: {  	_ =	shalt  }
0x72: {  	_ =	shalt  }
0x73: {  	_ =	shalt  }
0x74: {  	_ =	shalt  }
0x75: {  	_ =	shalt  }
0x76: {  	_ =	shalt  }
0x77: {  	_ =	shalt  }
0x78: {  	_ =	shalt  }
0x79: {  	_ =	shalt  }
0x7a: {  	_ =	shalt  }
0x7b: {  	_ =	shalt  }
0x7c: {  	_ =	shalt  }
0x7d: {  	_ =	shalt  }
0x7e: {  	_ =	shalt  }
0x7f: {  	_ =	shalt  }
0x80: {  	_ =	shalt  }
0x81: {  	_ =	shalt  }
0x82: {  	_ =	shalt  }
0x83: {  	_ =	shalt  }
0x84: {  	_ =	shalt  }
0x85: {  	_ =	shalt  }
0x86: {  	_ =	shalt  }
0x87: {  	_ =	shalt  }
.Lfunc_end0:
.L_simem_size_0:
called_computation.3_lowered:
.L_overlay_start_0:
0x88: {  	s2 =	sld [smem:$0x3FD9]  }
0x89: {  	s3 =	sld [smem:$0x3FFE];
	_ =	sdelay $0x1  }
0x8a: {  	s1 =	srdreg.scid  }
0x8b: {  	s0 =	sand.u32 $0x1, s1  }
0x8c: {  	s14 =	sshll.u32 s0, $0xA;
	s2 =	sadd.s32 s3, s2  }
0x8d: {  	s2 =	sadd.s32 s2, s14  }
0x8e: {  	[smem:$0x3FB8] =	sst s2  }
0x8f: {  	_ = 	snop  }
0x90: {  	s2 =	sld [smem:$0x3FD0];
	_ =	sdelay $0x2  }
0x91: {  	s15 =	simm.s32 $0xB;
	s4 =	simm.s32 $0x10  }
0x92: {  	[smem:s4], [sflag:s15] =	dma.local [hbm:s2], $0x1  }
0x93: {  	_ =	swait.eq [sflag:s15], $0x1  }
0x94: {  	[sflag:s15] =	ssyncset.done $0x0  }
0x95: {  	[sflag:s15] =	ssyncadd.s32 $0xFFFFFFFF  }
0x96: {  	s16 =	sld [smem:$0x10];
	(tm) =	ssettm $0x1  }
0x97: {  	s17 =	sld [smem:$0x3FFB];
	_ =	sdelay $0x3  }
0x98: {  	_ =	strace s17  }
0x99: {  	s3 =	sld [smem:$0x3FFC];
	_ =	sdelay $0x3  }
0x9a: {  	_ =	strace s3  }
0x9b: {  	s3 =	sld [smem:$0x3FFD];
	_ =	sdelay $0x3  }
0x9c: {  	_ =	strace s3  }
0x9d: {  	_ =	strace $0x8FFFFFFF  }
0x9e: {  	s18 =	sld [smem:$0x3FDB];
	_ =	sdelay $0x1  }
0x9f: {  	s19 =	simm.s32 $_scs_section_size  }
0xa0: {  	s5 =	simm.s32 $_size__tile_overlayer_lowered;
	s6 =	simm.s32 $_tile_overlayer_lowered  }
0xa1: {  	s22 =	simm.s32 $0x1BFF;
	s21 =	sshll.u32 s6, $0x1;
	s3 =	sadd.s32 s19, s18  }
0xa2: {  	s7 =	simm.s32 $0x0;
	s20 =	sshll.u32 s5, $0x1;
	s5 =	sadd.s32 s21, s3  }
0xa3: {  	[timem:s7], [sflag:s22] =	dma.local [hbm:s5], s20  }
0xa4: {  	_ =	swait.ge [sflag:s22], s20  }
0xa5: {  	s4 =	ssub.s32 $0x0, s20;
	[sflag:s22] =	ssyncset.done $0x0  }
0xa6: {  	[sflag:s22] =	ssyncadd.s32 s4;
	_ =	sdelay $0x1  }
0xa7: {  	s23 =	simm.s32 $0x1B8B  }
0xa8: {  	_ =	swait.ge [sflag:s23], $0x1  }
0xa9: {  	[sflag:s23] =	ssyncset.done $0x0  }
0xaa: {  	s25 =	simm.s32 $0x1B8E;
	s24 =	sld [smem:$0x3FFE];
	[sflag:s23] =	ssyncadd.s32 $0xFFFFFFFF  }
0xab: {  	s26 =	simm.s32 $execute0_lowered;
	[smem:$0x3FD2] =	sst s25  }
0xac: {  	s5 =	sshll.u32 s26, $0x1;
	_ =	strace $0x8000004C;
	[dreg:$0x1] =	wrdreg $0xFFFFFFFF  }
0xad: {  	s28 =	simm.s32 $_size_execute0_lowered;
	s3 =	sadd.s32 s3, s5;
	[dreg:$0x0] =	wrdreg $0x0  }
0xae: {  	s5 =	sshll.u32 s28, $0x1;
	[dreg:$0x2] =	wrdreg s3  }
0xaf: {  	[dreg:$0x3] =	wrdreg s5  }
0xb0: {  	[dreg:$0x4] =	wrdreg $0xC0  }
0xb1: {  	_ =	task [dreg:s7], $0x5FFFF  }
0xb2: {  	[dreg:$0x1] =	wrdreg $0xFFFFFFFF  }
0xb3: {  	[dreg:$0x0] =	wrdreg $0x60  }
0xb4: {  	[dreg:$0x2] =	wrdreg s24  }
0xb5: {  	[dreg:$0x3] =	wrdreg s16  }
0xb6: {  	[dreg:$0x4] =	wrdreg $0x0  }
0xb7: {  	[dreg:$0x5] =	wrdreg $0xA  }
0xb8: {  	_ =	task.clear_ibuf [dreg:s7], $0x6FFFF;
	_ =	strace $0x9000004C  }
0xb9: {  	s29 =	simm.s32 $0xA;
	_ =	strace $0x8000004E  }
0xba: {  	_ =	swait.ge [sflag:s29], $0x1  }
0xbb: {  	[sflag:s29] =	ssyncadd.s32 $0xFFFFFFFF  }
0xbc: {  	_ =	strace $0x9000004E  }
0xbd: {  	_ =	sfence  }
0xbe: {  	s30 =	sld [smem:$0x0];
	_ =	sdelay $0x2  }
0xbf: {  	s31 =	sshll.u32 s1, $0xD;
	s1 =	sshrl.u32 s1, $0x2  }
0xc0: {  	s3 =	sand.u32 $0x4000, s31;
	s1 =	sadd.s32 s1, s30  }
0xc1: {  	s0 =	sor.u32 s3, s0;
	s1 =	sshll.u32 s1, $0x11  }
0xc2: {  	s0 =	sor.u32 s1, s0  }
0xc3: {  	s0 =	sadd.s32 $0x8F2B, s0  }
0xc4: {  	[sflag:s0] =	ssyncadd.remote.s32 $0x1  }
0xc5: {  	_ =	sfence.sel $0xFFFF  }
0xc6: {  	[dreg:$0x0] =	wrdreg $0xFFFFFFFF;
	(pc) =	sbr.abs _section_cstart, $3  }
0xc7: {  	[dreg:$0x1] =	wrdreg $0xFFFFFFFF  }
0xc8: {  	_ =	task.clear_ibuf [dreg:s7], $0x2FFFF;
	_ =	strace $0x9FFFFFFF  }
0xc9: {  	(tm) =	ssettm $0x7FFFFFFF  }
tec
execute0_lowered:
.L_overlay_start_1:
0x0: {  	(tag) =	ssettag $0x1  }
0x1: {  	s0 =	srdreg.scid;
	s1 =	rddreg [dreg:$0x0]  }
0x2: {  	s9 =	stileid.u32;
	s5 =	rddreg [dreg:$0x1]  }
0x3: {  	s2 =	rddreg [dreg:$0x2];
	s3 =	simm.s32 $0x0;
	s11 =	simm.s32 $0x1  }
0x4: {  	s12 =	simm.s32 $0x2000;
	s13 =	simm.s32 $0x2400;
	s14 =	simm.s32 $0x80  }
0x5: {  	s15 =	simm.s32 $0x2800;
	s16 =	simm.s32 $0x2080;
	s17 =	simm.s32 $0x2480  }
0x6: {  	s18 =	simm.s32 $0x2100;
	s19 =	simm.s32 $0x2500;
	s20 =	simm.s32 $0x2180  }
0x7: {  	s21 =	simm.s32 $0x2580;
	s22 =	simm.s32 $0x2200;
	s28 =	simm.s32 $0x2300  }
0x8: {  	s29 =	simm.s32 $0x2700;
	s30 =	simm.s32 $0x2380;
	s31 =	simm.s32 $0x2780  }
0x9: {  	s0 =	sand.u32 $0x1, s0;
	s6 =	smul.u32 $0x1400, s9;
	[smem:$0x7FF] =	sst s3  }
0xa: {  	s25 =	sshll.u32 s9, $0xD;
	s8 =	sshll.u32 s9, $0x6;
	s26 =	sshll.u32 s9, $0xA  }
0xb: {  	s4 =	smul.u32 $0x14000, s0;
	s23 =	ssub.s32 $0x2, s0;
	s0 =	sshll.u32 s0, $0xE  }
0xc: {  	_ =	strace $0x8000004D;
	s10 =	sadd.s32 s25, s2;
	s0 =	sadd.s32 s5, s0  }
0xd: {  	s25 =	simm.s32 $0x2280;
	s24 =	sshrl.u32 s23, $0x1;
	s0 =	sadd.s32 s26, s0  }
0xe: {  	s4 =	sadd.s32 s6, s4;
	s6 =	sor.u32 $0x1C01, s8;
	[dreg:$0x7] =	wrdreg s0  }
0xf: {  	s26 =	simm.s32 $0x2680;
	s4 =	sshrl.u32 s4, $0x3;
	[dreg:$0x6] =	wrdreg s6  }
0x10: {  	s7 =	sadd.s32 s4, s1;
	s4 =	sadd.s32 $0x18C00, s1;
	s1 =	sadd.s32 $0x18800, s1  }
0x11: {  	[dreg:$0x4] =	wrdreg s1;
	s1 =	ssub.s32 s23, s24;
	s8 =	sadd.s32 $0x13800, s7  }
0x12: {  	s9 =	sadd.s32 $0xE800, s7;
	s7 =	sshrl.u32 s10, $0x3;
	s1 =	smax.u32 s1, $0x1  }
0x13: {  	s23 =	simm.s32 $0x2600;
	[dreg:$0x5] =	wrdreg s1;
	s1 =	simm.s32 $0x0  }
.LBB2_1:
0x14: {  	s0 =	rddreg [dreg:$0x4]  }
0x15: {  	[spmem:s7], [sflag:s6] =	dma.local [hbm:s0], $0x400  }
0x16: {  	_ =	swait.ge [sflag:s11], $0x400  }
0x17: {  	[sflag:s11] =	ssyncset.done $0x0  }
0x18: {  	[sflag:s11] =	ssyncadd.s32 $0xFFFFFC00  }
0x19: {  	s10 =	smov.u32 s7;
	s7 =	sadd.s32 $0x0, s9;
	[bflag:$0x0] =	sbarrier.arrive $0xFFFF  }
0x1a: {  	[tilespmem:s12], [sflag:$0x1] =	stream.linear.gather [hbm4b:s7+s3], $0x400, $0x38;
	[tilespmem:$0x6800] =	vst v63  }
0x1b: {  	_ =	swait.ge [sflag:s11], $0x400  }
0x1c: {  	[sflag:s11] =	ssyncset.done $0x0  }
0x1d: {  	s24 =	sadd.s32 $0x0, s8;
	[sflag:s11] =	ssyncadd.s32 $0xFFFFFC00  }
0x1e: {  	[tilespmem:s13], [sflag:$0x1] =	stream.linear.gather [hbm4b:s24+s3], $0x400, $0x38;
	[tilespmem:$0x6800] =	vst v63  }
0x1f: {  	_ =	swait.ge [sflag:s11], $0x400  }
0x20: {  	[sflag:s11] =	ssyncset.done $0x0  }
0x21: {  	[sflag:s11] =	ssyncadd.s32 $0xFFFFFC00  }
0x22: {  	[tilespmem:s15], [sflag:$0x1] =	stream.indirect.gather [hbm4b:s4+s14], $0x80, s12, s14, $0xb8;
	[tilespmem:$0x6800] =	vst v63  }
0x23: {  	_ =	swait.ge [sflag:s11], $0x4000  }
0x24: {  	[sflag:s11] =	ssyncset.done $0x0  }
0x25: {  	[sflag:s11] =	ssyncadd.s32 $0xFFFFC000  }
0x26: {  	[spmem:s2] =	stream.indirect.scatter.add.f32 [tilespmem:s15], [sflag:$0x1], $0x80, s13, s14, $0xb8;
	[tilespmem:$0x6800] =	vst v63  }
0x27: {  	_ =	swait.ge [sflag:s11], $0x4000  }
0x28: {  	[sflag:s11] =	ssyncset.done $0x0  }
0x29: {  	[sflag:s11] =	ssyncadd.s32 $0xFFFFC000  }
0x2a: {  	[tilespmem:s15], [sflag:$0x1] =	stream.indirect.gather [hbm4b:s4+s14], $0x80, s16, s14, $0xb8;
	[tilespmem:$0x6800] =	vst v63  }
0x2b: {  	_ =	swait.ge [sflag:s11], $0x4000  }
0x2c: {  	[sflag:s11] =	ssyncset.done $0x0  }
0x2d: {  	[sflag:s11] =	ssyncadd.s32 $0xFFFFC000  }
0x2e: {  	[spmem:s2] =	stream.indirect.scatter.add.f32 [tilespmem:s15], [sflag:$0x1], $0x80, s17, s14, $0xb8;
	[tilespmem:$0x6800] =	vst v63  }
0x2f: {  	_ =	swait.ge [sflag:s11], $0x4000  }
0x30: {  	[sflag:s11] =	ssyncset.done $0x0  }
0x31: {  	[sflag:s11] =	ssyncadd.s32 $0xFFFFC000  }
0x32: {  	[tilespmem:s15], [sflag:$0x1] =	stream.indirect.gather [hbm4b:s4+s14], $0x80, s18, s14, $0xb8;
	[tilespmem:$0x6800] =	vst v63  }
0x33: {  	_ =	swait.ge [sflag:s11], $0x4000  }
0x34: {  	[sflag:s11] =	ssyncset.done $0x0  }
0x35: {  	[sflag:s11] =	ssyncadd.s32 $0xFFFFC000  }
0x36: {  	[spmem:s2] =	stream.indirect.scatter.add.f32 [tilespmem:s15], [sflag:$0x1], $0x80, s19, s14, $0xb8;
	[tilespmem:$0x6800] =	vst v63  }
0x37: {  	_ =	swait.ge [sflag:s11], $0x4000  }
0x38: {  	[sflag:s11] =	ssyncset.done $0x0  }
0x39: {  	[sflag:s11] =	ssyncadd.s32 $0xFFFFC000  }
0x3a: {  	[tilespmem:s15], [sflag:$0x1] =	stream.indirect.gather [hbm4b:s4+s14], $0x80, s20, s14, $0xb8;
	[tilespmem:$0x6800] =	vst v63  }
0x3b: {  	_ =	swait.ge [sflag:s11], $0x4000  }
0x3c: {  	[sflag:s11] =	ssyncset.done $0x0  }
0x3d: {  	[sflag:s11] =	ssyncadd.s32 $0xFFFFC000  }
0x3e: {  	[spmem:s2] =	stream.indirect.scatter.add.f32 [tilespmem:s15], [sflag:$0x1], $0x80, s21, s14, $0xb8;
	[tilespmem:$0x6800] =	vst v63  }
0x3f: {  	_ =	swait.ge [sflag:s11], $0x4000  }
0x40: {  	[sflag:s11] =	ssyncset.done $0x0  }
0x41: {  	[sflag:s11] =	ssyncadd.s32 $0xFFFFC000  }
0x42: {  	[tilespmem:s15], [sflag:$0x1] =	stream.indirect.gather [hbm4b:s4+s14], $0x80, s22, s14, $0xb8;
	[tilespmem:$0x6800] =	vst v63  }
0x43: {  	_ =	swait.ge [sflag:s11], $0x4000  }
0x44: {  	[sflag:s11] =	ssyncset.done $0x0  }
0x45: {  	[sflag:s11] =	ssyncadd.s32 $0xFFFFC000  }
0x46: {  	[spmem:s2] =	stream.indirect.scatter.add.f32 [tilespmem:s15], [sflag:$0x1], $0x80, s23, s14, $0xb8;
	[tilespmem:$0x6800] =	vst v63  }
0x47: {  	_ =	swait.ge [sflag:s11], $0x4000  }
0x48: {  	[sflag:s11] =	ssyncset.done $0x0  }
0x49: {  	[sflag:s11] =	ssyncadd.s32 $0xFFFFC000  }
0x4a: {  	[tilespmem:s15], [sflag:$0x1] =	stream.indirect.gather [hbm4b:s4+s14], $0x80, s25, s14, $0xb8;
	[tilespmem:$0x6800] =	vst v63  }
0x4b: {  	_ =	swait.ge [sflag:s11], $0x4000  }
0x4c: {  	[sflag:s11] =	ssyncset.done $0x0  }
0x4d: {  	[sflag:s11] =	ssyncadd.s32 $0xFFFFC000  }
0x4e: {  	[spmem:s2] =	stream.indirect.scatter.add.f32 [tilespmem:s15], [sflag:$0x1], $0x80, s26, s14, $0xb8;
	[tilespmem:$0x6800] =	vst v63  }
0x4f: {  	_ =	swait.ge [sflag:s11], $0x4000  }
0x50: {  	[sflag:s11] =	ssyncset.done $0x0  }
0x51: {  	[sflag:s11] =	ssyncadd.s32 $0xFFFFC000  }
0x52: {  	[tilespmem:s15], [sflag:$0x1] =	stream.indirect.gather [hbm4b:s4+s14], $0x80, s28, s14, $0xb8;
	[tilespmem:$0x6800] =	vst v63  }
0x53: {  	_ =	swait.ge [sflag:s11], $0x4000  }
0x54: {  	[sflag:s11] =	ssyncset.done $0x0  }
0x55: {  	[sflag:s11] =	ssyncadd.s32 $0xFFFFC000  }
0x56: {  	[spmem:s2] =	stream.indirect.scatter.add.f32 [tilespmem:s15], [sflag:$0x1], $0x80, s29, s14, $0xb8;
	[tilespmem:$0x6800] =	vst v63  }
0x57: {  	_ =	swait.ge [sflag:s11], $0x4000  }
0x58: {  	[sflag:s11] =	ssyncset.done $0x0  }
0x59: {  	[sflag:s11] =	ssyncadd.s32 $0xFFFFC000  }
0x5a: {  	[tilespmem:s15], [sflag:$0x1] =	stream.indirect.gather [hbm4b:s4+s14], $0x80, s30, s14, $0xb8;
	[tilespmem:$0x6800] =	vst v63  }
0x5b: {  	_ =	swait.ge [sflag:s11], $0x4000  }
0x5c: {  	[sflag:s11] =	ssyncset.done $0x0  }
0x5d: {  	[sflag:s11] =	ssyncadd.s32 $0xFFFFC000  }
0x5e: {  	[spmem:s2] =	stream.indirect.scatter.add.f32 [tilespmem:s15], [sflag:$0x1], $0x80, s31, s14, $0xb8;
	[tilespmem:$0x6800] =	vst v63  }
0x5f: {  	_ =	swait.ge [sflag:s11], $0x4000  }
0x60: {  	s5 =	simm.s32 $0x100;
	s0 =	simm.s32 $0x80;
	[sflag:s11] =	ssyncset.done $0x0  }
.LBB2_2:
0x61: {  	s24 =	sadd.s32 s0, s9  }
0x62: {  	[sflag:s11] =	ssyncadd.s32 $0xFFFFC000;
	s6 =	smov.u32 s5;
	s7 =	sadd.s32 $0x80, s5  }
0x63: {  	[tilespmem:s12], [sflag:$0x1] =	stream.linear.gather [hbm4b:s24+s3], $0x400, $0x38;
	[tilespmem:$0x6800] =	vst v63  }
0x64: {  	p0 =	sne.s32 s5, $0x200;
	_ =	swait.ge [sflag:s11], $0x400  }
0x65: {  	[sflag:s11] =	ssyncset.done $0x0  }
0x66: {  	s5 =	sadd.s32 s0, s8;
	s0 =	smov.u32 s6;
	[sflag:s11] =	ssyncadd.s32 $0xFFFFFC00  }
0x67: {  	[tilespmem:s13], [sflag:$0x1] =	stream.linear.gather [hbm4b:s5+s3], $0x400, $0x38;
	[tilespmem:$0x6800] =	vst v63  }
0x68: {  	_ =	swait.ge [sflag:s11], $0x400  }
0x69: {  	[sflag:s11] =	ssyncset.done $0x0  }
0x6a: {  	[sflag:s11] =	ssyncadd.s32 $0xFFFFFC00  }
0x6b: {  	[tilespmem:s15], [sflag:$0x1] =	stream.indirect.gather [hbm4b:s4+s14], $0x80, s12, s14, $0xb8;
	[tilespmem:$0x6800] =	vst v63  }
0x6c: {  	_ =	swait.ge [sflag:s11], $0x4000  }
0x6d: {  	[sflag:s11] =	ssyncset.done $0x0  }
0x6e: {  	[sflag:s11] =	ssyncadd.s32 $0xFFFFC000  }
0x6f: {  	[spmem:s2] =	stream.indirect.scatter.add.f32 [tilespmem:s15], [sflag:$0x1], $0x80, s13, s14, $0xb8;
	[tilespmem:$0x6800] =	vst v63  }
0x70: {  	_ =	swait.ge [sflag:s11], $0x4000  }
0x71: {  	[sflag:s11] =	ssyncset.done $0x0  }
0x72: {  	[sflag:s11] =	ssyncadd.s32 $0xFFFFC000  }
0x73: {  	[tilespmem:s15], [sflag:$0x1] =	stream.indirect.gather [hbm4b:s4+s14], $0x80, s16, s14, $0xb8;
	[tilespmem:$0x6800] =	vst v63  }
0x74: {  	_ =	swait.ge [sflag:s11], $0x4000  }
0x75: {  	[sflag:s11] =	ssyncset.done $0x0  }
0x76: {  	[sflag:s11] =	ssyncadd.s32 $0xFFFFC000  }
0x77: {  	[spmem:s2] =	stream.indirect.scatter.add.f32 [tilespmem:s15], [sflag:$0x1], $0x80, s17, s14, $0xb8;
	[tilespmem:$0x6800] =	vst v63  }
0x78: {  	_ =	swait.ge [sflag:s11], $0x4000  }
0x79: {  	[sflag:s11] =	ssyncset.done $0x0  }
0x7a: {  	[sflag:s11] =	ssyncadd.s32 $0xFFFFC000  }
0x7b: {  	[tilespmem:s15], [sflag:$0x1] =	stream.indirect.gather [hbm4b:s4+s14], $0x80, s18, s14, $0xb8;
	[tilespmem:$0x6800] =	vst v63  }
0x7c: {  	_ =	swait.ge [sflag:s11], $0x4000  }
0x7d: {  	[sflag:s11] =	ssyncset.done $0x0  }
0x7e: {  	[sflag:s11] =	ssyncadd.s32 $0xFFFFC000  }
0x7f: {  	[spmem:s2] =	stream.indirect.scatter.add.f32 [tilespmem:s15], [sflag:$0x1], $0x80, s19, s14, $0xb8;
	[tilespmem:$0x6800] =	vst v63  }
0x80: {  	_ =	swait.ge [sflag:s11], $0x4000  }
0x81: {  	[sflag:s11] =	ssyncset.done $0x0  }
0x82: {  	[sflag:s11] =	ssyncadd.s32 $0xFFFFC000  }
0x83: {  	[tilespmem:s15], [sflag:$0x1] =	stream.indirect.gather [hbm4b:s4+s14], $0x80, s20, s14, $0xb8;
	[tilespmem:$0x6800] =	vst v63  }
0x84: {  	_ =	swait.ge [sflag:s11], $0x4000  }
0x85: {  	[sflag:s11] =	ssyncset.done $0x0  }
0x86: {  	[sflag:s11] =	ssyncadd.s32 $0xFFFFC000  }
0x87: {  	[spmem:s2] =	stream.indirect.scatter.add.f32 [tilespmem:s15], [sflag:$0x1], $0x80, s21, s14, $0xb8;
	[tilespmem:$0x6800] =	vst v63  }
0x88: {  	_ =	swait.ge [sflag:s11], $0x4000  }
0x89: {  	[sflag:s11] =	ssyncset.done $0x0  }
0x8a: {  	[sflag:s11] =	ssyncadd.s32 $0xFFFFC000  }
0x8b: {  	[tilespmem:s15], [sflag:$0x1] =	stream.indirect.gather [hbm4b:s4+s14], $0x80, s22, s14, $0xb8;
	[tilespmem:$0x6800] =	vst v63  }
0x8c: {  	_ =	swait.ge [sflag:s11], $0x4000  }
0x8d: {  	[sflag:s11] =	ssyncset.done $0x0  }
0x8e: {  	[sflag:s11] =	ssyncadd.s32 $0xFFFFC000  }
0x8f: {  	[spmem:s2] =	stream.indirect.scatter.add.f32 [tilespmem:s15], [sflag:$0x1], $0x80, s23, s14, $0xb8;
	[tilespmem:$0x6800] =	vst v63  }
0x90: {  	_ =	swait.ge [sflag:s11], $0x4000  }
0x91: {  	[sflag:s11] =	ssyncset.done $0x0  }
0x92: {  	[sflag:s11] =	ssyncadd.s32 $0xFFFFC000  }
0x93: {  	[tilespmem:s15], [sflag:$0x1] =	stream.indirect.gather [hbm4b:s4+s14], $0x80, s25, s14, $0xb8;
	[tilespmem:$0x6800] =	vst v63  }
0x94: {  	_ =	swait.ge [sflag:s11], $0x4000  }
0x95: {  	[sflag:s11] =	ssyncset.done $0x0  }
0x96: {  	[sflag:s11] =	ssyncadd.s32 $0xFFFFC000  }
0x97: {  	[spmem:s2] =	stream.indirect.scatter.add.f32 [tilespmem:s15], [sflag:$0x1], $0x80, s26, s14, $0xb8;
	[tilespmem:$0x6800] =	vst v63  }
0x98: {  	_ =	swait.ge [sflag:s11], $0x4000  }
0x99: {  	[sflag:s11] =	ssyncset.done $0x0  }
0x9a: {  	[sflag:s11] =	ssyncadd.s32 $0xFFFFC000  }
0x9b: {  	[tilespmem:s15], [sflag:$0x1] =	stream.indirect.gather [hbm4b:s4+s14], $0x80, s28, s14, $0xb8;
	[tilespmem:$0x6800] =	vst v63  }
0x9c: {  	_ =	swait.ge [sflag:s11], $0x4000  }
0x9d: {  	[sflag:s11] =	ssyncset.done $0x0  }
0x9e: {  	[sflag:s11] =	ssyncadd.s32 $0xFFFFC000  }
0x9f: {  	[spmem:s2] =	stream.indirect.scatter.add.f32 [tilespmem:s15], [sflag:$0x1], $0x80, s29, s14, $0xb8;
	[tilespmem:$0x6800] =	vst v63  }
0xa0: {  	_ =	swait.ge [sflag:s11], $0x4000  }
0xa1: {  	[sflag:s11] =	ssyncset.done $0x0  }
0xa2: {  	[sflag:s11] =	ssyncadd.s32 $0xFFFFC000  }
0xa3: {  	[tilespmem:s15], [sflag:$0x1] =	stream.indirect.gather [hbm4b:s4+s14], $0x80, s30, s14, $0xb8;
	[tilespmem:$0x6800] =	vst v63  }
0xa4: {  	_ =	swait.ge [sflag:s11], $0x4000  }
.Ltmp0:
0xa5: {  	[sflag:s11] =	ssyncset.done $0x0;
	(pc) =	sbr.rel @p0 .LBB2_2-.Ltmp0, $4  }
0xa6: {  	[sflag:s11] =	ssyncadd.s32 $0xFFFFC000  }
0xa7: {  	[spmem:s2] =	stream.indirect.scatter.add.f32 [tilespmem:s15], [sflag:$0x1], $0x80, s31, s14, $0xb8;
	[tilespmem:$0x6800] =	vst v63  }
0xa8: {  	_ =	swait.ge [sflag:s11], $0x4000  }
0xa9: {  	s5 =	smov.u32 s7;
	[sflag:s11] =	ssyncset.done $0x0  }
0xaa: {  	s5 =	sadd.s32 s0, s9;
	[sflag:s11] =	ssyncadd.s32 $0xFFFFC000  }
0xab: {  	[tilespmem:s12], [sflag:$0x1] =	stream.linear.gather [hbm4b:s5+s3], $0x400, $0x38;
	[tilespmem:$0x6800] =	vst v63  }
0xac: {  	_ =	swait.ge [sflag:s11], $0x400  }
0xad: {  	[sflag:s11] =	ssyncset.done $0x0  }
0xae: {  	s24 =	sadd.s32 s0, s8;
	[sflag:s11] =	ssyncadd.s32 $0xFFFFFC00  }
0xaf: {  	[tilespmem:s13], [sflag:$0x1] =	stream.linear.gather [hbm4b:s24+s3], $0x400, $0x38;
	[tilespmem:$0x6800] =	vst v63  }
0xb0: {  	_ =	swait.ge [sflag:s11], $0x400  }
0xb1: {  	[sflag:s11] =	ssyncset.done $0x0  }
0xb2: {  	[sflag:s11] =	ssyncadd.s32 $0xFFFFFC00  }
0xb3: {  	[tilespmem:s15], [sflag:$0x1] =	stream.indirect.gather [hbm4b:s4+s14], $0x80, s12, s14, $0xb8;
	[tilespmem:$0x6800] =	vst v63  }
0xb4: {  	_ =	swait.ge [sflag:s11], $0x4000  }
0xb5: {  	[sflag:s11] =	ssyncset.done $0x0  }
0xb6: {  	[sflag:s11] =	ssyncadd.s32 $0xFFFFC000  }
0xb7: {  	[spmem:s2] =	stream.indirect.scatter.add.f32 [tilespmem:s15], [sflag:$0x1], $0x80, s13, s14, $0xb8;
	[tilespmem:$0x6800] =	vst v63  }
0xb8: {  	_ =	swait.ge [sflag:s11], $0x4000  }
0xb9: {  	[sflag:s11] =	ssyncset.done $0x0  }
0xba: {  	[sflag:s11] =	ssyncadd.s32 $0xFFFFC000  }
0xbb: {  	[tilespmem:s15], [sflag:$0x1] =	stream.indirect.gather [hbm4b:s4+s14], $0x80, s16, s14, $0xb8;
	[tilespmem:$0x6800] =	vst v63  }
0xbc: {  	_ =	swait.ge [sflag:s11], $0x4000  }
0xbd: {  	[sflag:s11] =	ssyncset.done $0x0  }
0xbe: {  	[sflag:s11] =	ssyncadd.s32 $0xFFFFC000  }
0xbf: {  	[spmem:s2] =	stream.indirect.scatter.add.f32 [tilespmem:s15], [sflag:$0x1], $0x80, s17, s14, $0xb8;
	[tilespmem:$0x6800] =	vst v63  }
0xc0: {  	_ =	swait.ge [sflag:s11], $0x4000  }
0xc1: {  	[sflag:s11] =	ssyncset.done $0x0  }
0xc2: {  	[sflag:s11] =	ssyncadd.s32 $0xFFFFC000  }
0xc3: {  	[tilespmem:s15], [sflag:$0x1] =	stream.indirect.gather [hbm4b:s4+s14], $0x80, s18, s14, $0xb8;
	[tilespmem:$0x6800] =	vst v63  }
0xc4: {  	_ =	swait.ge [sflag:s11], $0x4000  }
0xc5: {  	[sflag:s11] =	ssyncset.done $0x0  }
0xc6: {  	[sflag:s11] =	ssyncadd.s32 $0xFFFFC000  }
0xc7: {  	[spmem:s2] =	stream.indirect.scatter.add.f32 [tilespmem:s15], [sflag:$0x1], $0x80, s19, s14, $0xb8;
	[tilespmem:$0x6800] =	vst v63  }
0xc8: {  	_ =	swait.ge [sflag:s11], $0x4000  }
0xc9: {  	[sflag:s11] =	ssyncset.done $0x0  }
0xca: {  	[sflag:s11] =	ssyncadd.s32 $0xFFFFC000  }
0xcb: {  	[tilespmem:s15], [sflag:$0x1] =	stream.indirect.gather [hbm4b:s4+s14], $0x80, s20, s14, $0xb8;
	[tilespmem:$0x6800] =	vst v63  }
0xcc: {  	_ =	swait.ge [sflag:s11], $0x4000  }
0xcd: {  	[sflag:s11] =	ssyncset.done $0x0  }
0xce: {  	[sflag:s11] =	ssyncadd.s32 $0xFFFFC000  }
0xcf: {  	[spmem:s2] =	stream.indirect.scatter.add.f32 [tilespmem:s15], [sflag:$0x1], $0x80, s21, s14, $0xb8;
	[tilespmem:$0x6800] =	vst v63  }
0xd0: {  	_ =	swait.ge [sflag:s11], $0x4000  }
0xd1: {  	[sflag:s11] =	ssyncset.done $0x0  }
0xd2: {  	[sflag:s11] =	ssyncadd.s32 $0xFFFFC000  }
0xd3: {  	[tilespmem:s15], [sflag:$0x1] =	stream.indirect.gather [hbm4b:s4+s14], $0x80, s22, s14, $0xb8;
	[tilespmem:$0x6800] =	vst v63  }
0xd4: {  	_ =	swait.ge [sflag:s11], $0x4000  }
0xd5: {  	[sflag:s11] =	ssyncset.done $0x0  }
0xd6: {  	[sflag:s11] =	ssyncadd.s32 $0xFFFFC000  }
0xd7: {  	[spmem:s2] =	stream.indirect.scatter.add.f32 [tilespmem:s15], [sflag:$0x1], $0x80, s23, s14, $0xb8;
	[tilespmem:$0x6800] =	vst v63  }
0xd8: {  	_ =	swait.ge [sflag:s11], $0x4000  }
0xd9: {  	[sflag:s11] =	ssyncset.done $0x0  }
0xda: {  	[sflag:s11] =	ssyncadd.s32 $0xFFFFC000  }
0xdb: {  	[tilespmem:s15], [sflag:$0x1] =	stream.indirect.gather [hbm4b:s4+s14], $0x80, s25, s14, $0xb8;
	[tilespmem:$0x6800] =	vst v63  }
0xdc: {  	_ =	swait.ge [sflag:s11], $0x4000  }
0xdd: {  	[sflag:s11] =	ssyncset.done $0x0  }
0xde: {  	[sflag:s11] =	ssyncadd.s32 $0xFFFFC000  }
0xdf: {  	[spmem:s2] =	stream.indirect.scatter.add.f32 [tilespmem:s15], [sflag:$0x1], $0x80, s26, s14, $0xb8;
	[tilespmem:$0x6800] =	vst v63  }
0xe0: {  	_ =	swait.ge [sflag:s11], $0x4000  }
0xe1: {  	[sflag:s11] =	ssyncset.done $0x0  }
0xe2: {  	[sflag:s11] =	ssyncadd.s32 $0xFFFFC000  }
0xe3: {  	[tilespmem:s15], [sflag:$0x1] =	stream.indirect.gather [hbm4b:s4+s14], $0x80, s28, s14, $0xb8;
	[tilespmem:$0x6800] =	vst v63  }
0xe4: {  	_ =	swait.ge [sflag:s11], $0x4000  }
0xe5: {  	[sflag:s11] =	ssyncset.done $0x0  }
0xe6: {  	[sflag:s11] =	ssyncadd.s32 $0xFFFFC000  }
0xe7: {  	[spmem:s2] =	stream.indirect.scatter.add.f32 [tilespmem:s15], [sflag:$0x1], $0x80, s29, s14, $0xb8;
	[tilespmem:$0x6800] =	vst v63  }
0xe8: {  	_ =	swait.ge [sflag:s11], $0x4000  }
0xe9: {  	[sflag:s11] =	ssyncset.done $0x0  }
0xea: {  	[sflag:s11] =	ssyncadd.s32 $0xFFFFC000  }
0xeb: {  	[tilespmem:s15], [sflag:$0x1] =	stream.indirect.gather [hbm4b:s4+s14], $0x80, s30, s14, $0xb8;
	[tilespmem:$0x6800] =	vst v63  }
0xec: {  	_ =	swait.ge [sflag:s11], $0x4000  }
0xed: {  	[sflag:s11] =	ssyncset.done $0x0  }
0xee: {  	[sflag:s11] =	ssyncadd.s32 $0xFFFFC000  }
0xef: {  	[spmem:s2] =	stream.indirect.scatter.add.f32 [tilespmem:s15], [sflag:$0x1], $0x80, s31, s14, $0xb8;
	[tilespmem:$0x6800] =	vst v63  }
0xf0: {  	_ =	swait.ge [sflag:s11], $0x4000  }
0xf1: {  	[sflag:s11] =	ssyncset.done $0x0  }
0xf2: {  	[sflag:s11] =	ssyncadd.s32 $0xFFFFC000  }
0xf3: {  	[bflag:$0x0] =	sbarrier.arrive $0xFFFF  }
0xf4: {  	s6 =	rddreg [dreg:$0x6]  }
0xf5: {  	s5 =	rddreg [dreg:$0x7]  }
0xf6: {  	[hbm:s5], [sflag:s6] =	dma.local [spmem:s10], $0x400  }
0xf7: {  	_ =	swait.ge [sflag:s11], $0x400  }
0xf8: {  	s1 =	sadd.s32 $0x1, s1;
	s24 =	rddreg [dreg:$0x5]  }
0xf9: {  	p0 =	sne.s32 s1, s24  }
.Ltmp1:
0xfa: {  	_ = 	snop;
	(pc) =	sbr.rel @p0 .LBB2_1-.Ltmp1, $3  }
0xfb: {  	_ =	sdelay $0x1  }
0xfc: {  	[sflag:s11] =	ssyncset.done $0x0  }
0xfd: {  	s7 =	smov.u32 s10;
	[sflag:s11] =	ssyncadd.s32 $0xFFFFFC00  }
0xfe: {  	_ =	sfence.sel $0x180000  }
0xff: {  	[bflag:$0x0] =	sbarrier.arrive $0xFFFF  }
0x100: {  	_ =	strace $0x9000004D  }
0x101: {  	s0 =	stileid.u32;
	[bflag:$0x2] =	sbarrier.arrive $0xFFFF  }
0x102: {  	p0 =	sne.s32 s0, $0x0;
	s0 =	rddreg [dreg:$0x3]  }
0x103: {  	s0 =	sadd.s32 @!p0 $0x100000, s0  }
0x104: {  	[sflag:s0] =	ssyncadd.tile.s32 @!p0 $0x1;
	_ =	shalt  }
.Lfunc_end2:
_tile_overlayer_lowered:
.L_overlay_start_2:
0x105: {  	(tag) =	ssettag $0x2  }
0x106: {  	s0 =	rddreg [dreg:$0x0];
	s2 =	stileid.u32  }
0x107: {  	s1 =	rddreg [dreg:$0x1];
	p0 =	sne.s32 s2, $0x0  }
0x108: {  	s3 =	rddreg [dreg:$0x2];
	[bflag:$0x3] =	sbarrier.arrive $0xFFFF;
	s2 =	simm.s32 @!p0 $0x1C01  }
0x109: {  	[timem:s3], [sflag:s2] =	dma.local @!p0 [hbm:s0], s1  }
0x10a: {  	s0 =	simm.s32 @!p0 $0x1  }
0x10b: {  	_ =	swait.ge @!p0 [sflag:s0], s1  }
0x10c: {  	s1 =	ssub.s32 @!p0 $0x0, s1;
	[sflag:s0] =	ssyncset.done @!p0 $0x0  }
0x10d: {  	[sflag:s0] =	ssyncadd.s32 @!p0 s1  }
0x10e: {  	[bflag:$0x3] =	sbarrier.arrive $0xFFFF  }
0x10f: {  	_ =	shalt  }

// kernel: kernel.9.cloned.1.call-start
scs
__scs_entry_jumppad:
0x0: {  	(pc) =	sbr.rel $0x88, $3  }
0x1: {  	(tag) =	ssettag $0x0;
	lr =	simm.s32 $0x1  }
0x2: {  	[smem:$0x3F91] =	sst lr;
	_ =	strace $0xD0000000  }
0x3: {  	_ = 	snop  }
0x4: {  	_ = 	snop  }
0x5: {  	_ = 	snop  }
0x6: {  	_ = 	snop  }
0x7: {  	_ = 	snop  }
__scs_overlays_trampoline_lowered:
0x8: {  	[smem:$0x3FA0] =	sst s0  }
0x9: {  	[smem:$0x3FA1] =	sst s1  }
0xa: {  	[smem:$0x3FA2] =	sst s2  }
0xb: {  	[smem:$0x3FA3] =	sst s3  }
0xc: {  	[smem:$0x3FA4] =	sst s4  }
0xd: {  	[smem:$0x3FA5] =	sst s5  }
0xe: {  	[smem:$0x3FA6] =	sst s6  }
0xf: {  	[smem:$0x3FA7] =	sst s7  }
0x10: {  	[smem:$0x3FA8] =	sst s8  }
0x11: {  	[smem:$0x3FA9] =	sst s9;
	s0 =	simm.s32 @!p0 $0x0  }
0x12: {  	s1 =	sld [smem:$0x3F8F];
	s0 =	simm.s32 @p0 $0x1  }
0x13: {  	[smem:$0x3FAA] =	sst s0;
	s0 =	simm.s32 @!p1 $0x0  }
0x14: {  	s2 =	sld [smem:$0x3F8E];
	s0 =	simm.s32 @p1 $0x1  }
0x15: {  	[smem:$0x3FAB] =	sst s0;
	s0 =	simm.s32 @!p2 $0x0  }
0x16: {  	s3 =	sld [smem:$0x3FDB];
	s0 =	simm.s32 @p2 $0x1  }
0x17: {  	s4 =	simm.s32 $0x1BF5;
	[smem:$0x3FAD] =	sst s0  }
0x18: {  	s0 =	sld [smem:$0x3F90];
	_ =	swait.ge [sflag:s4], $0x0  }
0x19: {  	s7 =	sld [smem:$0x3F91]  }
0x1a: {  	s8 =	sadd.s32 $0xFFFFE003, lr  }
0x1b: {  	s9 =	sadd.s32 $0xFFFFFEF7, lr;
	s5 =	simm.s32 $0xFFFFFFFF;
	p2 =	slt.u32 s8, $0xFFFFF086  }
0x1c: {  	p1 =	slt.u32 s9, $0xF7A;
	s5 =	simm.s32 @!p2 $0x0  }
0x1d: {  	s5 =	simm.s32 @p1 $0x1;
	p0 =	seq.s32 s7, s2  }
0x1e: {  	s7 =	smul.u32 @!p0 $0xF7A, s2;
	p2 =	seq.s32 @!p0 s5, $0x0  }
0x1f: {  	s9 =	smul.u32 $0xF7A, s1;
	s8 =	simm.s32 @!p0 $0x1BF5;
	p2 =	por !p2, p0  }
0x20: {  	[sflag:s8] =	ssyncset.s32 @!p0 $0xFFFFF086;
	s6 =	sadd.s32 @!p0 s3, s7;
	s7 =	simm.s32 @!p0 $0x108  }
0x21: {  	s3 =	sadd.s32 s3, s9;
	s6 =	sadd.s32 @!p0 $0x88, s6;
	s7 =	simm.s32 @p2 $0x1082  }
0x22: {  	[simem:s7], [sflag:s8] =	dma.local @!p0 [hbm:s6], $0xF7A  }
0x23: {  	s9 =	sor.u32 $0xD0000000, s2;
	s6 =	simm.s32 $0x108;
	_ =	swait.ge @!p0 [sflag:s8], $0x0  }
0x24: {  	s3 =	sadd.s32 $0x88, s3;
	s6 =	simm.s32 @!p1 $0x1082;
	[sflag:s4] =	ssyncset.s32 $0xFFFFF086  }
0x25: {  	[simem:s6], [sflag:s4] =	dma.local [hbm:s3], $0xF7A  }
0x26: {  	[smem:$0x3F91] =	sst s1;
	(tag) =	ssettag s2;
	_ =	strace s9  }
0x27: {  	s1 =	sld [smem:$0x3FA1]  }
0x28: {  	s2 =	sld [smem:$0x3FA2]  }
0x29: {  	s4 =	sld [smem:$0x3FA4]  }
0x2a: {  	p0 =	seq.s32 s5, $0x0;
	s5 =	sld [smem:$0x3FA5]  }
0x2b: {  	s6 =	sld [smem:$0x3FA6]  }
0x2c: {  	s7 =	sld [smem:$0x3FA7]  }
0x2d: {  	s3 =	simm.s32 $0x108;
	s8 =	sld [smem:$0x3FA8]  }
0x2e: {  	s3 =	simm.s32 @!p0 $0x1082;
	s9 =	sld [smem:$0x3FA9]  }
0x2f: {  	lr =	sadd.s32 s0, s3;
	s0 =	sld [smem:$0x3FA0]  }
0x30: {  	s3 =	sld [smem:$0x3FA3]  }
0x31: {  	[smem:$0x3FAC] =	sst s10  }
0x32: {  	s10 =	sld [smem:$0x3FAA];
	_ =	sdelay $0x3  }
0x33: {  	p0 =	seq.s32 s10, $0x1;
	s10 =	sld [smem:$0x3FAC];
	_ =	sdelay $0x3  }
0x34: {  	[smem:$0x3FAC] =	sst s10  }
0x35: {  	s10 =	sld [smem:$0x3FAB];
	_ =	sdelay $0x3  }
0x36: {  	p1 =	seq.s32 s10, $0x1;
	s10 =	sld [smem:$0x3FAC];
	_ =	sdelay $0x3  }
0x37: {  	[smem:$0x3FAC] =	sst s10  }
0x38: {  	s10 =	sld [smem:$0x3FAD]  }
0x39: {  	_ = 	snop;
	(pc) =	sbr.ind lr, $3  }
0x3a: {  	_ = 	snop  }
0x3b: {  	_ = 	snop  }
0x3c: {  	p2 =	seq.s32 s10, $0x1;
	s10 =	sld [smem:$0x3FAC]  }
0x3d: {  	_ =	shalt  }
0x3e: {  	_ =	shalt  }
0x3f: {  	_ =	shalt  }
0x40: {  	_ =	shalt  }
0x41: {  	_ =	shalt  }
0x42: {  	_ =	shalt  }
0x43: {  	_ =	shalt  }
0x44: {  	_ =	shalt  }
0x45: {  	_ =	shalt  }
0x46: {  	_ =	shalt  }
0x47: {  	_ =	shalt  }
0x48: {  	_ =	shalt  }
0x49: {  	_ =	shalt  }
0x4a: {  	_ =	shalt  }
0x4b: {  	_ =	shalt  }
0x4c: {  	_ =	shalt  }
0x4d: {  	_ =	shalt  }
0x4e: {  	_ =	shalt  }
0x4f: {  	_ =	shalt  }
0x50: {  	_ =	shalt  }
0x51: {  	_ =	shalt  }
0x52: {  	_ =	shalt  }
0x53: {  	_ =	shalt  }
0x54: {  	_ =	shalt  }
0x55: {  	_ =	shalt  }
0x56: {  	_ =	shalt  }
0x57: {  	_ =	shalt  }
0x58: {  	_ =	shalt  }
0x59: {  	_ =	shalt  }
0x5a: {  	_ =	shalt  }
0x5b: {  	_ =	shalt  }
0x5c: {  	_ =	shalt  }
0x5d: {  	_ =	shalt  }
0x5e: {  	_ =	shalt  }
0x5f: {  	_ =	shalt  }
0x60: {  	_ =	shalt  }
0x61: {  	_ =	shalt  }
0x62: {  	_ =	shalt  }
0x63: {  	_ =	shalt  }
0x64: {  	_ =	shalt  }
0x65: {  	_ =	shalt  }
0x66: {  	_ =	shalt  }
0x67: {  	_ =	shalt  }
0x68: {  	_ =	shalt  }
0x69: {  	_ =	shalt  }
0x6a: {  	_ =	shalt  }
0x6b: {  	_ =	shalt  }
0x6c: {  	_ =	shalt  }
0x6d: {  	_ =	shalt  }
0x6e: {  	_ =	shalt  }
0x6f: {  	_ =	shalt  }
0x70: {  	_ =	shalt  }
0x71: {  	_ =	shalt  }
0x72: {  	_ =	shalt  }
0x73: {  	_ =	shalt  }
0x74: {  	_ =	shalt  }
0x75: {  	_ =	shalt  }
0x76: {  	_ =	shalt  }
0x77: {  	_ =	shalt  }
0x78: {  	_ =	shalt  }
0x79: {  	_ =	shalt  }
0x7a: {  	_ =	shalt  }
0x7b: {  	_ =	shalt  }
0x7c: {  	_ =	shalt  }
0x7d: {  	_ =	shalt  }
0x7e: {  	_ =	shalt  }
0x7f: {  	_ =	shalt  }
0x80: {  	_ =	shalt  }
0x81: {  	_ =	shalt  }
0x82: {  	_ =	shalt  }
0x83: {  	_ =	shalt  }
0x84: {  	_ =	shalt  }
0x85: {  	_ =	shalt  }
0x86: {  	_ =	shalt  }
0x87: {  	_ =	shalt  }
.Lfunc_end0:
.L_simem_size_0:
called_computation_lowered:
.L_overlay_start_0:
0x88: {  	s2 =	sld [smem:$0x3FD9]  }
0x89: {  	s3 =	sld [smem:$0x3FFE];
	_ =	sdelay $0x1  }
0x8a: {  	s1 =	srdreg.scid  }
0x8b: {  	s0 =	sand.u32 $0x1, s1  }
0x8c: {  	s14 =	sshll.u32 s0, $0xA;
	s2 =	sadd.s32 s3, s2  }
0x8d: {  	s2 =	sadd.s32 s2, s14  }
0x8e: {  	[smem:$0x3FB8] =	sst s2  }
0x8f: {  	_ = 	snop  }
0x90: {  	s2 =	sld [smem:$0x3FD0];
	_ =	sdelay $0x2  }
0x91: {  	s4 =	simm.s32 $0xB;
	s5 =	simm.s32 $0x10;
	s15 =	sld [smem:$0x3FC9]  }
0x92: {  	[smem:s5], [sflag:s4] =	dma.local [hbm:s2], $0x1  }
0x93: {  	_ =	swait.eq [sflag:s4], $0x1  }
0x94: {  	[sflag:s4] =	ssyncset.done $0x0  }
0x95: {  	s16 =	sld [smem:$0x10];
	[sflag:s4] =	ssyncadd.s32 $0xFFFFFFFF  }
0x96: {  	s17 =	sld [smem:$0x11];
	(tm) =	ssettm $0x1  }
0x97: {  	s18 =	sld [smem:$0x3FFB];
	_ =	sdelay $0x3  }
0x98: {  	_ =	strace s18  }
0x99: {  	s5 =	sld [smem:$0x3FFC];
	_ =	sdelay $0x3  }
0x9a: {  	_ =	strace s5  }
0x9b: {  	s5 =	sld [smem:$0x3FFD];
	_ =	sdelay $0x3  }
0x9c: {  	_ =	strace s5  }
0x9d: {  	_ =	strace $0x8FFFFFFF  }
0x9e: {  	s19 =	sld [smem:$0x3FDB];
	_ =	sdelay $0x1  }
0x9f: {  	s6 =	simm.s32 $_scs_section_size  }
0xa0: {  	s7 =	simm.s32 $_size__tile_overlayer_lowered;
	s8 =	simm.s32 $_tile_overlayer_lowered  }
0xa1: {  	s22 =	simm.s32 $0x1BFF;
	s21 =	sshll.u32 s8, $0x1;
	s5 =	sadd.s32 s6, s19  }
0xa2: {  	s9 =	simm.s32 $0x0;
	s20 =	sshll.u32 s7, $0x1;
	s7 =	sadd.s32 s21, s5  }
0xa3: {  	[timem:s9], [sflag:s22] =	dma.local [hbm:s7], s20  }
0xa4: {  	_ =	swait.ge [sflag:s22], s20  }
0xa5: {  	s6 =	ssub.s32 $0x0, s20;
	[sflag:s22] =	ssyncset.done $0x0  }
0xa6: {  	[sflag:s22] =	ssyncadd.s32 s6;
	_ =	sdelay $0x1  }
0xa7: {  	s23 =	simm.s32 $0x1B8B  }
0xa8: {  	_ =	swait.ge [sflag:s23], $0x1  }
0xa9: {  	[sflag:s23] =	ssyncset.done $0x0  }
0xaa: {  	s25 =	simm.s32 $0x1B8E;
	s24 =	sld [smem:$0x3FFE];
	[sflag:s23] =	ssyncadd.s32 $0xFFFFFFFF  }
0xab: {  	s26 =	simm.s32 $execute0_lowered;
	[smem:$0x3FD2] =	sst s25  }
0xac: {  	s7 =	sshll.u32 s26, $0x1;
	_ =	strace $0x80000046;
	[dreg:$0x1] =	wrdreg $0xFFFFFFFF  }
0xad: {  	s28 =	simm.s32 $_size_execute0_lowered;
	s5 =	sadd.s32 s5, s7;
	[dreg:$0x0] =	wrdreg $0x0  }
0xae: {  	s7 =	sshll.u32 s28, $0x1;
	[dreg:$0x2] =	wrdreg s5  }
0xaf: {  	[dreg:$0x3] =	wrdreg s7  }
0xb0: {  	[dreg:$0x4] =	wrdreg $0xC0  }
0xb1: {  	_ =	task [dreg:s9], $0x5FFFF  }
0xb2: {  	[dreg:$0x1] =	wrdreg $0xFFFFFFFF  }
0xb3: {  	[dreg:$0x0] =	wrdreg $0x60  }
0xb4: {  	[dreg:$0x2] =	wrdreg s24  }
0xb5: {  	[dreg:$0x3] =	wrdreg s15  }
0xb6: {  	[dreg:$0x4] =	wrdreg s17  }
0xb7: {  	[dreg:$0x5] =	wrdreg s16  }
0xb8: {  	[dreg:$0x6] =	wrdreg $0x0  }
0xb9: {  	[dreg:$0x7] =	wrdreg $0x28000  }
0xba: {  	[dreg:$0x8] =	wrdreg $0x2C000  }
0xbb: {  	[dreg:$0x9] =	wrdreg $0x9  }
0xbc: {  	_ =	task.clear_ibuf [dreg:s9], $0xAFFFF;
	_ =	strace $0x90000046  }
0xbd: {  	s29 =	simm.s32 $0x9;
	_ =	strace $0x80000048  }
0xbe: {  	_ =	swait.ge [sflag:s29], $0x1  }
0xbf: {  	[sflag:s29] =	ssyncadd.s32 $0xFFFFFFFF  }
0xc0: {  	_ =	strace $0x90000048  }
0xc1: {  	_ =	sfence  }
0xc2: {  	s30 =	sld [smem:$0x0];
	_ =	sdelay $0x2  }
0xc3: {  	s31 =	sshll.u32 s1, $0xD;
	s1 =	sshrl.u32 s1, $0x2  }
0xc4: {  	s3 =	sand.u32 $0x4000, s31;
	s1 =	sadd.s32 s1, s30  }
0xc5: {  	s0 =	sor.u32 s3, s0;
	s1 =	sshll.u32 s1, $0x11  }
0xc6: {  	s0 =	sor.u32 s1, s0  }
0xc7: {  	s0 =	sadd.s32 $0x8F2B, s0  }
0xc8: {  	[sflag:s0] =	ssyncadd.remote.s32 $0x1  }
0xc9: {  	_ =	sfence.sel $0xFFFF  }
0xca: {  	[dreg:$0x0] =	wrdreg $0xFFFFFFFF;
	(pc) =	sbr.abs _section_cstart, $3  }
0xcb: {  	[dreg:$0x1] =	wrdreg $0xFFFFFFFF  }
0xcc: {  	_ =	task.clear_ibuf [dreg:s9], $0x2FFFF;
	_ =	strace $0x9FFFFFFF  }
0xcd: {  	(tm) =	ssettm $0x7FFFFFFF  }
tec
execute0_lowered:
.L_overlay_start_1:
0x0: {  	(tag) =	ssettag $0x1  }
0x1: {  	s1 =	rddreg [dreg:$0x0]  }
0x2: {  	s0 =	rddreg [dreg:$0x1]  }
0x3: {  	s3 =	rddreg [dreg:$0x3]  }
0x4: {  	s4 =	rddreg [dreg:$0x4]  }
0x5: {  	s2 =	srdreg.scid;
	s5 =	rddreg [dreg:$0x5]  }
0x6: {  	s15 =	stileid.u32;
	s6 =	rddreg [dreg:$0x6]  }
0x7: {  	s7 =	simm.s32 $0x0;
	s18 =	simm.s32 $0x4C00;
	s19 =	simm.s32 $0x2  }
0x8: {  	s29 =	simm.s32 $0x8C00;
	s17 =	simm.s32 $0x8F00;
	s9 =	smul.u32 $0x2800, s15  }
0x9: {  	s2 =	sand.u32 $0x1, s2;
	s11 =	smul.u32 $0x1400, s15;
	[smem:$0x7FF] =	sst s7  }
0xa: {  	s21 =	sadd.s32 $0x18C00, s1;
	s22 =	sadd.s32 $0x1B400, s1;
	s23 =	sadd.s32 $0x18800, s1  }
0xb: {  	s24 =	smul.u32 $0x50000, s15;
	_ =	strace $0x80000047;
	[dreg:$0x8] =	wrdreg s21  }
0xc: {  	s25 =	sshll.u32 s15, $0xD;
	s8 =	smul.u32 $0x28000, s2;
	[dreg:$0x9] =	wrdreg s22  }
0xd: {  	s28 =	sshll.u32 s15, $0xA;
	s10 =	smul.u32 $0x14000, s2;
	[dreg:$0xa] =	wrdreg s23  }
0xe: {  	s13 =	sshll.u32 s2, $0xE;
	s2 =	ssub.s32 $0x2, s2;
	s26 =	sadd.s32 s25, s5  }
0xf: {  	s22 =	simm.s32 $0x80;
	s21 =	simm.s32 $0x9800;
	s14 =	sshrl.u32 s2, $0x1  }
0x10: {  	[dreg:$0xc] =	wrdreg s26;
	s3 =	sadd.s32 s3, s13;
	s12 =	sadd.s32 s9, s8  }
0x11: {  	s10 =	sadd.s32 s11, s10;
	s8 =	sadd.s32 s8, s1;
	s2 =	ssub.s32 s2, s14  }
0x12: {  	s31 =	sadd.s32 s28, s3;
	s14 =	simm.s32 $0x1;
	s3 =	simm.s32 $0x9C00  }
0x13: {  	s20 =	sshrl.u32 s12, $0x3;
	s10 =	sshrl.u32 s10, $0x3;
	s12 =	sshrl.u32 s24, $0x2  }
0x14: {  	s8 =	sadd.s32 $0x23800, s8;
	s2 =	smax.u32 s2, $0x1;
	[dreg:$0x10] =	wrdreg s31  }
0x15: {  	s11 =	sadd.s32 s20, s1;
	s10 =	sadd.s32 s10, s1;
	s1 =	sadd.s32 s13, s1  }
0x16: {  	s12 =	sadd.s32 s12, s4;
	[dreg:$0xe] =	wrdreg s2;
	s30 =	sadd.s32 s9, s8  }
0x17: {  	s9 =	simm.s32 $0x8D00;
	s8 =	simm.s32 $0x8D80;
	[dreg:$0xb] =	wrdreg s12  }
0x18: {  	s2 =	simm.s32 $0x8E00;
	s12 =	sadd.s32 s25, s6;
	[dreg:$0xf] =	wrdreg s30  }
0x19: {  	s13 =	simm.s32 $0x8F80;
	s20 =	sadd.s32 $0xE800, s10;
	[dreg:$0xd] =	wrdreg s12  }
0x1a: {  	s1 =	sadd.s32 $0x1B800, s1;
	s15 =	sadd.s32 $0x4800, s11;
	[dreg:$0x12] =	wrdreg s20  }
0x1b: {  	s16 =	sadd.s32 $0x13800, s10;
	s1 =	sadd.s32 s28, s1;
	[dreg:$0x18] =	wrdreg s15  }
0x1c: {  	s10 =	simm.s32 $0x0;
	s12 =	simm.s32 $0x8E80;
	[dreg:$0x11] =	wrdreg s1  }
.LBB2_1:
0x1d: {  	[dreg:$0x13] =	wrdreg s10  }
0x1e: {  	s1 =	rddreg [dreg:$0x2]  }
0x1f: {  	[tilespmem:s18], [sflag:$0x2] =	stream.linear.gather [hbm4b:s1+s7], $0x4000, $0x38;
	[tilespmem:$0xDC00] =	vst v63  }
0x20: {  	s23 =	stileid.u32;
	_ =	swait.ge [sflag:s19], $0x4000  }
0x21: {  	s1 =	sshll.u32 s23, $0x6;
	s24 =	rddreg [dreg:$0xb]  }
0x22: {  	[sflag:s19] =	ssyncset.done $0x0;
	s25 =	rddreg [dreg:$0x8];
	s11 =	sshrl.u32 s24, $0x3  }
0x23: {  	s10 =	sor.u32 $0x1C02, s1;
	[sflag:s19] =	ssyncadd.s32 $0xFFFFC000;
	[dreg:$0x15] =	wrdreg s11  }
0x24: {  	[spmem:s11], [sflag:s10] =	dma.local [hbm:s25], $0x2800  }
0x25: {  	_ =	swait.ge [sflag:s19], $0x2800  }
0x26: {  	s26 =	rddreg [dreg:$0xc]  }
0x27: {  	[sflag:s19] =	ssyncset.done $0x0;
	s20 =	rddreg [dreg:$0x9];
	s1 =	sshrl.u32 s26, $0x3  }
0x28: {  	[sflag:s19] =	ssyncadd.s32 $0xFFFFD800;
	[dreg:$0x16] =	wrdreg s1  }
0x29: {  	[spmem:s1], [sflag:s10] =	dma.local [hbm:s20], $0x400  }
0x2a: {  	_ =	swait.ge [sflag:s19], $0x400;
	[dreg:$0x14] =	wrdreg s10  }
0x2b: {  	s23 =	rddreg [dreg:$0xd]  }
0x2c: {  	[sflag:s19] =	ssyncset.done $0x0;
	s25 =	rddreg [dreg:$0xa];
	s24 =	sshrl.u32 s23, $0x3  }
0x2d: {  	[sflag:s19] =	ssyncadd.s32 $0xFFFFFC00;
	[dreg:$0x17] =	wrdreg s24  }
0x2e: {  	[spmem:s24], [sflag:s10] =	dma.local [hbm:s25], $0x400  }
0x2f: {  	_ =	swait.ge [sflag:s19], $0x400  }
0x30: {  	[sflag:s19] =	ssyncset.done $0x0  }
0x31: {  	[sflag:s19] =	ssyncadd.s32 $0xFFFFFC00  }
0x32: {  	s26 =	sadd.s32 $0x0, s15;
	[bflag:$0x0] =	sbarrier.arrive $0xFFFF  }
0x33: {  	[tilespmem:s29], [sflag:$0x2] =	stream.linear.gather [hbm4b:s26+s7], $0x800, $0x38;
	[tilespmem:$0xDC00] =	vst v63  }
0x34: {  	_ =	swait.ge [sflag:s19], $0x800  }
0x35: {  	[sflag:s19] =	ssyncset.done $0x0  }
0x36: {  	[sflag:s19] =	ssyncadd.s32 $0xFFFFF800  }
0x37: {  	[spmem:s4] =	stream.indirect.scatter.add.f32 [tilespmem:s18], [sflag:$0x1], $0x10, s29, s22, $0xb8;
	[tilespmem:$0xDC00] =	vst v63  }
0x38: {  	s10 =	simm.s32 $0x8C80  }
0x39: {  	[spmem:s4] =	stream.indirect.scatter.add.f32 [tilespmem:s18], [sflag:$0x1], $0x10, s10, s22, $0xb8;
	[tilespmem:$0xDC00] =	vst v63  }
0x3a: {  	_ = 	snop  }
0x3b: {  	[spmem:s4] =	stream.indirect.scatter.add.f32 [tilespmem:s18], [sflag:$0x1], $0x10, s9, s22, $0xb8;
	[tilespmem:$0xDC00] =	vst v63  }
0x3c: {  	_ = 	snop  }
0x3d: {  	[spmem:s4] =	stream.indirect.scatter.add.f32 [tilespmem:s18], [sflag:$0x1], $0x10, s8, s22, $0xb8;
	[tilespmem:$0xDC00] =	vst v63  }
0x3e: {  	_ = 	snop  }
0x3f: {  	[spmem:s4] =	stream.indirect.scatter.add.f32 [tilespmem:s18], [sflag:$0x1], $0x10, s2, s22, $0xb8;
	[tilespmem:$0xDC00] =	vst v63  }
0x40: {  	_ = 	snop  }
0x41: {  	[spmem:s4] =	stream.indirect.scatter.add.f32 [tilespmem:s18], [sflag:$0x1], $0x10, s12, s22, $0xb8;
	[tilespmem:$0xDC00] =	vst v63  }
0x42: {  	_ = 	snop  }
0x43: {  	[spmem:s4] =	stream.indirect.scatter.add.f32 [tilespmem:s18], [sflag:$0x1], $0x10, s17, s22, $0xb8;
	[tilespmem:$0xDC00] =	vst v63  }
0x44: {  	_ = 	snop  }
0x45: {  	[spmem:s4] =	stream.indirect.scatter.add.f32 [tilespmem:s18], [sflag:$0x1], $0x10, s13, s22, $0xb8;
	[tilespmem:$0xDC00] =	vst v63  }
0x46: {  	s20 =	simm.s32 $0x9000  }
0x47: {  	[spmem:s4] =	stream.indirect.scatter.add.f32 [tilespmem:s18], [sflag:$0x1], $0x10, s20, s22, $0xb8;
	[tilespmem:$0xDC00] =	vst v63  }
0x48: {  	s24 =	simm.s32 $0x9080  }
0x49: {  	[spmem:s4] =	stream.indirect.scatter.add.f32 [tilespmem:s18], [sflag:$0x1], $0x10, s24, s22, $0xb8;
	[tilespmem:$0xDC00] =	vst v63  }
0x4a: {  	s25 =	simm.s32 $0x9100  }
0x4b: {  	[spmem:s4] =	stream.indirect.scatter.add.f32 [tilespmem:s18], [sflag:$0x1], $0x10, s25, s22, $0xb8;
	[tilespmem:$0xDC00] =	vst v63  }
0x4c: {  	s26 =	simm.s32 $0x9180  }
0x4d: {  	[spmem:s4] =	stream.indirect.scatter.add.f32 [tilespmem:s18], [sflag:$0x1], $0x10, s26, s22, $0xb8;
	[tilespmem:$0xDC00] =	vst v63  }
0x4e: {  	s28 =	simm.s32 $0x9200  }
0x4f: {  	[spmem:s4] =	stream.indirect.scatter.add.f32 [tilespmem:s18], [sflag:$0x1], $0x10, s28, s22, $0xb8;
	[tilespmem:$0xDC00] =	vst v63  }
0x50: {  	s29 =	simm.s32 $0x9280  }
0x51: {  	[spmem:s4] =	stream.indirect.scatter.add.f32 [tilespmem:s18], [sflag:$0x1], $0x10, s29, s22, $0xb8;
	[tilespmem:$0xDC00] =	vst v63  }
0x52: {  	s30 =	simm.s32 $0x9300  }
0x53: {  	[spmem:s4] =	stream.indirect.scatter.add.f32 [tilespmem:s18], [sflag:$0x1], $0x10, s30, s22, $0xb8;
	[tilespmem:$0xDC00] =	vst v63  }
0x54: {  	s31 =	simm.s32 $0x9380  }
0x55: {  	[spmem:s4] =	stream.indirect.scatter.add.f32 [tilespmem:s18], [sflag:$0x1], $0x10, s31, s22, $0xb8;
	[tilespmem:$0xDC00] =	vst v63  }
0x56: {  	_ =	swait.ge [sflag:s14], $0x800  }
0x57: {  	[sflag:s14] =	ssyncset.done $0x0  }
0x58: {  	[sflag:s14] =	ssyncadd.s32 $0xFFFFF800  }
0x59: {  	_ =	swait.ge [sflag:s14], $0x800  }
0x5a: {  	[sflag:s14] =	ssyncset.done $0x0  }
0x5b: {  	[sflag:s14] =	ssyncadd.s32 $0xFFFFF800  }
0x5c: {  	_ =	swait.ge [sflag:s14], $0x800  }
0x5d: {  	[sflag:s14] =	ssyncset.done $0x0  }
0x5e: {  	[sflag:s14] =	ssyncadd.s32 $0xFFFFF800  }
0x5f: {  	_ =	swait.ge [sflag:s14], $0x800  }
0x60: {  	[sflag:s14] =	ssyncset.done $0x0  }
0x61: {  	[sflag:s14] =	ssyncadd.s32 $0xFFFFF800  }
0x62: {  	_ =	swait.ge [sflag:s14], $0x800  }
0x63: {  	[sflag:s14] =	ssyncset.done $0x0  }
0x64: {  	[sflag:s14] =	ssyncadd.s32 $0xFFFFF800  }
0x65: {  	_ =	swait.ge [sflag:s14], $0x800  }
0x66: {  	[sflag:s14] =	ssyncset.done $0x0  }
0x67: {  	[sflag:s14] =	ssyncadd.s32 $0xFFFFF800  }
0x68: {  	_ =	swait.ge [sflag:s14], $0x800  }
0x69: {  	[sflag:s14] =	ssyncset.done $0x0  }
0x6a: {  	[sflag:s14] =	ssyncadd.s32 $0xFFFFF800  }
0x6b: {  	_ =	swait.ge [sflag:s14], $0x800  }
0x6c: {  	[sflag:s14] =	ssyncset.done $0x0  }
0x6d: {  	[sflag:s14] =	ssyncadd.s32 $0xFFFFF800  }
0x6e: {  	_ =	swait.ge [sflag:s14], $0x800  }
0x6f: {  	[sflag:s14] =	ssyncset.done $0x0  }
0x70: {  	[sflag:s14] =	ssyncadd.s32 $0xFFFFF800  }
0x71: {  	_ =	swait.ge [sflag:s14], $0x800  }
0x72: {  	[sflag:s14] =	ssyncset.done $0x0  }
0x73: {  	[sflag:s14] =	ssyncadd.s32 $0xFFFFF800  }
0x74: {  	_ =	swait.ge [sflag:s14], $0x800  }
0x75: {  	[sflag:s14] =	ssyncset.done $0x0  }
0x76: {  	[sflag:s14] =	ssyncadd.s32 $0xFFFFF800  }
0x77: {  	_ =	swait.ge [sflag:s14], $0x800  }
0x78: {  	[sflag:s14] =	ssyncset.done $0x0  }
0x79: {  	[sflag:s14] =	ssyncadd.s32 $0xFFFFF800  }
0x7a: {  	_ =	swait.ge [sflag:s14], $0x800  }
0x7b: {  	[sflag:s14] =	ssyncset.done $0x0  }
0x7c: {  	[sflag:s14] =	ssyncadd.s32 $0xFFFFF800  }
0x7d: {  	_ =	swait.ge [sflag:s14], $0x800  }
0x7e: {  	[sflag:s14] =	ssyncset.done $0x0  }
0x7f: {  	[sflag:s14] =	ssyncadd.s32 $0xFFFFF800  }
0x80: {  	_ =	swait.ge [sflag:s14], $0x800  }
0x81: {  	s11 =	simm.s32 $0x8E00;
	[sflag:s14] =	ssyncset.done $0x0  }
0x82: {  	s1 =	sadd.s32 $0x100, s15;
	s23 =	simm.s32 $0x8C00;
	[sflag:s14] =	ssyncadd.s32 $0xFFFFF800  }
0x83: {  	s7 =	simm.s32 $0x8F00;
	s12 =	simm.s32 $0x8E80;
	_ =	swait.ge [sflag:s14], $0x800  }
0x84: {  	s17 =	simm.s32 $0x8F80;
	s13 =	simm.s32 $0x200;
	[sflag:s14] =	ssyncset.done $0x0  }
.LBB2_2:
0x85: {  	s8 =	sadd.s32 s13, s15;
	s2 =	simm.s32 $0x0;
	[sflag:s14] =	ssyncadd.s32 $0xFFFFF800  }
0x86: {  	[tilespmem:s23], [sflag:$0x2] =	stream.linear.gather [hbm4b:s1+s2], $0x800, $0x38;
	[tilespmem:$0xDC00] =	vst v63  }
0x87: {  	p0 =	sne.s32 s13, $0x400;
	s13 =	sadd.s32 $0x100, s13;
	_ =	swait.ge [sflag:s19], $0x800  }
0x88: {  	s1 =	smov.u32 s8;
	s8 =	simm.s32 $0x8D80;
	[sflag:s19] =	ssyncset.done $0x0  }
0x89: {  	[sflag:s19] =	ssyncadd.s32 $0xFFFFF800  }
0x8a: {  	[spmem:s4] =	stream.indirect.scatter.add.f32 [tilespmem:s18], [sflag:$0x1], $0x10, s23, s22, $0xb8;
	[tilespmem:$0xDC00] =	vst v63  }
0x8b: {  	_ = 	snop  }
0x8c: {  	[spmem:s4] =	stream.indirect.scatter.add.f32 [tilespmem:s18], [sflag:$0x1], $0x10, s10, s22, $0xb8;
	[tilespmem:$0xDC00] =	vst v63  }
0x8d: {  	_ = 	snop  }
0x8e: {  	[spmem:s4] =	stream.indirect.scatter.add.f32 [tilespmem:s18], [sflag:$0x1], $0x10, s9, s22, $0xb8;
	[tilespmem:$0xDC00] =	vst v63  }
0x8f: {  	_ = 	snop  }
0x90: {  	[spmem:s4] =	stream.indirect.scatter.add.f32 [tilespmem:s18], [sflag:$0x1], $0x10, s8, s22, $0xb8;
	[tilespmem:$0xDC00] =	vst v63  }
0x91: {  	_ = 	snop  }
0x92: {  	[spmem:s4] =	stream.indirect.scatter.add.f32 [tilespmem:s18], [sflag:$0x1], $0x10, s11, s22, $0xb8;
	[tilespmem:$0xDC00] =	vst v63  }
0x93: {  	_ = 	snop  }
0x94: {  	[spmem:s4] =	stream.indirect.scatter.add.f32 [tilespmem:s18], [sflag:$0x1], $0x10, s12, s22, $0xb8;
	[tilespmem:$0xDC00] =	vst v63  }
0x95: {  	_ = 	snop  }
0x96: {  	[spmem:s4] =	stream.indirect.scatter.add.f32 [tilespmem:s18], [sflag:$0x1], $0x10, s7, s22, $0xb8;
	[tilespmem:$0xDC00] =	vst v63  }
0x97: {  	_ = 	snop  }
0x98: {  	[spmem:s4] =	stream.indirect.scatter.add.f32 [tilespmem:s18], [sflag:$0x1], $0x10, s17, s22, $0xb8;
	[tilespmem:$0xDC00] =	vst v63  }
0x99: {  	_ = 	snop  }
0x9a: {  	[spmem:s4] =	stream.indirect.scatter.add.f32 [tilespmem:s18], [sflag:$0x1], $0x10, s20, s22, $0xb8;
	[tilespmem:$0xDC00] =	vst v63  }
0x9b: {  	_ = 	snop  }
0x9c: {  	[spmem:s4] =	stream.indirect.scatter.add.f32 [tilespmem:s18], [sflag:$0x1], $0x10, s24, s22, $0xb8;
	[tilespmem:$0xDC00] =	vst v63  }
0x9d: {  	_ = 	snop  }
0x9e: {  	[spmem:s4] =	stream.indirect.scatter.add.f32 [tilespmem:s18], [sflag:$0x1], $0x10, s25, s22, $0xb8;
	[tilespmem:$0xDC00] =	vst v63  }
0x9f: {  	_ = 	snop  }
0xa0: {  	[spmem:s4] =	stream.indirect.scatter.add.f32 [tilespmem:s18], [sflag:$0x1], $0x10, s26, s22, $0xb8;
	[tilespmem:$0xDC00] =	vst v63  }
0xa1: {  	_ = 	snop  }
0xa2: {  	[spmem:s4] =	stream.indirect.scatter.add.f32 [tilespmem:s18], [sflag:$0x1], $0x10, s28, s22, $0xb8;
	[tilespmem:$0xDC00] =	vst v63  }
0xa3: {  	_ = 	snop  }
0xa4: {  	[spmem:s4] =	stream.indirect.scatter.add.f32 [tilespmem:s18], [sflag:$0x1], $0x10, s29, s22, $0xb8;
	[tilespmem:$0xDC00] =	vst v63  }
0xa5: {  	_ = 	snop  }
0xa6: {  	[spmem:s4] =	stream.indirect.scatter.add.f32 [tilespmem:s18], [sflag:$0x1], $0x10, s30, s22, $0xb8;
	[tilespmem:$0xDC00] =	vst v63  }
0xa7: {  	_ = 	snop  }
0xa8: {  	[spmem:s4] =	stream.indirect.scatter.add.f32 [tilespmem:s18], [sflag:$0x1], $0x10, s31, s22, $0xb8;
	[tilespmem:$0xDC00] =	vst v63  }
0xa9: {  	_ =	swait.ge [sflag:s14], $0x800  }
0xaa: {  	[sflag:s14] =	ssyncset.done $0x0  }
0xab: {  	[sflag:s14] =	ssyncadd.s32 $0xFFFFF800  }
0xac: {  	_ =	swait.ge [sflag:s14], $0x800  }
0xad: {  	[sflag:s14] =	ssyncset.done $0x0  }
0xae: {  	[sflag:s14] =	ssyncadd.s32 $0xFFFFF800  }
0xaf: {  	_ =	swait.ge [sflag:s14], $0x800  }
0xb0: {  	[sflag:s14] =	ssyncset.done $0x0  }
0xb1: {  	[sflag:s14] =	ssyncadd.s32 $0xFFFFF800  }
0xb2: {  	_ =	swait.ge [sflag:s14], $0x800  }
0xb3: {  	[sflag:s14] =	ssyncset.done $0x0  }
0xb4: {  	[sflag:s14] =	ssyncadd.s32 $0xFFFFF800  }
0xb5: {  	_ =	swait.ge [sflag:s14], $0x800  }
0xb6: {  	[sflag:s14] =	ssyncset.done $0x0  }
0xb7: {  	[sflag:s14] =	ssyncadd.s32 $0xFFFFF800  }
0xb8: {  	_ =	swait.ge [sflag:s14], $0x800  }
0xb9: {  	[sflag:s14] =	ssyncset.done $0x0  }
0xba: {  	[sflag:s14] =	ssyncadd.s32 $0xFFFFF800  }
0xbb: {  	_ =	swait.ge [sflag:s14], $0x800  }
0xbc: {  	[sflag:s14] =	ssyncset.done $0x0  }
0xbd: {  	[sflag:s14] =	ssyncadd.s32 $0xFFFFF800  }
0xbe: {  	_ =	swait.ge [sflag:s14], $0x800  }
0xbf: {  	[sflag:s14] =	ssyncset.done $0x0  }
0xc0: {  	[sflag:s14] =	ssyncadd.s32 $0xFFFFF800  }
0xc1: {  	_ =	swait.ge [sflag:s14], $0x800  }
0xc2: {  	[sflag:s14] =	ssyncset.done $0x0  }
0xc3: {  	[sflag:s14] =	ssyncadd.s32 $0xFFFFF800  }
0xc4: {  	_ =	swait.ge [sflag:s14], $0x800  }
0xc5: {  	[sflag:s14] =	ssyncset.done $0x0  }
0xc6: {  	[sflag:s14] =	ssyncadd.s32 $0xFFFFF800  }
0xc7: {  	_ =	swait.ge [sflag:s14], $0x800  }
0xc8: {  	[sflag:s14] =	ssyncset.done $0x0  }
0xc9: {  	[sflag:s14] =	ssyncadd.s32 $0xFFFFF800  }
0xca: {  	_ =	swait.ge [sflag:s14], $0x800  }
0xcb: {  	[sflag:s14] =	ssyncset.done $0x0  }
0xcc: {  	[sflag:s14] =	ssyncadd.s32 $0xFFFFF800  }
0xcd: {  	_ =	swait.ge [sflag:s14], $0x800  }
0xce: {  	[sflag:s14] =	ssyncset.done $0x0  }
0xcf: {  	[sflag:s14] =	ssyncadd.s32 $0xFFFFF800  }
0xd0: {  	_ =	swait.ge [sflag:s14], $0x800  }
0xd1: {  	[sflag:s14] =	ssyncset.done $0x0  }
0xd2: {  	[sflag:s14] =	ssyncadd.s32 $0xFFFFF800  }
.Ltmp0:
0xd3: {  	_ =	swait.ge [sflag:s14], $0x800;
	(pc) =	sbr.rel @p0 .LBB2_2-.Ltmp0, $4  }
0xd4: {  	[sflag:s14] =	ssyncset.done $0x0  }
0xd5: {  	[sflag:s14] =	ssyncadd.s32 $0xFFFFF800  }
0xd6: {  	_ =	swait.ge [sflag:s14], $0x800  }
0xd7: {  	[sflag:s14] =	ssyncset.done $0x0  }
0xd8: {  	[sflag:s14] =	ssyncadd.s32 $0xFFFFF800  }
0xd9: {  	[tilespmem:s23], [sflag:$0x2] =	stream.linear.gather [hbm4b:s1+s2], $0x800, $0x38;
	[tilespmem:$0xDC00] =	vst v63  }
0xda: {  	_ =	swait.ge [sflag:s19], $0x800  }
0xdb: {  	[sflag:s19] =	ssyncset.done $0x0  }
0xdc: {  	[sflag:s19] =	ssyncadd.s32 $0xFFFFF800  }
0xdd: {  	[spmem:s4] =	stream.indirect.scatter.add.f32 [tilespmem:s18], [sflag:$0x1], $0x10, s23, s22, $0xb8;
	[tilespmem:$0xDC00] =	vst v63  }
0xde: {  	_ = 	snop  }
0xdf: {  	[spmem:s4] =	stream.indirect.scatter.add.f32 [tilespmem:s18], [sflag:$0x1], $0x10, s10, s22, $0xb8;
	[tilespmem:$0xDC00] =	vst v63  }
0xe0: {  	_ = 	snop  }
0xe1: {  	[spmem:s4] =	stream.indirect.scatter.add.f32 [tilespmem:s18], [sflag:$0x1], $0x10, s9, s22, $0xb8;
	[tilespmem:$0xDC00] =	vst v63  }
0xe2: {  	_ = 	snop  }
0xe3: {  	[spmem:s4] =	stream.indirect.scatter.add.f32 [tilespmem:s18], [sflag:$0x1], $0x10, s8, s22, $0xb8;
	[tilespmem:$0xDC00] =	vst v63  }
0xe4: {  	_ = 	snop  }
0xe5: {  	[spmem:s4] =	stream.indirect.scatter.add.f32 [tilespmem:s18], [sflag:$0x1], $0x10, s11, s22, $0xb8;
	[tilespmem:$0xDC00] =	vst v63  }
0xe6: {  	_ = 	snop  }
0xe7: {  	[spmem:s4] =	stream.indirect.scatter.add.f32 [tilespmem:s18], [sflag:$0x1], $0x10, s12, s22, $0xb8;
	[tilespmem:$0xDC00] =	vst v63  }
0xe8: {  	_ = 	snop  }
0xe9: {  	[spmem:s4] =	stream.indirect.scatter.add.f32 [tilespmem:s18], [sflag:$0x1], $0x10, s7, s22, $0xb8;
	[tilespmem:$0xDC00] =	vst v63  }
0xea: {  	_ = 	snop  }
0xeb: {  	[spmem:s4] =	stream.indirect.scatter.add.f32 [tilespmem:s18], [sflag:$0x1], $0x10, s17, s22, $0xb8;
	[tilespmem:$0xDC00] =	vst v63  }
0xec: {  	_ = 	snop  }
0xed: {  	[spmem:s4] =	stream.indirect.scatter.add.f32 [tilespmem:s18], [sflag:$0x1], $0x10, s20, s22, $0xb8;
	[tilespmem:$0xDC00] =	vst v63  }
0xee: {  	_ = 	snop  }
0xef: {  	[spmem:s4] =	stream.indirect.scatter.add.f32 [tilespmem:s18], [sflag:$0x1], $0x10, s24, s22, $0xb8;
	[tilespmem:$0xDC00] =	vst v63  }
0xf0: {  	_ = 	snop  }
0xf1: {  	[spmem:s4] =	stream.indirect.scatter.add.f32 [tilespmem:s18], [sflag:$0x1], $0x10, s25, s22, $0xb8;
	[tilespmem:$0xDC00] =	vst v63  }
0xf2: {  	_ = 	snop  }
0xf3: {  	[spmem:s4] =	stream.indirect.scatter.add.f32 [tilespmem:s18], [sflag:$0x1], $0x10, s26, s22, $0xb8;
	[tilespmem:$0xDC00] =	vst v63  }
0xf4: {  	_ = 	snop  }
0xf5: {  	[spmem:s4] =	stream.indirect.scatter.add.f32 [tilespmem:s18], [sflag:$0x1], $0x10, s28, s22, $0xb8;
	[tilespmem:$0xDC00] =	vst v63  }
0xf6: {  	_ = 	snop  }
0xf7: {  	[spmem:s4] =	stream.indirect.scatter.add.f32 [tilespmem:s18], [sflag:$0x1], $0x10, s29, s22, $0xb8;
	[tilespmem:$0xDC00] =	vst v63  }
0xf8: {  	_ = 	snop  }
0xf9: {  	[spmem:s4] =	stream.indirect.scatter.add.f32 [tilespmem:s18], [sflag:$0x1], $0x10, s30, s22, $0xb8;
	[tilespmem:$0xDC00] =	vst v63  }
0xfa: {  	_ = 	snop  }
0xfb: {  	[spmem:s4] =	stream.indirect.scatter.add.f32 [tilespmem:s18], [sflag:$0x1], $0x10, s31, s22, $0xb8;
	[tilespmem:$0xDC00] =	vst v63  }
0xfc: {  	_ =	swait.ge [sflag:s14], $0x800  }
0xfd: {  	[sflag:s14] =	ssyncset.done $0x0  }
0xfe: {  	[sflag:s14] =	ssyncadd.s32 $0xFFFFF800  }
0xff: {  	_ =	swait.ge [sflag:s14], $0x800  }
0x100: {  	[sflag:s14] =	ssyncset.done $0x0  }
0x101: {  	[sflag:s14] =	ssyncadd.s32 $0xFFFFF800  }
0x102: {  	_ =	swait.ge [sflag:s14], $0x800  }
0x103: {  	[sflag:s14] =	ssyncset.done $0x0  }
0x104: {  	[sflag:s14] =	ssyncadd.s32 $0xFFFFF800  }
0x105: {  	_ =	swait.ge [sflag:s14], $0x800  }
0x106: {  	[sflag:s14] =	ssyncset.done $0x0  }
0x107: {  	[sflag:s14] =	ssyncadd.s32 $0xFFFFF800  }
0x108: {  	_ =	swait.ge [sflag:s14], $0x800  }
0x109: {  	[sflag:s14] =	ssyncset.done $0x0  }
0x10a: {  	[sflag:s14] =	ssyncadd.s32 $0xFFFFF800  }
0x10b: {  	_ =	swait.ge [sflag:s14], $0x800  }
0x10c: {  	[sflag:s14] =	ssyncset.done $0x0  }
0x10d: {  	[sflag:s14] =	ssyncadd.s32 $0xFFFFF800  }
0x10e: {  	_ =	swait.ge [sflag:s14], $0x800  }
0x10f: {  	[sflag:s14] =	ssyncset.done $0x0  }
0x110: {  	[sflag:s14] =	ssyncadd.s32 $0xFFFFF800  }
0x111: {  	_ =	swait.ge [sflag:s14], $0x800  }
0x112: {  	[sflag:s14] =	ssyncset.done $0x0  }
0x113: {  	[sflag:s14] =	ssyncadd.s32 $0xFFFFF800  }
0x114: {  	_ =	swait.ge [sflag:s14], $0x800  }
0x115: {  	[sflag:s14] =	ssyncset.done $0x0  }
0x116: {  	[sflag:s14] =	ssyncadd.s32 $0xFFFFF800  }
0x117: {  	_ =	swait.ge [sflag:s14], $0x800  }
0x118: {  	[sflag:s14] =	ssyncset.done $0x0  }
0x119: {  	[sflag:s14] =	ssyncadd.s32 $0xFFFFF800  }
0x11a: {  	_ =	swait.ge [sflag:s14], $0x800  }
0x11b: {  	[sflag:s14] =	ssyncset.done $0x0  }
0x11c: {  	[sflag:s14] =	ssyncadd.s32 $0xFFFFF800  }
0x11d: {  	_ =	swait.ge [sflag:s14], $0x800  }
0x11e: {  	[sflag:s14] =	ssyncset.done $0x0  }
0x11f: {  	[sflag:s14] =	ssyncadd.s32 $0xFFFFF800  }
0x120: {  	_ =	swait.ge [sflag:s14], $0x800  }
0x121: {  	[sflag:s14] =	ssyncset.done $0x0  }
0x122: {  	[sflag:s14] =	ssyncadd.s32 $0xFFFFF800  }
0x123: {  	s13 =	simm.s32 $0x80;
	p1 =	por $0x1, $0x1;
	_ =	swait.ge [sflag:s14], $0x800  }
0x124: {  	p0 =	por $0x0, $0x0;
	p2 =	por $0x0, $0x0;
	[sflag:s14] =	ssyncset.done $0x0  }
0x125: {  	s1 =	simm.s32 $0x0;
	s23 =	simm.s32 $0x9880;
	[sflag:s14] =	ssyncadd.s32 $0xFFFFF800  }
0x126: {  	s11 =	simm.s32 $0x9B80;
	s12 =	simm.s32 $0x8E80;
	_ =	swait.ge [sflag:s14], $0x800  }
.Ltmp1:
0x127: {  	s7 =	simm.s32 $0x0;
	[sflag:s14] =	ssyncset.done $0x0;
	(pc) =	sbr.rel @!p1 .LBB2_8-.Ltmp1, $4  }
0x128: {  	s17 =	simm.s32 $0x8F00;
	s24 =	simm.s32 $0x9900;
	[sflag:s14] =	ssyncadd.s32 $0xFFFFF800  }
0x129: {  	s25 =	simm.s32 $0x9980;
	s26 =	simm.s32 $0x9A80;
	_ =	swait.ge [sflag:s14], $0x800  }
0x12a: {  	s28 =	simm.s32 $0x9A00;
	s30 =	simm.s32 $0x9B00;
	[sflag:s14] =	ssyncset.done $0x0  }
0x12b: {  	s31 =	simm.s32 $0x9400;
	s20 =	rddreg [dreg:$0x12];
	[sflag:s14] =	ssyncadd.s32 $0xFFFFF800  }
0x12c: {  	s1 =	sadd.s32 $0x0, s16  }
0x12d: {  	[tilespmem:s21], [sflag:$0x2] =	stream.linear.gather [hbm4b:s1+s2], $0x400, $0x38;
	[tilespmem:$0xDC00] =	vst v63  }
0x12e: {  	_ =	swait.ge [sflag:s19], $0x400  }
0x12f: {  	[sflag:s19] =	ssyncset.done $0x0  }
0x130: {  	[sflag:s19] =	ssyncadd.s32 $0xFFFFFC00  }
0x131: {  	[spmem:s5] =	stream.indirect.scatter.add.f32 [tilespmem:s18], [sflag:$0x1], $0x10, s21, s22, $0xb8;
	[tilespmem:$0xDC00] =	vst v63  }
0x132: {  	_ = 	snop  }
0x133: {  	[spmem:s5] =	stream.indirect.scatter.add.f32 [tilespmem:s18], [sflag:$0x1], $0x10, s23, s22, $0xb8;
	[tilespmem:$0xDC00] =	vst v63  }
0x134: {  	_ = 	snop  }
0x135: {  	[spmem:s5] =	stream.indirect.scatter.add.f32 [tilespmem:s18], [sflag:$0x1], $0x10, s24, s22, $0xb8;
	[tilespmem:$0xDC00] =	vst v63  }
0x136: {  	_ = 	snop  }
0x137: {  	[spmem:s5] =	stream.indirect.scatter.add.f32 [tilespmem:s18], [sflag:$0x1], $0x10, s25, s22, $0xb8;
	[tilespmem:$0xDC00] =	vst v63  }
0x138: {  	_ = 	snop  }
0x139: {  	[spmem:s5] =	stream.indirect.scatter.add.f32 [tilespmem:s18], [sflag:$0x1], $0x10, s28, s22, $0xb8;
	[tilespmem:$0xDC00] =	vst v63  }
0x13a: {  	_ = 	snop  }
0x13b: {  	[spmem:s5] =	stream.indirect.scatter.add.f32 [tilespmem:s18], [sflag:$0x1], $0x10, s26, s22, $0xb8;
	[tilespmem:$0xDC00] =	vst v63  }
0x13c: {  	_ = 	snop  }
0x13d: {  	[spmem:s5] =	stream.indirect.scatter.add.f32 [tilespmem:s18], [sflag:$0x1], $0x10, s30, s22, $0xb8;
	[tilespmem:$0xDC00] =	vst v63  }
0x13e: {  	_ = 	snop  }
0x13f: {  	[spmem:s5] =	stream.indirect.scatter.add.f32 [tilespmem:s18], [sflag:$0x1], $0x10, s11, s22, $0xb8;
	[tilespmem:$0xDC00] =	vst v63  }
0x140: {  	_ =	swait.ge [sflag:s14], $0x800  }
0x141: {  	[sflag:s14] =	ssyncset.done $0x0  }
0x142: {  	[sflag:s14] =	ssyncadd.s32 $0xFFFFF800  }
0x143: {  	_ =	swait.ge [sflag:s14], $0x800  }
0x144: {  	[sflag:s14] =	ssyncset.done $0x0  }
0x145: {  	[sflag:s14] =	ssyncadd.s32 $0xFFFFF800  }
0x146: {  	_ =	swait.ge [sflag:s14], $0x800  }
0x147: {  	[sflag:s14] =	ssyncset.done $0x0  }
0x148: {  	[sflag:s14] =	ssyncadd.s32 $0xFFFFF800  }
0x149: {  	_ =	swait.ge [sflag:s14], $0x800  }
0x14a: {  	[sflag:s14] =	ssyncset.done $0x0  }
0x14b: {  	[sflag:s14] =	ssyncadd.s32 $0xFFFFF800  }
0x14c: {  	_ =	swait.ge [sflag:s14], $0x800  }
0x14d: {  	[sflag:s14] =	ssyncset.done $0x0  }
0x14e: {  	[sflag:s14] =	ssyncadd.s32 $0xFFFFF800  }
0x14f: {  	_ =	swait.ge [sflag:s14], $0x800  }
0x150: {  	[sflag:s14] =	ssyncset.done $0x0  }
0x151: {  	p3 =	por $0x1, $0x1;
	[sflag:s14] =	ssyncadd.s32 $0xFFFFF800  }
.Ltmp2:
0x152: {  	_ =	swait.ge [sflag:s14], $0x800;
	(pc) =	sbr.rel @!p3 .LBB2_5-.Ltmp2, $4  }
0x153: {  	[sflag:s14] =	ssyncset.done $0x0  }
0x154: {  	[sflag:s14] =	ssyncadd.s32 $0xFFFFF800  }
0x155: {  	s8 =	simm.s32 $0x100;
	_ =	swait.ge [sflag:s14], $0x800  }
0x156: {  	p2 =	por $0x1, $0x1;
	s1 =	simm.s32 $0x80;
	[sflag:s14] =	ssyncset.done $0x0  }
.LBB2_6:
0x157: {  	s10 =	sadd.s32 s1, s16  }
0x158: {  	[sflag:s14] =	ssyncadd.s32 $0xFFFFF800;
	s1 =	smov.u32 s8;
	s9 =	sadd.s32 $0x80, s8  }
0x159: {  	[tilespmem:s21], [sflag:$0x2] =	stream.linear.gather [hbm4b:s10+s2], $0x400, $0x38;
	[tilespmem:$0xDC00] =	vst v63  }
0x15a: {  	p3 =	sne.s32 s8, $0x200;
	_ =	swait.ge [sflag:s19], $0x400  }
0x15b: {  	[sflag:s19] =	ssyncset.done $0x0  }
0x15c: {  	[sflag:s19] =	ssyncadd.s32 $0xFFFFFC00  }
0x15d: {  	[spmem:s5] =	stream.indirect.scatter.add.f32 [tilespmem:s18], [sflag:$0x1], $0x10, s21, s22, $0xb8;
	[tilespmem:$0xDC00] =	vst v63  }
0x15e: {  	_ = 	snop  }
0x15f: {  	[spmem:s5] =	stream.indirect.scatter.add.f32 [tilespmem:s18], [sflag:$0x1], $0x10, s23, s22, $0xb8;
	[tilespmem:$0xDC00] =	vst v63  }
0x160: {  	_ = 	snop  }
0x161: {  	[spmem:s5] =	stream.indirect.scatter.add.f32 [tilespmem:s18], [sflag:$0x1], $0x10, s24, s22, $0xb8;
	[tilespmem:$0xDC00] =	vst v63  }
0x162: {  	_ = 	snop  }
0x163: {  	[spmem:s5] =	stream.indirect.scatter.add.f32 [tilespmem:s18], [sflag:$0x1], $0x10, s25, s22, $0xb8;
	[tilespmem:$0xDC00] =	vst v63  }
0x164: {  	_ = 	snop  }
0x165: {  	[spmem:s5] =	stream.indirect.scatter.add.f32 [tilespmem:s18], [sflag:$0x1], $0x10, s28, s22, $0xb8;
	[tilespmem:$0xDC00] =	vst v63  }
0x166: {  	_ = 	snop  }
0x167: {  	[spmem:s5] =	stream.indirect.scatter.add.f32 [tilespmem:s18], [sflag:$0x1], $0x10, s26, s22, $0xb8;
	[tilespmem:$0xDC00] =	vst v63  }
0x168: {  	_ = 	snop  }
0x169: {  	[spmem:s5] =	stream.indirect.scatter.add.f32 [tilespmem:s18], [sflag:$0x1], $0x10, s30, s22, $0xb8;
	[tilespmem:$0xDC00] =	vst v63  }
0x16a: {  	_ = 	snop  }
0x16b: {  	[spmem:s5] =	stream.indirect.scatter.add.f32 [tilespmem:s18], [sflag:$0x1], $0x10, s11, s22, $0xb8;
	[tilespmem:$0xDC00] =	vst v63  }
0x16c: {  	_ =	swait.ge [sflag:s14], $0x800  }
0x16d: {  	[sflag:s14] =	ssyncset.done $0x0  }
0x16e: {  	[sflag:s14] =	ssyncadd.s32 $0xFFFFF800  }
0x16f: {  	_ =	swait.ge [sflag:s14], $0x800  }
0x170: {  	[sflag:s14] =	ssyncset.done $0x0  }
0x171: {  	[sflag:s14] =	ssyncadd.s32 $0xFFFFF800  }
0x172: {  	_ =	swait.ge [sflag:s14], $0x800  }
0x173: {  	[sflag:s14] =	ssyncset.done $0x0  }
0x174: {  	[sflag:s14] =	ssyncadd.s32 $0xFFFFF800  }
0x175: {  	_ =	swait.ge [sflag:s14], $0x800  }
0x176: {  	[sflag:s14] =	ssyncset.done $0x0  }
0x177: {  	[sflag:s14] =	ssyncadd.s32 $0xFFFFF800  }
0x178: {  	_ =	swait.ge [sflag:s14], $0x800  }
0x179: {  	[sflag:s14] =	ssyncset.done $0x0  }
0x17a: {  	[sflag:s14] =	ssyncadd.s32 $0xFFFFF800  }
0x17b: {  	_ =	swait.ge [sflag:s14], $0x800  }
0x17c: {  	[sflag:s14] =	ssyncset.done $0x0  }
0x17d: {  	[sflag:s14] =	ssyncadd.s32 $0xFFFFF800  }
.Ltmp3:
0x17e: {  	_ =	swait.ge [sflag:s14], $0x800;
	(pc) =	sbr.rel @p3 .LBB2_6-.Ltmp3, $4  }
0x17f: {  	[sflag:s14] =	ssyncset.done $0x0  }
0x180: {  	[sflag:s14] =	ssyncadd.s32 $0xFFFFF800  }
0x181: {  	_ =	swait.ge [sflag:s14], $0x800  }
0x182: {  	s8 =	smov.u32 s9;
	[sflag:s14] =	ssyncset.done $0x0  }
0x183: {  	s9 =	simm.s32 $0x8D00;
	s8 =	simm.s32 $0x8D80  }
.LBB2_8:
0x184: {  	s1 =	sadd.s32 s1, s16;
	[sflag:s14] =	ssyncadd.s32 @p2 $0xFFFFF800  }
0x185: {  	[tilespmem:s21], [sflag:$0x2] =	stream.linear.gather [hbm4b:s1+s2], $0x400, $0x38;
	[tilespmem:$0xDC00] =	vst v63  }
0x186: {  	_ =	swait.ge [sflag:s19], $0x400  }
0x187: {  	[sflag:s19] =	ssyncset.done $0x0  }
0x188: {  	[sflag:s19] =	ssyncadd.s32 $0xFFFFFC00  }
0x189: {  	[spmem:s5] =	stream.indirect.scatter.add.f32 [tilespmem:s18], [sflag:$0x1], $0x10, s21, s22, $0xb8;
	[tilespmem:$0xDC00] =	vst v63  }
0x18a: {  	_ = 	snop  }
0x18b: {  	[spmem:s5] =	stream.indirect.scatter.add.f32 [tilespmem:s18], [sflag:$0x1], $0x10, s23, s22, $0xb8;
	[tilespmem:$0xDC00] =	vst v63  }
0x18c: {  	_ = 	snop  }
0x18d: {  	[spmem:s5] =	stream.indirect.scatter.add.f32 [tilespmem:s18], [sflag:$0x1], $0x10, s24, s22, $0xb8;
	[tilespmem:$0xDC00] =	vst v63  }
0x18e: {  	_ = 	snop  }
0x18f: {  	[spmem:s5] =	stream.indirect.scatter.add.f32 [tilespmem:s18], [sflag:$0x1], $0x10, s25, s22, $0xb8;
	[tilespmem:$0xDC00] =	vst v63  }
0x190: {  	_ = 	snop  }
0x191: {  	[spmem:s5] =	stream.indirect.scatter.add.f32 [tilespmem:s18], [sflag:$0x1], $0x10, s28, s22, $0xb8;
	[tilespmem:$0xDC00] =	vst v63  }
0x192: {  	_ = 	snop  }
0x193: {  	[spmem:s5] =	stream.indirect.scatter.add.f32 [tilespmem:s18], [sflag:$0x1], $0x10, s26, s22, $0xb8;
	[tilespmem:$0xDC00] =	vst v63  }
0x194: {  	_ = 	snop  }
0x195: {  	[spmem:s5] =	stream.indirect.scatter.add.f32 [tilespmem:s18], [sflag:$0x1], $0x10, s30, s22, $0xb8;
	[tilespmem:$0xDC00] =	vst v63  }
0x196: {  	_ = 	snop  }
0x197: {  	[spmem:s5] =	stream.indirect.scatter.add.f32 [tilespmem:s18], [sflag:$0x1], $0x10, s11, s22, $0xb8;
	[tilespmem:$0xDC00] =	vst v63  }
0x198: {  	_ =	swait.ge [sflag:s14], $0x800  }
0x199: {  	[sflag:s14] =	ssyncset.done $0x0  }
0x19a: {  	[sflag:s14] =	ssyncadd.s32 $0xFFFFF800  }
0x19b: {  	_ =	swait.ge [sflag:s14], $0x800  }
0x19c: {  	[sflag:s14] =	ssyncset.done $0x0  }
0x19d: {  	[sflag:s14] =	ssyncadd.s32 $0xFFFFF800  }
0x19e: {  	_ =	swait.ge [sflag:s14], $0x800  }
0x19f: {  	[sflag:s14] =	ssyncset.done $0x0  }
0x1a0: {  	[sflag:s14] =	ssyncadd.s32 $0xFFFFF800  }
0x1a1: {  	_ =	swait.ge [sflag:s14], $0x800  }
0x1a2: {  	[sflag:s14] =	ssyncset.done $0x0  }
0x1a3: {  	[sflag:s14] =	ssyncadd.s32 $0xFFFFF800  }
0x1a4: {  	_ =	swait.ge [sflag:s14], $0x800  }
0x1a5: {  	[sflag:s14] =	ssyncset.done $0x0  }
0x1a6: {  	[sflag:s14] =	ssyncadd.s32 $0xFFFFF800  }
0x1a7: {  	_ =	swait.ge [sflag:s14], $0x800  }
0x1a8: {  	[sflag:s14] =	ssyncset.done $0x0  }
0x1a9: {  	[sflag:s14] =	ssyncadd.s32 $0xFFFFF800  }
0x1aa: {  	_ =	swait.ge [sflag:s14], $0x800  }
.Ltmp4:
0x1ab: {  	[sflag:s14] =	ssyncset.done $0x0;
	(pc) =	sbr.rel @!p1 .LBB2_13-.Ltmp4, $4  }
0x1ac: {  	[sflag:s14] =	ssyncadd.s32 $0xFFFFF800  }
0x1ad: {  	_ =	swait.ge [sflag:s14], $0x800  }
0x1ae: {  	[sflag:s14] =	ssyncset.done $0x0  }
0x1af: {  	s29 =	simm.s32 $0x8C00;
	s10 =	rddreg [dreg:$0x13];
	[sflag:s14] =	ssyncadd.s32 $0xFFFFF800  }
0x1b0: {  	s1 =	sadd.s32 $0x0, s20  }
0x1b1: {  	[tilespmem:s31], [sflag:$0x2] =	stream.linear.gather [hbm4b:s1+s7], $0x400, $0x38;
	[tilespmem:$0xDC00] =	vst v63  }
0x1b2: {  	_ =	swait.ge [sflag:s19], $0x400  }
0x1b3: {  	[sflag:s19] =	ssyncset.done $0x0  }
0x1b4: {  	s17 =	sadd.s32 $0x0, s16;
	[sflag:s19] =	ssyncadd.s32 $0xFFFFFC00  }
0x1b5: {  	[tilespmem:s21], [sflag:$0x2] =	stream.linear.gather [hbm4b:s17+s7], $0x400, $0x38;
	[tilespmem:$0xDC00] =	vst v63  }
0x1b6: {  	_ =	swait.ge [sflag:s19], $0x400  }
0x1b7: {  	[sflag:s19] =	ssyncset.done $0x0  }
0x1b8: {  	[sflag:s19] =	ssyncadd.s32 $0xFFFFFC00  }
0x1b9: {  	[tilespmem:s3], [sflag:$0x2] =	stream.indirect.gather [hbm4b:s0+s22], $0x80, s31, s22, $0xb8;
	[tilespmem:$0xDC00] =	vst v63  }
0x1ba: {  	_ =	swait.ge [sflag:s19], $0x4000  }
0x1bb: {  	[sflag:s19] =	ssyncset.done $0x0  }
0x1bc: {  	[sflag:s19] =	ssyncadd.s32 $0xFFFFC000  }
0x1bd: {  	[spmem:s6] =	stream.indirect.scatter.add.f32 [tilespmem:s3], [sflag:$0x2], $0x80, s21, s22, $0xb8;
	[tilespmem:$0xDC00] =	vst v63  }
0x1be: {  	_ =	swait.ge [sflag:s19], $0x4000  }
0x1bf: {  	[sflag:s19] =	ssyncset.done $0x0  }
0x1c0: {  	s24 =	simm.s32 $0x9480;
	[sflag:s19] =	ssyncadd.s32 $0xFFFFC000  }
0x1c1: {  	[tilespmem:s3], [sflag:$0x2] =	stream.indirect.gather [hbm4b:s0+s22], $0x80, s24, s22, $0xb8;
	[tilespmem:$0xDC00] =	vst v63  }
0x1c2: {  	_ =	swait.ge [sflag:s19], $0x4000  }
0x1c3: {  	[sflag:s19] =	ssyncset.done $0x0  }
0x1c4: {  	[sflag:s19] =	ssyncadd.s32 $0xFFFFC000  }
0x1c5: {  	[spmem:s6] =	stream.indirect.scatter.add.f32 [tilespmem:s3], [sflag:$0x2], $0x80, s23, s22, $0xb8;
	[tilespmem:$0xDC00] =	vst v63  }
0x1c6: {  	_ =	swait.ge [sflag:s19], $0x4000  }
0x1c7: {  	[sflag:s19] =	ssyncset.done $0x0  }
0x1c8: {  	s25 =	simm.s32 $0x9500;
	[sflag:s19] =	ssyncadd.s32 $0xFFFFC000  }
0x1c9: {  	[tilespmem:s3], [sflag:$0x2] =	stream.indirect.gather [hbm4b:s0+s22], $0x80, s25, s22, $0xb8;
	[tilespmem:$0xDC00] =	vst v63  }
0x1ca: {  	_ =	swait.ge [sflag:s19], $0x4000  }
0x1cb: {  	[sflag:s19] =	ssyncset.done $0x0  }
0x1cc: {  	s10 =	simm.s32 $0x9900;
	[sflag:s19] =	ssyncadd.s32 $0xFFFFC000  }
0x1cd: {  	[spmem:s6] =	stream.indirect.scatter.add.f32 [tilespmem:s3], [sflag:$0x2], $0x80, s10, s22, $0xb8;
	[tilespmem:$0xDC00] =	vst v63  }
0x1ce: {  	_ =	swait.ge [sflag:s19], $0x4000  }
0x1cf: {  	[sflag:s19] =	ssyncset.done $0x0  }
0x1d0: {  	s29 =	simm.s32 $0x9580;
	[sflag:s19] =	ssyncadd.s32 $0xFFFFC000  }
0x1d1: {  	[tilespmem:s3], [sflag:$0x2] =	stream.indirect.gather [hbm4b:s0+s22], $0x80, s29, s22, $0xb8;
	[tilespmem:$0xDC00] =	vst v63  }
0x1d2: {  	_ =	swait.ge [sflag:s19], $0x4000  }
0x1d3: {  	[sflag:s19] =	ssyncset.done $0x0  }
0x1d4: {  	s8 =	simm.s32 $0x9980;
	[sflag:s19] =	ssyncadd.s32 $0xFFFFC000  }
0x1d5: {  	[spmem:s6] =	stream.indirect.scatter.add.f32 [tilespmem:s3], [sflag:$0x2], $0x80, s8, s22, $0xb8;
	[tilespmem:$0xDC00] =	vst v63  }
0x1d6: {  	_ =	swait.ge [sflag:s19], $0x4000  }
0x1d7: {  	[sflag:s19] =	ssyncset.done $0x0  }
0x1d8: {  	s15 =	simm.s32 $0x9600;
	[sflag:s19] =	ssyncadd.s32 $0xFFFFC000  }
0x1d9: {  	[tilespmem:s3], [sflag:$0x2] =	stream.indirect.gather [hbm4b:s0+s22], $0x80, s15, s22, $0xb8;
	[tilespmem:$0xDC00] =	vst v63  }
0x1da: {  	_ =	swait.ge [sflag:s19], $0x4000  }
0x1db: {  	[sflag:s19] =	ssyncset.done $0x0  }
0x1dc: {  	s9 =	simm.s32 $0x9A00;
	[sflag:s19] =	ssyncadd.s32 $0xFFFFC000  }
0x1dd: {  	[spmem:s6] =	stream.indirect.scatter.add.f32 [tilespmem:s3], [sflag:$0x2], $0x80, s9, s22, $0xb8;
	[tilespmem:$0xDC00] =	vst v63  }
0x1de: {  	_ =	swait.ge [sflag:s19], $0x4000  }
0x1df: {  	[sflag:s19] =	ssyncset.done $0x0  }
0x1e0: {  	s10 =	simm.s32 $0x9680;
	[sflag:s19] =	ssyncadd.s32 $0xFFFFC000  }
0x1e1: {  	[tilespmem:s3], [sflag:$0x2] =	stream.indirect.gather [hbm4b:s0+s22], $0x80, s10, s22, $0xb8;
	[tilespmem:$0xDC00] =	vst v63  }
0x1e2: {  	_ =	swait.ge [sflag:s19], $0x4000  }
0x1e3: {  	[sflag:s19] =	ssyncset.done $0x0  }
0x1e4: {  	[sflag:s19] =	ssyncadd.s32 $0xFFFFC000  }
0x1e5: {  	[spmem:s6] =	stream.indirect.scatter.add.f32 [tilespmem:s3], [sflag:$0x2], $0x80, s26, s22, $0xb8;
	[tilespmem:$0xDC00] =	vst v63  }
0x1e6: {  	_ =	swait.ge [sflag:s19], $0x4000  }
0x1e7: {  	[sflag:s19] =	ssyncset.done $0x0  }
0x1e8: {  	s17 =	simm.s32 $0x9700;
	[sflag:s19] =	ssyncadd.s32 $0xFFFFC000  }
0x1e9: {  	[tilespmem:s3], [sflag:$0x2] =	stream.indirect.gather [hbm4b:s0+s22], $0x80, s17, s22, $0xb8;
	[tilespmem:$0xDC00] =	vst v63  }
0x1ea: {  	_ =	swait.ge [sflag:s19], $0x4000  }
0x1eb: {  	[sflag:s19] =	ssyncset.done $0x0  }
0x1ec: {  	[sflag:s19] =	ssyncadd.s32 $0xFFFFC000  }
0x1ed: {  	[spmem:s6] =	stream.indirect.scatter.add.f32 [tilespmem:s3], [sflag:$0x2], $0x80, s30, s22, $0xb8;
	[tilespmem:$0xDC00] =	vst v63  }
0x1ee: {  	_ =	swait.ge [sflag:s19], $0x4000  }
0x1ef: {  	s2 =	simm.s32 $0x9B80;
	[sflag:s19] =	ssyncset.done $0x0  }
0x1f0: {  	s12 =	simm.s32 $0x9A00;
	s30 =	simm.s32 $0x9780;
	[sflag:s19] =	ssyncadd.s32 $0xFFFFC000  }
0x1f1: {  	[tilespmem:s3], [sflag:$0x2] =	stream.indirect.gather [hbm4b:s0+s22], $0x80, s30, s22, $0xb8;
	[tilespmem:$0xDC00] =	vst v63  }
0x1f2: {  	s11 =	simm.s32 $0x9A80;
	p1 =	por $0x1, $0x1;
	_ =	swait.ge [sflag:s19], $0x4000  }
.Ltmp5:
0x1f3: {  	s28 =	simm.s32 $0x9B80;
	[sflag:s19] =	ssyncset.done $0x0;
	(pc) =	sbr.rel @!p1 .LBB2_10-.Ltmp5, $4  }
0x1f4: {  	p0 =	por $0x1, $0x1;
	s24 =	simm.s32 $0x9980;
	[sflag:s19] =	ssyncadd.s32 $0xFFFFC000  }
0x1f5: {  	[spmem:s6] =	stream.indirect.scatter.add.f32 [tilespmem:s3], [sflag:$0x2], $0x80, s2, s22, $0xb8;
	[tilespmem:$0xDC00] =	vst v63  }
0x1f6: {  	s23 =	simm.s32 $0x9900;
	s25 =	simm.s32 $0x9880;
	_ =	swait.ge [sflag:s19], $0x4000  }
0x1f7: {  	s26 =	simm.s32 $0x9B00;
	s2 =	simm.s32 $0x100;
	[sflag:s19] =	ssyncset.done $0x0  }
.LBB2_11:
0x1f8: {  	s8 =	sadd.s32 s13, s20  }
0x1f9: {  	[sflag:s19] =	ssyncadd.s32 $0xFFFFC000;
	s9 =	smov.u32 s2;
	s1 =	sadd.s32 $0x80, s2  }
0x1fa: {  	[tilespmem:s31], [sflag:$0x2] =	stream.linear.gather [hbm4b:s8+s7], $0x400, $0x38;
	[tilespmem:$0xDC00] =	vst v63  }
0x1fb: {  	p1 =	sne.s32 s2, $0x200;
	_ =	swait.ge [sflag:s19], $0x400  }
0x1fc: {  	[sflag:s19] =	ssyncset.done $0x0  }
0x1fd: {  	s2 =	sadd.s32 s13, s16;
	s13 =	smov.u32 s9;
	[sflag:s19] =	ssyncadd.s32 $0xFFFFFC00  }
0x1fe: {  	[tilespmem:s21], [sflag:$0x2] =	stream.linear.gather [hbm4b:s2+s7], $0x400, $0x38;
	[tilespmem:$0xDC00] =	vst v63  }
0x1ff: {  	_ =	swait.ge [sflag:s19], $0x400  }
0x200: {  	[sflag:s19] =	ssyncset.done $0x0  }
0x201: {  	[sflag:s19] =	ssyncadd.s32 $0xFFFFFC00  }
0x202: {  	[tilespmem:s3], [sflag:$0x2] =	stream.indirect.gather [hbm4b:s0+s22], $0x80, s31, s22, $0xb8;
	[tilespmem:$0xDC00] =	vst v63  }
0x203: {  	_ =	swait.ge [sflag:s19], $0x4000  }
0x204: {  	[sflag:s19] =	ssyncset.done $0x0  }
0x205: {  	[sflag:s19] =	ssyncadd.s32 $0xFFFFC000  }
0x206: {  	[spmem:s6] =	stream.indirect.scatter.add.f32 [tilespmem:s3], [sflag:$0x2], $0x80, s21, s22, $0xb8;
	[tilespmem:$0xDC00] =	vst v63  }
0x207: {  	_ =	swait.ge [sflag:s19], $0x4000  }
0x208: {  	[sflag:s19] =	ssyncset.done $0x0  }
0x209: {  	s2 =	simm.s32 $0x9480;
	[sflag:s19] =	ssyncadd.s32 $0xFFFFC000  }
0x20a: {  	[tilespmem:s3], [sflag:$0x2] =	stream.indirect.gather [hbm4b:s0+s22], $0x80, s2, s22, $0xb8;
	[tilespmem:$0xDC00] =	vst v63  }
0x20b: {  	_ =	swait.ge [sflag:s19], $0x4000  }
0x20c: {  	[sflag:s19] =	ssyncset.done $0x0  }
0x20d: {  	[sflag:s19] =	ssyncadd.s32 $0xFFFFC000  }
0x20e: {  	[spmem:s6] =	stream.indirect.scatter.add.f32 [tilespmem:s3], [sflag:$0x2], $0x80, s25, s22, $0xb8;
	[tilespmem:$0xDC00] =	vst v63  }
0x20f: {  	_ =	swait.ge [sflag:s19], $0x4000  }
0x210: {  	[sflag:s19] =	ssyncset.done $0x0  }
0x211: {  	s2 =	simm.s32 $0x9500;
	[sflag:s19] =	ssyncadd.s32 $0xFFFFC000  }
0x212: {  	[tilespmem:s3], [sflag:$0x2] =	stream.indirect.gather [hbm4b:s0+s22], $0x80, s2, s22, $0xb8;
	[tilespmem:$0xDC00] =	vst v63  }
0x213: {  	_ =	swait.ge [sflag:s19], $0x4000  }
0x214: {  	[sflag:s19] =	ssyncset.done $0x0  }
0x215: {  	[sflag:s19] =	ssyncadd.s32 $0xFFFFC000  }
0x216: {  	[spmem:s6] =	stream.indirect.scatter.add.f32 [tilespmem:s3], [sflag:$0x2], $0x80, s23, s22, $0xb8;
	[tilespmem:$0xDC00] =	vst v63  }
0x217: {  	_ =	swait.ge [sflag:s19], $0x4000  }
0x218: {  	[sflag:s19] =	ssyncset.done $0x0  }
0x219: {  	[sflag:s19] =	ssyncadd.s32 $0xFFFFC000  }
0x21a: {  	[tilespmem:s3], [sflag:$0x2] =	stream.indirect.gather [hbm4b:s0+s22], $0x80, s29, s22, $0xb8;
	[tilespmem:$0xDC00] =	vst v63  }
0x21b: {  	_ =	swait.ge [sflag:s19], $0x4000  }
0x21c: {  	[sflag:s19] =	ssyncset.done $0x0  }
0x21d: {  	[sflag:s19] =	ssyncadd.s32 $0xFFFFC000  }
0x21e: {  	[spmem:s6] =	stream.indirect.scatter.add.f32 [tilespmem:s3], [sflag:$0x2], $0x80, s24, s22, $0xb8;
	[tilespmem:$0xDC00] =	vst v63  }
0x21f: {  	_ =	swait.ge [sflag:s19], $0x4000  }
0x220: {  	[sflag:s19] =	ssyncset.done $0x0  }
0x221: {  	[sflag:s19] =	ssyncadd.s32 $0xFFFFC000  }
0x222: {  	[tilespmem:s3], [sflag:$0x2] =	stream.indirect.gather [hbm4b:s0+s22], $0x80, s15, s22, $0xb8;
	[tilespmem:$0xDC00] =	vst v63  }
0x223: {  	_ =	swait.ge [sflag:s19], $0x4000  }
0x224: {  	[sflag:s19] =	ssyncset.done $0x0  }
0x225: {  	[sflag:s19] =	ssyncadd.s32 $0xFFFFC000  }
0x226: {  	[spmem:s6] =	stream.indirect.scatter.add.f32 [tilespmem:s3], [sflag:$0x2], $0x80, s12, s22, $0xb8;
	[tilespmem:$0xDC00] =	vst v63  }
0x227: {  	_ =	swait.ge [sflag:s19], $0x4000  }
0x228: {  	[sflag:s19] =	ssyncset.done $0x0  }
0x229: {  	[sflag:s19] =	ssyncadd.s32 $0xFFFFC000  }
0x22a: {  	[tilespmem:s3], [sflag:$0x2] =	stream.indirect.gather [hbm4b:s0+s22], $0x80, s10, s22, $0xb8;
	[tilespmem:$0xDC00] =	vst v63  }
0x22b: {  	_ =	swait.ge [sflag:s19], $0x4000  }
0x22c: {  	[sflag:s19] =	ssyncset.done $0x0  }
0x22d: {  	[sflag:s19] =	ssyncadd.s32 $0xFFFFC000  }
0x22e: {  	[spmem:s6] =	stream.indirect.scatter.add.f32 [tilespmem:s3], [sflag:$0x2], $0x80, s11, s22, $0xb8;
	[tilespmem:$0xDC00] =	vst v63  }
0x22f: {  	_ =	swait.ge [sflag:s19], $0x4000  }
0x230: {  	[sflag:s19] =	ssyncset.done $0x0  }
0x231: {  	[sflag:s19] =	ssyncadd.s32 $0xFFFFC000  }
0x232: {  	[tilespmem:s3], [sflag:$0x2] =	stream.indirect.gather [hbm4b:s0+s22], $0x80, s17, s22, $0xb8;
	[tilespmem:$0xDC00] =	vst v63  }
0x233: {  	_ =	swait.ge [sflag:s19], $0x4000  }
0x234: {  	[sflag:s19] =	ssyncset.done $0x0  }
0x235: {  	[sflag:s19] =	ssyncadd.s32 $0xFFFFC000  }
0x236: {  	[spmem:s6] =	stream.indirect.scatter.add.f32 [tilespmem:s3], [sflag:$0x2], $0x80, s26, s22, $0xb8;
	[tilespmem:$0xDC00] =	vst v63  }
0x237: {  	_ =	swait.ge [sflag:s19], $0x4000  }
0x238: {  	[sflag:s19] =	ssyncset.done $0x0  }
0x239: {  	[sflag:s19] =	ssyncadd.s32 $0xFFFFC000  }
0x23a: {  	[tilespmem:s3], [sflag:$0x2] =	stream.indirect.gather [hbm4b:s0+s22], $0x80, s30, s22, $0xb8;
	[tilespmem:$0xDC00] =	vst v63  }
0x23b: {  	_ =	swait.ge [sflag:s19], $0x4000  }
.Ltmp6:
0x23c: {  	[sflag:s19] =	ssyncset.done $0x0;
	(pc) =	sbr.rel @p1 .LBB2_11-.Ltmp6, $4  }
0x23d: {  	[sflag:s19] =	ssyncadd.s32 $0xFFFFC000  }
0x23e: {  	[spmem:s6] =	stream.indirect.scatter.add.f32 [tilespmem:s3], [sflag:$0x2], $0x80, s28, s22, $0xb8;
	[tilespmem:$0xDC00] =	vst v63  }
0x23f: {  	_ =	swait.ge [sflag:s19], $0x4000  }
0x240: {  	s2 =	smov.u32 s1;
	[sflag:s19] =	ssyncset.done $0x0  }
0x241: {  	s2 =	smov.u32 s13;
	s9 =	simm.s32 $0x8D00;
	s10 =	rddreg [dreg:$0x13]  }
0x242: {  	s8 =	simm.s32 $0x8D80;
	s15 =	rddreg [dreg:$0x18];
	s12 =	simm.s32 $0x8E80  }
0x243: {  	s17 =	simm.s32 $0x8F00;
	s11 =	simm.s32 $0x9B80;
	s30 =	simm.s32 $0x9B00  }
0x244: {  	s26 =	simm.s32 $0x9A80;
	s28 =	simm.s32 $0x9A00;
	s25 =	simm.s32 $0x9980  }
0x245: {  	s29 =	simm.s32 $0x8C00;
	s24 =	simm.s32 $0x9900;
	s23 =	simm.s32 $0x9880  }
.LBB2_13:
0x246: {  	s1 =	sadd.s32 s2, s20;
	[sflag:s19] =	ssyncadd.s32 @p0 $0xFFFFC000  }
0x247: {  	[tilespmem:s31], [sflag:$0x2] =	stream.linear.gather [hbm4b:s1+s7], $0x400, $0x38;
	[tilespmem:$0xDC00] =	vst v63  }
0x248: {  	_ =	swait.ge [sflag:s19], $0x400  }
0x249: {  	[sflag:s19] =	ssyncset.done $0x0  }
0x24a: {  	s13 =	sadd.s32 s2, s16;
	[sflag:s19] =	ssyncadd.s32 $0xFFFFFC00  }
0x24b: {  	[tilespmem:s21], [sflag:$0x2] =	stream.linear.gather [hbm4b:s13+s7], $0x400, $0x38;
	[tilespmem:$0xDC00] =	vst v63  }
0x24c: {  	_ =	swait.ge [sflag:s19], $0x400  }
0x24d: {  	[sflag:s19] =	ssyncset.done $0x0  }
0x24e: {  	[sflag:s19] =	ssyncadd.s32 $0xFFFFFC00  }
0x24f: {  	[tilespmem:s3], [sflag:$0x2] =	stream.indirect.gather [hbm4b:s0+s22], $0x80, s31, s22, $0xb8;
	[tilespmem:$0xDC00] =	vst v63  }
0x250: {  	_ =	swait.ge [sflag:s19], $0x4000  }
0x251: {  	[sflag:s19] =	ssyncset.done $0x0  }
0x252: {  	[sflag:s19] =	ssyncadd.s32 $0xFFFFC000  }
0x253: {  	[spmem:s6] =	stream.indirect.scatter.add.f32 [tilespmem:s3], [sflag:$0x2], $0x80, s21, s22, $0xb8;
	[tilespmem:$0xDC00] =	vst v63  }
0x254: {  	_ =	swait.ge [sflag:s19], $0x4000  }
0x255: {  	[sflag:s19] =	ssyncset.done $0x0  }
0x256: {  	s20 =	simm.s32 $0x9480;
	[sflag:s19] =	ssyncadd.s32 $0xFFFFC000  }
0x257: {  	[tilespmem:s3], [sflag:$0x2] =	stream.indirect.gather [hbm4b:s0+s22], $0x80, s20, s22, $0xb8;
	[tilespmem:$0xDC00] =	vst v63  }
0x258: {  	_ =	swait.ge [sflag:s19], $0x4000  }
0x259: {  	[sflag:s19] =	ssyncset.done $0x0  }
0x25a: {  	[sflag:s19] =	ssyncadd.s32 $0xFFFFC000  }
0x25b: {  	[spmem:s6] =	stream.indirect.scatter.add.f32 [tilespmem:s3], [sflag:$0x2], $0x80, s23, s22, $0xb8;
	[tilespmem:$0xDC00] =	vst v63  }
0x25c: {  	_ =	swait.ge [sflag:s19], $0x4000  }
0x25d: {  	[sflag:s19] =	ssyncset.done $0x0  }
0x25e: {  	s23 =	simm.s32 $0x9500;
	[sflag:s19] =	ssyncadd.s32 $0xFFFFC000  }
0x25f: {  	[tilespmem:s3], [sflag:$0x2] =	stream.indirect.gather [hbm4b:s0+s22], $0x80, s23, s22, $0xb8;
	[tilespmem:$0xDC00] =	vst v63  }
0x260: {  	_ =	swait.ge [sflag:s19], $0x4000  }
0x261: {  	[sflag:s19] =	ssyncset.done $0x0  }
0x262: {  	[sflag:s19] =	ssyncadd.s32 $0xFFFFC000  }
0x263: {  	[spmem:s6] =	stream.indirect.scatter.add.f32 [tilespmem:s3], [sflag:$0x2], $0x80, s24, s22, $0xb8;
	[tilespmem:$0xDC00] =	vst v63  }
0x264: {  	_ =	swait.ge [sflag:s19], $0x4000  }
0x265: {  	[sflag:s19] =	ssyncset.done $0x0  }
0x266: {  	s24 =	simm.s32 $0x9580;
	[sflag:s19] =	ssyncadd.s32 $0xFFFFC000  }
0x267: {  	[tilespmem:s3], [sflag:$0x2] =	stream.indirect.gather [hbm4b:s0+s22], $0x80, s24, s22, $0xb8;
	[tilespmem:$0xDC00] =	vst v63  }
0x268: {  	_ =	swait.ge [sflag:s19], $0x4000  }
0x269: {  	[sflag:s19] =	ssyncset.done $0x0  }
0x26a: {  	[sflag:s19] =	ssyncadd.s32 $0xFFFFC000  }
0x26b: {  	[spmem:s6] =	stream.indirect.scatter.add.f32 [tilespmem:s3], [sflag:$0x2], $0x80, s25, s22, $0xb8;
	[tilespmem:$0xDC00] =	vst v63  }
0x26c: {  	_ =	swait.ge [sflag:s19], $0x4000  }
0x26d: {  	[sflag:s19] =	ssyncset.done $0x0  }
0x26e: {  	s25 =	simm.s32 $0x9600;
	[sflag:s19] =	ssyncadd.s32 $0xFFFFC000  }
0x26f: {  	[tilespmem:s3], [sflag:$0x2] =	stream.indirect.gather [hbm4b:s0+s22], $0x80, s25, s22, $0xb8;
	[tilespmem:$0xDC00] =	vst v63  }
0x270: {  	_ =	swait.ge [sflag:s19], $0x4000  }
0x271: {  	[sflag:s19] =	ssyncset.done $0x0  }
0x272: {  	[sflag:s19] =	ssyncadd.s32 $0xFFFFC000  }
0x273: {  	[spmem:s6] =	stream.indirect.scatter.add.f32 [tilespmem:s3], [sflag:$0x2], $0x80, s28, s22, $0xb8;
	[tilespmem:$0xDC00] =	vst v63  }
0x274: {  	_ =	swait.ge [sflag:s19], $0x4000  }
0x275: {  	[sflag:s19] =	ssyncset.done $0x0  }
0x276: {  	s31 =	simm.s32 $0x9680;
	[sflag:s19] =	ssyncadd.s32 $0xFFFFC000  }
0x277: {  	[tilespmem:s3], [sflag:$0x2] =	stream.indirect.gather [hbm4b:s0+s22], $0x80, s31, s22, $0xb8;
	[tilespmem:$0xDC00] =	vst v63  }
0x278: {  	_ =	swait.ge [sflag:s19], $0x4000  }
0x279: {  	[sflag:s19] =	ssyncset.done $0x0  }
0x27a: {  	[sflag:s19] =	ssyncadd.s32 $0xFFFFC000  }
0x27b: {  	[spmem:s6] =	stream.indirect.scatter.add.f32 [tilespmem:s3], [sflag:$0x2], $0x80, s26, s22, $0xb8;
	[tilespmem:$0xDC00] =	vst v63  }
0x27c: {  	_ =	swait.ge [sflag:s19], $0x4000  }
0x27d: {  	[sflag:s19] =	ssyncset.done $0x0  }
0x27e: {  	s2 =	simm.s32 $0x9700;
	[sflag:s19] =	ssyncadd.s32 $0xFFFFC000  }
0x27f: {  	[tilespmem:s3], [sflag:$0x2] =	stream.indirect.gather [hbm4b:s0+s22], $0x80, s2, s22, $0xb8;
	[tilespmem:$0xDC00] =	vst v63  }
0x280: {  	_ =	swait.ge [sflag:s19], $0x4000  }
0x281: {  	[sflag:s19] =	ssyncset.done $0x0  }
0x282: {  	[sflag:s19] =	ssyncadd.s32 $0xFFFFC000  }
0x283: {  	[spmem:s6] =	stream.indirect.scatter.add.f32 [tilespmem:s3], [sflag:$0x2], $0x80, s30, s22, $0xb8;
	[tilespmem:$0xDC00] =	vst v63  }
0x284: {  	_ =	swait.ge [sflag:s19], $0x4000  }
0x285: {  	[sflag:s19] =	ssyncset.done $0x0  }
0x286: {  	s13 =	simm.s32 $0x9780;
	[sflag:s19] =	ssyncadd.s32 $0xFFFFC000  }
0x287: {  	[tilespmem:s3], [sflag:$0x2] =	stream.indirect.gather [hbm4b:s0+s22], $0x80, s13, s22, $0xb8;
	[tilespmem:$0xDC00] =	vst v63  }
0x288: {  	_ =	swait.ge [sflag:s19], $0x4000  }
0x289: {  	[sflag:s19] =	ssyncset.done $0x0  }
0x28a: {  	[sflag:s19] =	ssyncadd.s32 $0xFFFFC000  }
0x28b: {  	[spmem:s6] =	stream.indirect.scatter.add.f32 [tilespmem:s3], [sflag:$0x2], $0x80, s11, s22, $0xb8;
	[tilespmem:$0xDC00] =	vst v63  }
0x28c: {  	_ =	swait.ge [sflag:s19], $0x4000  }
0x28d: {  	[sflag:s19] =	ssyncset.done $0x0  }
0x28e: {  	[sflag:s19] =	ssyncadd.s32 $0xFFFFC000  }
0x28f: {  	[bflag:$0x0] =	sbarrier.arrive $0xFFFF  }
0x290: {  	s20 =	rddreg [dreg:$0xf]  }
0x291: {  	s23 =	rddreg [dreg:$0x14]  }
0x292: {  	s24 =	rddreg [dreg:$0x15]  }
0x293: {  	[hbm:s20], [sflag:s23] =	dma.local [spmem:s24], $0x2800  }
0x294: {  	_ =	swait.ge [sflag:s19], $0x2800  }
0x295: {  	[sflag:s19] =	ssyncset.done $0x0;
	s25 =	rddreg [dreg:$0x10]  }
0x296: {  	s26 =	rddreg [dreg:$0x16];
	[sflag:s19] =	ssyncadd.s32 $0xFFFFD800  }
0x297: {  	[hbm:s25], [sflag:s23] =	dma.local [spmem:s26], $0x400  }
0x298: {  	_ =	swait.ge [sflag:s19], $0x400  }
0x299: {  	[sflag:s19] =	ssyncset.done $0x0;
	s28 =	rddreg [dreg:$0x11]  }
0x29a: {  	s30 =	rddreg [dreg:$0x17];
	[sflag:s19] =	ssyncadd.s32 $0xFFFFFC00  }
0x29b: {  	[hbm:s28], [sflag:s23] =	dma.local [spmem:s30], $0x400  }
0x29c: {  	_ =	swait.ge [sflag:s19], $0x400  }
0x29d: {  	s10 =	sadd.s32 $0x1, s10;
	s31 =	rddreg [dreg:$0xe]  }
0x29e: {  	p0 =	sne.s32 s10, s31  }
.Ltmp7:
0x29f: {  	_ = 	snop;
	(pc) =	sbr.rel @p0 .LBB2_1-.Ltmp7, $4  }
.Ltmp8:
0x2a0: {  	_ = 	snop;
	(pc) =	sbr.rel @!p0 .LBB2_14-.Ltmp8, $4  }
0x2a1: {  	_ = 	snop  }
0x2a2: {  	[sflag:s19] =	ssyncset.done $0x0  }
0x2a3: {  	s2 =	simm.s32 $0x8E00;
	s13 =	simm.s32 $0x8F80;
	[sflag:s19] =	ssyncadd.s32 $0xFFFFFC00  }
0x2a4: {  	_ = 	snop  }
.LBB2_5:
.Ltmp9:
0x2a5: {  	(pc) =	sbr.rel .LBB2_8-.Ltmp9, $2  }
0x2a6: {  	_ =	sdelay $0x2  }
0x2a7: {  	s1 =	simm.s32 $0x80;
	s9 =	simm.s32 $0x8D00;
	s8 =	simm.s32 $0x8D80  }
.LBB2_10:
0x2a8: {  	s2 =	simm.s32 $0x80  }
.Ltmp10:
0x2a9: {  	s9 =	simm.s32 $0x8D00;
	s10 =	rddreg [dreg:$0x13];
	(pc) =	sbr.rel .LBB2_13-.Ltmp10, $4  }
0x2aa: {  	s8 =	simm.s32 $0x8D80;
	s15 =	rddreg [dreg:$0x18];
	s12 =	simm.s32 $0x8E80  }
0x2ab: {  	s17 =	simm.s32 $0x8F00;
	s11 =	simm.s32 $0x9B80;
	s30 =	simm.s32 $0x9B00  }
0x2ac: {  	s26 =	simm.s32 $0x9A80;
	s28 =	simm.s32 $0x9A00;
	s25 =	simm.s32 $0x9980  }
0x2ad: {  	s29 =	simm.s32 $0x8C00;
	s24 =	simm.s32 $0x9900;
	s23 =	simm.s32 $0x9880  }
.LBB2_14:
0x2ae: {  	_ =	sfence.sel $0x180000  }
0x2af: {  	[bflag:$0x0] =	sbarrier.arrive $0xFFFF  }
0x2b0: {  	_ =	strace $0x90000047  }
0x2b1: {  	s0 =	stileid.u32;
	[bflag:$0x2] =	sbarrier.arrive $0xFFFF  }
0x2b2: {  	p0 =	sne.s32 s0, $0x0;
	s0 =	rddreg [dreg:$0x7]  }
0x2b3: {  	s0 =	sadd.s32 @!p0 $0x100000, s0  }
0x2b4: {  	[sflag:s0] =	ssyncadd.tile.s32 @!p0 $0x1;
	_ =	shalt  }
.Lfunc_end2:
_tile_overlayer_lowered:
.L_overlay_start_2:
0x2b5: {  	(tag) =	ssettag $0x2  }
0x2b6: {  	s0 =	rddreg [dreg:$0x0];
	s2 =	stileid.u32  }
0x2b7: {  	s1 =	rddreg [dreg:$0x1];
	p0 =	sne.s32 s2, $0x0  }
0x2b8: {  	s3 =	rddreg [dreg:$0x2];
	[bflag:$0x3] =	sbarrier.arrive $0xFFFF;
	s2 =	simm.s32 @!p0 $0x1C02  }
0x2b9: {  	[timem:s3], [sflag:s2] =	dma.local @!p0 [hbm:s0], s1  }
0x2ba: {  	s0 =	simm.s32 @!p0 $0x2  }
0x2bb: {  	_ =	swait.ge @!p0 [sflag:s0], s1  }
0x2bc: {  	s1 =	ssub.s32 @!p0 $0x0, s1;
	[sflag:s0] =	ssyncset.done @!p0 $0x0  }
0x2bd: {  	[sflag:s0] =	ssyncadd.s32 @!p0 s1  }
0x2be: {  	[bflag:$0x3] =	sbarrier.arrive $0xFFFF  }
0x2bf: {  	_ =	shalt  }

</sc_bundles>
